<compile_context>
chip_gen: v7x
topology: tpu7x:2x2x1
jax: 0.10.2.dev20260603
libtpu: 0.0.44.dev20260713+nightly
codegen_flags: <defaults>
</compile_context>

<pallas_src>
import functools

import jax
import jax.numpy as jnp
from jax import lax
from jax.experimental import pallas as pl
from jax.experimental.pallas import tpu as pltpu
from jax.experimental.pallas import tpu_sc as plsc

OUT_DIM = 4096
NC = 2
NS = 16
LANES = 16
CHUNK = 16


def _spmm_kernel(in_dim1, bh, n_per_tile,
                 stacked_hbm, rows_hbm, cols_hbm, vals_hbm, out_hbm,
                 rows_v, cols_v, vals_v, gbuf, sbuf, acc, gsem):
    cid = lax.axis_index("c")
    sid = lax.axis_index("s")

    base = sid * n_per_tile
    pltpu.sync_copy(rows_hbm.at[pl.ds(base, n_per_tile)], rows_v)
    pltpu.sync_copy(cols_hbm.at[pl.ds(base, n_per_tile)], cols_v)
    pltpu.sync_copy(vals_hbm.at[pl.ds(base, n_per_tile)], vals_v)

    zero16 = jnp.zeros((LANES,), jnp.float32)
    for j in range(CHUNK):
        for q in range(bh // LANES):
            sbuf[j, pl.ds(q * LANES, LANES)] = zero16
    rows_per_tile = OUT_DIM // NS
    for t in range(rows_per_tile // CHUNK):
        pltpu.sync_copy(sbuf, acc.at[pl.ds(sid * rows_per_tile + t * CHUNK, CHUNK)])
    plsc.subcore_barrier()

    col_off = cid * in_dim1

    def body(i, carry):
        off = i * CHUNK
        cvec = cols_v[pl.ds(off, CHUNK)] + col_off
        rvec = rows_v[pl.ds(off, CHUNK)]
        vvec = vals_v[pl.ds(off, CHUNK)]
        pltpu.async_copy(stacked_hbm.at[cvec], gbuf, gsem).wait()
        for j in range(CHUNK):
            s = jnp.full((LANES,), vvec[j], jnp.float32)
            for q in range(bh // LANES):
                sl = pl.ds(q * LANES, LANES)
                sbuf[j, sl] = gbuf[j, sl] * s
        pltpu.sync_copy(sbuf, acc.at[rvec], add=True)
        return carry

    lax.fori_loop(0, n_per_tile // CHUNK, body, 0)

    plsc.subcore_barrier()
    pltpu.sync_copy(
        acc.at[pl.ds(sid * rows_per_tile, rows_per_tile)],
        out_hbm.at[pl.ds(cid * OUT_DIM + sid * rows_per_tile, rows_per_tile)])


def kernel(input, weight_indices, weight_values, bias_indices, bias_values):
    b, in_dim = input.shape
    bh = b // NC
    in_dim1 = in_dim + 1

    inp2 = jnp.concatenate(
        [input, jnp.ones((b, 1), input.dtype)], axis=1).T
    stacked = jnp.concatenate([inp2[:, :bh], inp2[:, bh:]], axis=0)

    rows_all = jnp.concatenate([weight_indices[0], bias_indices[0]])
    cols_all = jnp.concatenate(
        [weight_indices[1], jnp.full(bias_values.shape, in_dim, jnp.int32)])
    vals_all = jnp.concatenate([weight_values, bias_values])

    n = rows_all.shape[0]
    n_per_tile = -(-n // NS)
    n_per_tile = -(-n_per_tile // CHUNK) * CHUNK
    n_pad = NS * n_per_tile
    pad = n_pad - n
    rows_all = jnp.pad(rows_all, (0, pad))
    cols_all = jnp.pad(cols_all, (0, pad))
    vals_all = jnp.pad(vals_all, (0, pad))

    mesh = plsc.VectorSubcoreMesh(
        core_axis_name="c", subcore_axis_name="s",
        num_cores=NC, num_subcores=NS)
    out_t = pl.kernel(
        functools.partial(_spmm_kernel, in_dim1, bh, n_per_tile),
        out_type=jax.ShapeDtypeStruct((NC * OUT_DIM, bh), jnp.float32),
        mesh=mesh,
        scratch_types=[
            pltpu.VMEM((n_per_tile,), jnp.int32),
            pltpu.VMEM((n_per_tile,), jnp.int32),
            pltpu.VMEM((n_per_tile,), jnp.float32),
            pltpu.VMEM((CHUNK, bh), jnp.float32),
            pltpu.VMEM((CHUNK, bh), jnp.float32),
            pltpu.VMEM_SHARED((OUT_DIM, bh), jnp.float32),
            pltpu.SemaphoreType.DMA,
        ],
    )(stacked, rows_all, cols_all, vals_all)

    return jnp.concatenate([out_t[:OUT_DIM].T, out_t[OUT_DIM:].T], axis=0)

# --- scband reference (transcript-rebuilt; emitter-appended) ---
"""Pipeline reference for scband-expanding-linear-80968723464888 (READ-ONLY COPY).

The authoritative reference and input builder live on the scoring server;
editing this copy changes nothing except your own understanding.
"""

import jax, jax.numpy as jnp
import numpy as np

OUT_DIM = 4096
IN_DIM = 4096
NNZ = 167772
BATCH = 256
BIAS_NNZ = 2048


def setup_inputs(seed: int = 0):
    key = jax.random.key(seed)
    k1, k2, k3, k4, k5, k6 = jax.random.split(key, 6)
    inp = jax.random.normal(k1, (BATCH, IN_DIM), dtype=jnp.float32)
    rows = jax.random.randint(k2, (NNZ,), 0, OUT_DIM, dtype=jnp.int32)
    cols = jax.random.randint(k3, (NNZ,), 0, IN_DIM, dtype=jnp.int32)
    weight_indices = jnp.stack([rows, cols], axis=0)
    weight_values = jax.random.normal(k4, (NNZ,), dtype=jnp.float32)
    bias_indices = jax.random.randint(k5, (1, BIAS_NNZ), 0, OUT_DIM, dtype=jnp.int32)
    bias_values = jax.random.normal(k6, (BIAS_NNZ,), dtype=jnp.float32)
    return {
        "input": inp,
        "weight_indices": weight_indices,
        "weight_values": weight_values,
        "bias_indices": bias_indices,
        "bias_values": bias_values,
    }


def reference(input, weight_indices, weight_values, bias_indices, bias_values):
    # ExpandingLinear.forward with last_iteration == -1 (freshly constructed,
    # no replace() calls), so the embed_linears loop is a no-op.
    rows = weight_indices[0]
    cols = weight_indices[1]
    # sparse.mm(W_sparse, input.T).T : out[b, r] = sum_k v[k] * input[b, c[k]] scattered to r[k]
    gathered = jnp.take(input, cols, axis=1)              # [B, nnz]
    contrib = gathered * weight_values[None, :]           # [B, nnz]
    out_t = jax.ops.segment_sum(contrib.T, rows, num_segments=OUT_DIM)  # [OUT, B]
    output = out_t.T                                       # [B, OUT]
    # sparse bias -> dense (COO duplicates sum on coalesce/to_dense semantics)
    bias_dense = jnp.zeros((OUT_DIM,), dtype=bias_values.dtype).at[bias_indices[0]].add(bias_values)
    output = output + bias_dense[None, :]
    return output

if __name__ == "__main__":
    import jax
    _d = setup_inputs()
    print(jax.jit(kernel)(*tuple(_d.values())))

</pallas_src>

<mosaic_0001>
#map = affine_map<(d0, d1) -> (0, 0)>
#map1 = affine_map<(d0, d1) -> (0)>
module attributes {stable_mosaic.version = 14 : i64} {
  func.func @_spmm_kernel(%arg0: i32, %arg1: i32, %arg2: memref<8194x128xf32, #tpu.memory_space<hbm>>, %arg3: memref<169984xi32, #tpu.memory_space<hbm>>, %arg4: memref<169984xi32, #tpu.memory_space<hbm>>, %arg5: memref<169984xf32, #tpu.memory_space<hbm>>, %arg6: memref<8192x128xf32, #tpu.memory_space<hbm>>, %arg7: memref<10624xi32, #tpu.memory_space<vmem>>, %arg8: memref<10624xi32, #tpu.memory_space<vmem>>, %arg9: memref<10624xf32, #tpu.memory_space<vmem>>, %arg10: memref<16x128xf32, #tpu.memory_space<vmem>>, %arg11: memref<16x128xf32, #tpu.memory_space<vmem>>, %arg12: memref<4096x128xf32, #tpu.memory_space<vmem_shared>>, %arg13: memref<!tpu.dma_semaphore, #tpu.memory_space<semaphore_mem>>) attributes {dimension_semantics = [#tpu.dimension_semantics<core_parallel>, #tpu.dimension_semantics<subcore_parallel>], iteration_bounds = array<i64: 2, 16>, scalar_prefetch = 0 : i64, scratch_operands = 7 : i64, tpu.core_type = #tpu.core_type<sc_vector_subcore>, window_params = [{transform_indices = #map}, {transform_indices = #map1}, {transform_indices = #map1}, {transform_indices = #map1}, {transform_indices = #map}]} {
    %mul3A = arith.constant 10624 : i32
    %mul3A_0 = arith.muli %arg1, %mul3A : i32
    "tpu.region"() ({
      %run_scoped3A = tpu.sem_alloc : memref<!tpu.dma_semaphore, #tpu.memory_space<semaphore_mem>>
      %dma_start3A = tpu.memref_slice %arg3[%mul3A_0] : memref<169984xi32, #tpu.memory_space<hbm>> -> memref<10624xi32, #tpu.memory_space<hbm>>
      %dma_start3A_847 = tpu.memref_slice %arg3[%mul3A_0] : memref<169984xi32, #tpu.memory_space<hbm>> -> memref<10624xi32, #tpu.memory_space<hbm>>
      tpu.enqueue_dma source(%dma_start3A_847 : memref<10624xi32, #tpu.memory_space<hbm>>) target(%arg7 : memref<10624xi32, #tpu.memory_space<vmem>>) target_semaphore(%run_scoped3A : memref<!tpu.dma_semaphore, #tpu.memory_space<semaphore_mem>>)
      %dma_wait3A = tpu.memref_slice %arg3[%mul3A_0] : memref<169984xi32, #tpu.memory_space<hbm>> -> memref<10624xi32, #tpu.memory_space<hbm>>
      %dma_wait3A_848 = tpu.memref_slice %arg3[%mul3A_0] : memref<169984xi32, #tpu.memory_space<hbm>> -> memref<10624xi32, #tpu.memory_space<hbm>>
      tpu.wait_dma2 semaphore(%run_scoped3A : memref<!tpu.dma_semaphore, #tpu.memory_space<semaphore_mem>>) src(%dma_wait3A_848 : memref<10624xi32, #tpu.memory_space<hbm>>) dst(%arg7 : memref<10624xi32, #tpu.memory_space<vmem>>)
      tpu.yield
    }) : () -> ()
    "tpu.region"() ({
      %run_scoped3A = tpu.sem_alloc : memref<!tpu.dma_semaphore, #tpu.memory_space<semaphore_mem>>
      %dma_start3A = tpu.memref_slice %arg4[%mul3A_0] : memref<169984xi32, #tpu.memory_space<hbm>> -> memref<10624xi32, #tpu.memory_space<hbm>>
      %dma_start3A_847 = tpu.memref_slice %arg4[%mul3A_0] : memref<169984xi32, #tpu.memory_space<hbm>> -> memref<10624xi32, #tpu.memory_space<hbm>>
      tpu.enqueue_dma source(%dma_start3A_847 : memref<10624xi32, #tpu.memory_space<hbm>>) target(%arg8 : memref<10624xi32, #tpu.memory_space<vmem>>) target_semaphore(%run_scoped3A : memref<!tpu.dma_semaphore, #tpu.memory_space<semaphore_mem>>)
      %dma_wait3A = tpu.memref_slice %arg4[%mul3A_0] : memref<169984xi32, #tpu.memory_space<hbm>> -> memref<10624xi32, #tpu.memory_space<hbm>>
      %dma_wait3A_848 = tpu.memref_slice %arg4[%mul3A_0] : memref<169984xi32, #tpu.memory_space<hbm>> -> memref<10624xi32, #tpu.memory_space<hbm>>
      tpu.wait_dma2 semaphore(%run_scoped3A : memref<!tpu.dma_semaphore, #tpu.memory_space<semaphore_mem>>) src(%dma_wait3A_848 : memref<10624xi32, #tpu.memory_space<hbm>>) dst(%arg8 : memref<10624xi32, #tpu.memory_space<vmem>>)
      tpu.yield
    }) : () -> ()
    "tpu.region"() ({
      %run_scoped3A = tpu.sem_alloc : memref<!tpu.dma_semaphore, #tpu.memory_space<semaphore_mem>>
      %dma_start3A = tpu.memref_slice %arg5[%mul3A_0] : memref<169984xf32, #tpu.memory_space<hbm>> -> memref<10624xf32, #tpu.memory_space<hbm>>
      %dma_start3A_847 = tpu.memref_slice %arg5[%mul3A_0] : memref<169984xf32, #tpu.memory_space<hbm>> -> memref<10624xf32, #tpu.memory_space<hbm>>
      tpu.enqueue_dma source(%dma_start3A_847 : memref<10624xf32, #tpu.memory_space<hbm>>) target(%arg9 : memref<10624xf32, #tpu.memory_space<vmem>>) target_semaphore(%run_scoped3A : memref<!tpu.dma_semaphore, #tpu.memory_space<semaphore_mem>>)
      %dma_wait3A = tpu.memref_slice %arg5[%mul3A_0] : memref<169984xf32, #tpu.memory_space<hbm>> -> memref<10624xf32, #tpu.memory_space<hbm>>
      %dma_wait3A_848 = tpu.memref_slice %arg5[%mul3A_0] : memref<169984xf32, #tpu.memory_space<hbm>> -> memref<10624xf32, #tpu.memory_space<hbm>>
      tpu.wait_dma2 semaphore(%run_scoped3A : memref<!tpu.dma_semaphore, #tpu.memory_space<semaphore_mem>>) src(%dma_wait3A_848 : memref<10624xf32, #tpu.memory_space<hbm>>) dst(%arg9 : memref<10624xf32, #tpu.memory_space<vmem>>)
      tpu.yield
    }) : () -> ()
    %broadcast_in_dim3A = arith.constant 0.000000e+00 : f32
    %broadcast_in_dim3A_1 = vector.broadcast %broadcast_in_dim3A : f32 to vector<16xf32>
    %swap3A = arith.constant 0 : i32
    %swap3A_2 = arith.index_cast %swap3A : i32 to index
    %swap3A_3 = arith.constant 0 : index
    %swap3A_4 = tpu.vector_load %arg11[%swap3A_2, %swap3A_3] {strides = array<i32>} : memref<16x128xf32, #tpu.memory_space<vmem>>, vector<1x16xf32>,
    %swap3A_5 = vector.shape_cast %swap3A_4 : vector<1x16xf32> to vector<16xf32>
    %swap3A_6 = vector.shape_cast %broadcast_in_dim3A_1 : vector<16xf32> to vector<1x16xf32>
    tpu.vector_store %arg11[%swap3A_2, %swap3A_3], %swap3A_6 {strides = array<i32>} : memref<16x128xf32, #tpu.memory_space<vmem>>, vector<1x16xf32>,
    %swap3A_7 = arith.constant 0 : i32
    %swap3A_8 = arith.index_cast %swap3A_7 : i32 to index
    %swap3A_9 = arith.constant 16 : index
    %swap3A_10 = tpu.vector_load %arg11[%swap3A_8, %swap3A_9] {strides = array<i32>} : memref<16x128xf32, #tpu.memory_space<vmem>>, vector<1x16xf32>,
    %swap3A_11 = vector.shape_cast %swap3A_10 : vector<1x16xf32> to vector<16xf32>
    %swap3A_12 = vector.shape_cast %broadcast_in_dim3A_1 : vector<16xf32> to vector<1x16xf32>
    tpu.vector_store %arg11[%swap3A_8, %swap3A_9], %swap3A_12 {strides = array<i32>} : memref<16x128xf32, #tpu.memory_space<vmem>>, vector<1x16xf32>,
    %swap3A_13 = arith.constant 0 : i32
    %swap3A_14 = arith.index_cast %swap3A_13 : i32 to index
    %swap3A_15 = arith.constant 32 : index
    %swap3A_16 = tpu.vector_load %arg11[%swap3A_14, %swap3A_15] {strides = array<i32>} : memref<16x128xf32, #tpu.memory_space<vmem>>, vector<1x16xf32>,
    %swap3A_17 = vector.shape_cast %swap3A_16 : vector<1x16xf32> to vector<16xf32>
    %swap3A_18 = vector.shape_cast %broadcast_in_dim3A_1 : vector<16xf32> to vector<1x16xf32>
    tpu.vector_store %arg11[%swap3A_14, %swap3A_15], %swap3A_18 {strides = array<i32>} : memref<16x128xf32, #tpu.memory_space<vmem>>, vector<1x16xf32>,
    %swap3A_19 = arith.constant 0 : i32
    %swap3A_20 = arith.index_cast %swap3A_19 : i32 to index
    %swap3A_21 = arith.constant 48 : index
    %swap3A_22 = tpu.vector_load %arg11[%swap3A_20, %swap3A_21] {strides = array<i32>} : memref<16x128xf32, #tpu.memory_space<vmem>>, vector<1x16xf32>,
    %swap3A_23 = vector.shape_cast %swap3A_22 : vector<1x16xf32> to vector<16xf32>
    %swap3A_24 = vector.shape_cast %broadcast_in_dim3A_1 : vector<16xf32> to vector<1x16xf32>
    tpu.vector_store %arg11[%swap3A_20, %swap3A_21], %swap3A_24 {strides = array<i32>} : memref<16x128xf32, #tpu.memory_space<vmem>>, vector<1x16xf32>,
    %swap3A_25 = arith.constant 0 : i32
    %swap3A_26 = arith.index_cast %swap3A_25 : i32 to index
    %swap3A_27 = arith.constant 64 : index
    %swap3A_28 = tpu.vector_load %arg11[%swap3A_26, %swap3A_27] {strides = array<i32>} : memref<16x128xf32, #tpu.memory_space<vmem>>, vector<1x16xf32>,
    %swap3A_29 = vector.shape_cast %swap3A_28 : vector<1x16xf32> to vector<16xf32>
    %swap3A_30 = vector.shape_cast %broadcast_in_dim3A_1 : vector<16xf32> to vector<1x16xf32>
    tpu.vector_store %arg11[%swap3A_26, %swap3A_27], %swap3A_30 {strides = array<i32>} : memref<16x128xf32, #tpu.memory_space<vmem>>, vector<1x16xf32>,
    %swap3A_31 = arith.constant 0 : i32
    %swap3A_32 = arith.index_cast %swap3A_31 : i32 to index
    %swap3A_33 = arith.constant 80 : index
    %swap3A_34 = tpu.vector_load %arg11[%swap3A_32, %swap3A_33] {strides = array<i32>} : memref<16x128xf32, #tpu.memory_space<vmem>>, vector<1x16xf32>,
    %swap3A_35 = vector.shape_cast %swap3A_34 : vector<1x16xf32> to vector<16xf32>
    %swap3A_36 = vector.shape_cast %broadcast_in_dim3A_1 : vector<16xf32> to vector<1x16xf32>
    tpu.vector_store %arg11[%swap3A_32, %swap3A_33], %swap3A_36 {strides = array<i32>} : memref<16x128xf32, #tpu.memory_space<vmem>>, vector<1x16xf32>,
    %swap3A_37 = arith.constant 0 : i32
    %swap3A_38 = arith.index_cast %swap3A_37 : i32 to index
    %swap3A_39 = arith.constant 96 : index
    %swap3A_40 = tpu.vector_load %arg11[%swap3A_38, %swap3A_39] {strides = array<i32>} : memref<16x128xf32, #tpu.memory_space<vmem>>, vector<1x16xf32>,
    %swap3A_41 = vector.shape_cast %swap3A_40 : vector<1x16xf32> to vector<16xf32>
    %swap3A_42 = vector.shape_cast %broadcast_in_dim3A_1 : vector<16xf32> to vector<1x16xf32>
    tpu.vector_store %arg11[%swap3A_38, %swap3A_39], %swap3A_42 {strides = array<i32>} : memref<16x128xf32, #tpu.memory_space<vmem>>, vector<1x16xf32>,
    %swap3A_43 = arith.constant 0 : i32
    %swap3A_44 = arith.index_cast %swap3A_43 : i32 to index
    %swap3A_45 = arith.constant 112 : index
    %swap3A_46 = tpu.vector_load %arg11[%swap3A_44, %swap3A_45] {strides = array<i32>} : memref<16x128xf32, #tpu.memory_space<vmem>>, vector<1x16xf32>,
    %swap3A_47 = vector.shape_cast %swap3A_46 : vector<1x16xf32> to vector<16xf32>
    %swap3A_48 = vector.shape_cast %broadcast_in_dim3A_1 : vector<16xf32> to vector<1x16xf32>
    tpu.vector_store %arg11[%swap3A_44, %swap3A_45], %swap3A_48 {strides = array<i32>} : memref<16x128xf32, #tpu.memory_space<vmem>>, vector<1x16xf32>,
    %swap3A_49 = arith.constant 1 : i32
    %swap3A_50 = arith.index_cast %swap3A_49 : i32 to index
    %swap3A_51 = arith.constant 0 : index
    %swap3A_52 = tpu.vector_load %arg11[%swap3A_50, %swap3A_51] {strides = array<i32>} : memref<16x128xf32, #tpu.memory_space<vmem>>, vector<1x16xf32>,
    %swap3A_53 = vector.shape_cast %swap3A_52 : vector<1x16xf32> to vector<16xf32>
    %swap3A_54 = vector.shape_cast %broadcast_in_dim3A_1 : vector<16xf32> to vector<1x16xf32>
    tpu.vector_store %arg11[%swap3A_50, %swap3A_51], %swap3A_54 {strides = array<i32>} : memref<16x128xf32, #tpu.memory_space<vmem>>, vector<1x16xf32>,
    %swap3A_55 = arith.constant 1 : i32
    %swap3A_56 = arith.index_cast %swap3A_55 : i32 to index
    %swap3A_57 = arith.constant 16 : index
    %swap3A_58 = tpu.vector_load %arg11[%swap3A_56, %swap3A_57] {strides = array<i32>} : memref<16x128xf32, #tpu.memory_space<vmem>>, vector<1x16xf32>,
    %swap3A_59 = vector.shape_cast %swap3A_58 : vector<1x16xf32> to vector<16xf32>
    %swap3A_60 = vector.shape_cast %broadcast_in_dim3A_1 : vector<16xf32> to vector<1x16xf32>
    tpu.vector_store %arg11[%swap3A_56, %swap3A_57], %swap3A_60 {strides = array<i32>} : memref<16x128xf32, #tpu.memory_space<vmem>>, vector<1x16xf32>,
    %swap3A_61 = arith.constant 1 : i32
    %swap3A_62 = arith.index_cast %swap3A_61 : i32 to index
    %swap3A_63 = arith.constant 32 : index
    %swap3A_64 = tpu.vector_load %arg11[%swap3A_62, %swap3A_63] {strides = array<i32>} : memref<16x128xf32, #tpu.memory_space<vmem>>, vector<1x16xf32>,
    %swap3A_65 = vector.shape_cast %swap3A_64 : vector<1x16xf32> to vector<16xf32>
    %swap3A_66 = vector.shape_cast %broadcast_in_dim3A_1 : vector<16xf32> to vector<1x16xf32>
    tpu.vector_store %arg11[%swap3A_62, %swap3A_63], %swap3A_66 {strides = array<i32>} : memref<16x128xf32, #tpu.memory_space<vmem>>, vector<1x16xf32>,
    %swap3A_67 = arith.constant 1 : i32
    %swap3A_68 = arith.index_cast %swap3A_67 : i32 to index
    %swap3A_69 = arith.constant 48 : index
    %swap3A_70 = tpu.vector_load %arg11[%swap3A_68, %swap3A_69] {strides = array<i32>} : memref<16x128xf32, #tpu.memory_space<vmem>>, vector<1x16xf32>,
    %swap3A_71 = vector.shape_cast %swap3A_70 : vector<1x16xf32> to vector<16xf32>
    %swap3A_72 = vector.shape_cast %broadcast_in_dim3A_1 : vector<16xf32> to vector<1x16xf32>
    tpu.vector_store %arg11[%swap3A_68, %swap3A_69], %swap3A_72 {strides = array<i32>} : memref<16x128xf32, #tpu.memory_space<vmem>>, vector<1x16xf32>,
    %swap3A_73 = arith.constant 1 : i32
    %swap3A_74 = arith.index_cast %swap3A_73 : i32 to index
    %swap3A_75 = arith.constant 64 : index
    %swap3A_76 = tpu.vector_load %arg11[%swap3A_74, %swap3A_75] {strides = array<i32>} : memref<16x128xf32, #tpu.memory_space<vmem>>, vector<1x16xf32>,
    %swap3A_77 = vector.shape_cast %swap3A_76 : vector<1x16xf32> to vector<16xf32>
    %swap3A_78 = vector.shape_cast %broadcast_in_dim3A_1 : vector<16xf32> to vector<1x16xf32>
    tpu.vector_store %arg11[%swap3A_74, %swap3A_75], %swap3A_78 {strides = array<i32>} : memref<16x128xf32, #tpu.memory_space<vmem>>, vector<1x16xf32>,
    %swap3A_79 = arith.constant 1 : i32
    %swap3A_80 = arith.index_cast %swap3A_79 : i32 to index
    %swap3A_81 = arith.constant 80 : index
    %swap3A_82 = tpu.vector_load %arg11[%swap3A_80, %swap3A_81] {strides = array<i32>} : memref<16x128xf32, #tpu.memory_space<vmem>>, vector<1x16xf32>,
    %swap3A_83 = vector.shape_cast %swap3A_82 : vector<1x16xf32> to vector<16xf32>
    %swap3A_84 = vector.shape_cast %broadcast_in_dim3A_1 : vector<16xf32> to vector<1x16xf32>
    tpu.vector_store %arg11[%swap3A_80, %swap3A_81], %swap3A_84 {strides = array<i32>} : memref<16x128xf32, #tpu.memory_space<vmem>>, vector<1x16xf32>,
    %swap3A_85 = arith.constant 1 : i32
    %swap3A_86 = arith.index_cast %swap3A_85 : i32 to index
    %swap3A_87 = arith.constant 96 : index
    %swap3A_88 = tpu.vector_load %arg11[%swap3A_86, %swap3A_87] {strides = array<i32>} : memref<16x128xf32, #tpu.memory_space<vmem>>, vector<1x16xf32>,
    %swap3A_89 = vector.shape_cast %swap3A_88 : vector<1x16xf32> to vector<16xf32>
    %swap3A_90 = vector.shape_cast %broadcast_in_dim3A_1 : vector<16xf32> to vector<1x16xf32>
    tpu.vector_store %arg11[%swap3A_86, %swap3A_87], %swap3A_90 {strides = array<i32>} : memref<16x128xf32, #tpu.memory_space<vmem>>, vector<1x16xf32>,
    %swap3A_91 = arith.constant 1 : i32
    %swap3A_92 = arith.index_cast %swap3A_91 : i32 to index
    %swap3A_93 = arith.constant 112 : index
    %swap3A_94 = tpu.vector_load %arg11[%swap3A_92, %swap3A_93] {strides = array<i32>} : memref<16x128xf32, #tpu.memory_space<vmem>>, vector<1x16xf32>,
    %swap3A_95 = vector.shape_cast %swap3A_94 : vector<1x16xf32> to vector<16xf32>
    %swap3A_96 = vector.shape_cast %broadcast_in_dim3A_1 : vector<16xf32> to vector<1x16xf32>
    tpu.vector_store %arg11[%swap3A_92, %swap3A_93], %swap3A_96 {strides = array<i32>} : memref<16x128xf32, #tpu.memory_space<vmem>>, vector<1x16xf32>,
    %swap3A_97 = arith.constant 2 : i32
    %swap3A_98 = arith.index_cast %swap3A_97 : i32 to index
    %swap3A_99 = arith.constant 0 : index
    %swap3A_100 = tpu.vector_load %arg11[%swap3A_98, %swap3A_99] {strides = array<i32>} : memref<16x128xf32, #tpu.memory_space<vmem>>, vector<1x16xf32>,
    %swap3A_101 = vector.shape_cast %swap3A_100 : vector<1x16xf32> to vector<16xf32>
    %swap3A_102 = vector.shape_cast %broadcast_in_dim3A_1 : vector<16xf32> to vector<1x16xf32>
    tpu.vector_store %arg11[%swap3A_98, %swap3A_99], %swap3A_102 {strides = array<i32>} : memref<16x128xf32, #tpu.memory_space<vmem>>, vector<1x16xf32>,
    %swap3A_103 = arith.constant 2 : i32
    %swap3A_104 = arith.index_cast %swap3A_103 : i32 to index
    %swap3A_105 = arith.constant 16 : index
    %swap3A_106 = tpu.vector_load %arg11[%swap3A_104, %swap3A_105] {strides = array<i32>} : memref<16x128xf32, #tpu.memory_space<vmem>>, vector<1x16xf32>,
    %swap3A_107 = vector.shape_cast %swap3A_106 : vector<1x16xf32> to vector<16xf32>
    %swap3A_108 = vector.shape_cast %broadcast_in_dim3A_1 : vector<16xf32> to vector<1x16xf32>
    tpu.vector_store %arg11[%swap3A_104, %swap3A_105], %swap3A_108 {strides = array<i32>} : memref<16x128xf32, #tpu.memory_space<vmem>>, vector<1x16xf32>,
    %swap3A_109 = arith.constant 2 : i32
    %swap3A_110 = arith.index_cast %swap3A_109 : i32 to index
    %swap3A_111 = arith.constant 32 : index
    %swap3A_112 = tpu.vector_load %arg11[%swap3A_110, %swap3A_111] {strides = array<i32>} : memref<16x128xf32, #tpu.memory_space<vmem>>, vector<1x16xf32>,
    %swap3A_113 = vector.shape_cast %swap3A_112 : vector<1x16xf32> to vector<16xf32>
    %swap3A_114 = vector.shape_cast %broadcast_in_dim3A_1 : vector<16xf32> to vector<1x16xf32>
    tpu.vector_store %arg11[%swap3A_110, %swap3A_111], %swap3A_114 {strides = array<i32>} : memref<16x128xf32, #tpu.memory_space<vmem>>, vector<1x16xf32>,
    %swap3A_115 = arith.constant 2 : i32
    %swap3A_116 = arith.index_cast %swap3A_115 : i32 to index
    %swap3A_117 = arith.constant 48 : index
    %swap3A_118 = tpu.vector_load %arg11[%swap3A_116, %swap3A_117] {strides = array<i32>} : memref<16x128xf32, #tpu.memory_space<vmem>>, vector<1x16xf32>,
    %swap3A_119 = vector.shape_cast %swap3A_118 : vector<1x16xf32> to vector<16xf32>
    %swap3A_120 = vector.shape_cast %broadcast_in_dim3A_1 : vector<16xf32> to vector<1x16xf32>
    tpu.vector_store %arg11[%swap3A_116, %swap3A_117], %swap3A_120 {strides = array<i32>} : memref<16x128xf32, #tpu.memory_space<vmem>>, vector<1x16xf32>,
    %swap3A_121 = arith.constant 2 : i32
    %swap3A_122 = arith.index_cast %swap3A_121 : i32 to index
    %swap3A_123 = arith.constant 64 : index
    %swap3A_124 = tpu.vector_load %arg11[%swap3A_122, %swap3A_123] {strides = array<i32>} : memref<16x128xf32, #tpu.memory_space<vmem>>, vector<1x16xf32>,
    %swap3A_125 = vector.shape_cast %swap3A_124 : vector<1x16xf32> to vector<16xf32>
    %swap3A_126 = vector.shape_cast %broadcast_in_dim3A_1 : vector<16xf32> to vector<1x16xf32>
    tpu.vector_store %arg11[%swap3A_122, %swap3A_123], %swap3A_126 {strides = array<i32>} : memref<16x128xf32, #tpu.memory_space<vmem>>, vector<1x16xf32>,
    %swap3A_127 = arith.constant 2 : i32
    %swap3A_128 = arith.index_cast %swap3A_127 : i32 to index
    %swap3A_129 = arith.constant 80 : index
    %swap3A_130 = tpu.vector_load %arg11[%swap3A_128, %swap3A_129] {strides = array<i32>} : memref<16x128xf32, #tpu.memory_space<vmem>>, vector<1x16xf32>,
    %swap3A_131 = vector.shape_cast %swap3A_130 : vector<1x16xf32> to vector<16xf32>
    %swap3A_132 = vector.shape_cast %broadcast_in_dim3A_1 : vector<16xf32> to vector<1x16xf32>
    tpu.vector_store %arg11[%swap3A_128, %swap3A_129], %swap3A_132 {strides = array<i32>} : memref<16x128xf32, #tpu.memory_space<vmem>>, vector<1x16xf32>,
    %swap3A_133 = arith.constant 2 : i32
    %swap3A_134 = arith.index_cast %swap3A_133 : i32 to index
    %swap3A_135 = arith.constant 96 : index
    %swap3A_136 = tpu.vector_load %arg11[%swap3A_134, %swap3A_135] {strides = array<i32>} : memref<16x128xf32, #tpu.memory_space<vmem>>, vector<1x16xf32>,
    %swap3A_137 = vector.shape_cast %swap3A_136 : vector<1x16xf32> to vector<16xf32>
    %swap3A_138 = vector.shape_cast %broadcast_in_dim3A_1 : vector<16xf32> to vector<1x16xf32>
    tpu.vector_store %arg11[%swap3A_134, %swap3A_135], %swap3A_138 {strides = array<i32>} : memref<16x128xf32, #tpu.memory_space<vmem>>, vector<1x16xf32>,
    %swap3A_139 = arith.constant 2 : i32
    %swap3A_140 = arith.index_cast %swap3A_139 : i32 to index
    %swap3A_141 = arith.constant 112 : index
    %swap3A_142 = tpu.vector_load %arg11[%swap3A_140, %swap3A_141] {strides = array<i32>} : memref<16x128xf32, #tpu.memory_space<vmem>>, vector<1x16xf32>,
    %swap3A_143 = vector.shape_cast %swap3A_142 : vector<1x16xf32> to vector<16xf32>
    %swap3A_144 = vector.shape_cast %broadcast_in_dim3A_1 : vector<16xf32> to vector<1x16xf32>
    tpu.vector_store %arg11[%swap3A_140, %swap3A_141], %swap3A_144 {strides = array<i32>} : memref<16x128xf32, #tpu.memory_space<vmem>>, vector<1x16xf32>,
    %swap3A_145 = arith.constant 3 : i32
    %swap3A_146 = arith.index_cast %swap3A_145 : i32 to index
    %swap3A_147 = arith.constant 0 : index
    %swap3A_148 = tpu.vector_load %arg11[%swap3A_146, %swap3A_147] {strides = array<i32>} : memref<16x128xf32, #tpu.memory_space<vmem>>, vector<1x16xf32>,
    %swap3A_149 = vector.shape_cast %swap3A_148 : vector<1x16xf32> to vector<16xf32>
    %swap3A_150 = vector.shape_cast %broadcast_in_dim3A_1 : vector<16xf32> to vector<1x16xf32>
    tpu.vector_store %arg11[%swap3A_146, %swap3A_147], %swap3A_150 {strides = array<i32>} : memref<16x128xf32, #tpu.memory_space<vmem>>, vector<1x16xf32>,
    %swap3A_151 = arith.constant 3 : i32
    %swap3A_152 = arith.index_cast %swap3A_151 : i32 to index
    %swap3A_153 = arith.constant 16 : index
    %swap3A_154 = tpu.vector_load %arg11[%swap3A_152, %swap3A_153] {strides = array<i32>} : memref<16x128xf32, #tpu.memory_space<vmem>>, vector<1x16xf32>,
    %swap3A_155 = vector.shape_cast %swap3A_154 : vector<1x16xf32> to vector<16xf32>
    %swap3A_156 = vector.shape_cast %broadcast_in_dim3A_1 : vector<16xf32> to vector<1x16xf32>
    tpu.vector_store %arg11[%swap3A_152, %swap3A_153], %swap3A_156 {strides = array<i32>} : memref<16x128xf32, #tpu.memory_space<vmem>>, vector<1x16xf32>,
    %swap3A_157 = arith.constant 3 : i32
    %swap3A_158 = arith.index_cast %swap3A_157 : i32 to index
    %swap3A_159 = arith.constant 32 : index
    %swap3A_160 = tpu.vector_load %arg11[%swap3A_158, %swap3A_159] {strides = array<i32>} : memref<16x128xf32, #tpu.memory_space<vmem>>, vector<1x16xf32>,
    %swap3A_161 = vector.shape_cast %swap3A_160 : vector<1x16xf32> to vector<16xf32>
    %swap3A_162 = vector.shape_cast %broadcast_in_dim3A_1 : vector<16xf32> to vector<1x16xf32>
    tpu.vector_store %arg11[%swap3A_158, %swap3A_159], %swap3A_162 {strides = array<i32>} : memref<16x128xf32, #tpu.memory_space<vmem>>, vector<1x16xf32>,
    %swap3A_163 = arith.constant 3 : i32
    %swap3A_164 = arith.index_cast %swap3A_163 : i32 to index
    %swap3A_165 = arith.constant 48 : index
    %swap3A_166 = tpu.vector_load %arg11[%swap3A_164, %swap3A_165] {strides = array<i32>} : memref<16x128xf32, #tpu.memory_space<vmem>>, vector<1x16xf32>,
    %swap3A_167 = vector.shape_cast %swap3A_166 : vector<1x16xf32> to vector<16xf32>
    %swap3A_168 = vector.shape_cast %broadcast_in_dim3A_1 : vector<16xf32> to vector<1x16xf32>
    tpu.vector_store %arg11[%swap3A_164, %swap3A_165], %swap3A_168 {strides = array<i32>} : memref<16x128xf32, #tpu.memory_space<vmem>>, vector<1x16xf32>,
    %swap3A_169 = arith.constant 3 : i32
    %swap3A_170 = arith.index_cast %swap3A_169 : i32 to index
    %swap3A_171 = arith.constant 64 : index
    %swap3A_172 = tpu.vector_load %arg11[%swap3A_170, %swap3A_171] {strides = array<i32>} : memref<16x128xf32, #tpu.memory_space<vmem>>, vector<1x16xf32>,
    %swap3A_173 = vector.shape_cast %swap3A_172 : vector<1x16xf32> to vector<16xf32>
    %swap3A_174 = vector.shape_cast %broadcast_in_dim3A_1 : vector<16xf32> to vector<1x16xf32>
    tpu.vector_store %arg11[%swap3A_170, %swap3A_171], %swap3A_174 {strides = array<i32>} : memref<16x128xf32, #tpu.memory_space<vmem>>, vector<1x16xf32>,
    %swap3A_175 = arith.constant 3 : i32
    %swap3A_176 = arith.index_cast %swap3A_175 : i32 to index
    %swap3A_177 = arith.constant 80 : index
    %swap3A_178 = tpu.vector_load %arg11[%swap3A_176, %swap3A_177] {strides = array<i32>} : memref<16x128xf32, #tpu.memory_space<vmem>>, vector<1x16xf32>,
    %swap3A_179 = vector.shape_cast %swap3A_178 : vector<1x16xf32> to vector<16xf32>
    %swap3A_180 = vector.shape_cast %broadcast_in_dim3A_1 : vector<16xf32> to vector<1x16xf32>
    tpu.vector_store %arg11[%swap3A_176, %swap3A_177], %swap3A_180 {strides = array<i32>} : memref<16x128xf32, #tpu.memory_space<vmem>>, vector<1x16xf32>,
    %swap3A_181 = arith.constant 3 : i32
    %swap3A_182 = arith.index_cast %swap3A_181 : i32 to index
    %swap3A_183 = arith.constant 96 : index
    %swap3A_184 = tpu.vector_load %arg11[%swap3A_182, %swap3A_183] {strides = array<i32>} : memref<16x128xf32, #tpu.memory_space<vmem>>, vector<1x16xf32>,
    %swap3A_185 = vector.shape_cast %swap3A_184 : vector<1x16xf32> to vector<16xf32>
    %swap3A_186 = vector.shape_cast %broadcast_in_dim3A_1 : vector<16xf32> to vector<1x16xf32>
    tpu.vector_store %arg11[%swap3A_182, %swap3A_183], %swap3A_186 {strides = array<i32>} : memref<16x128xf32, #tpu.memory_space<vmem>>, vector<1x16xf32>,
    %swap3A_187 = arith.constant 3 : i32
    %swap3A_188 = arith.index_cast %swap3A_187 : i32 to index
    %swap3A_189 = arith.constant 112 : index
    %swap3A_190 = tpu.vector_load %arg11[%swap3A_188, %swap3A_189] {strides = array<i32>} : memref<16x128xf32, #tpu.memory_space<vmem>>, vector<1x16xf32>,
    %swap3A_191 = vector.shape_cast %swap3A_190 : vector<1x16xf32> to vector<16xf32>
    %swap3A_192 = vector.shape_cast %broadcast_in_dim3A_1 : vector<16xf32> to vector<1x16xf32>
    tpu.vector_store %arg11[%swap3A_188, %swap3A_189], %swap3A_192 {strides = array<i32>} : memref<16x128xf32, #tpu.memory_space<vmem>>, vector<1x16xf32>,
    %swap3A_193 = arith.constant 4 : i32
    %swap3A_194 = arith.index_cast %swap3A_193 : i32 to index
    %swap3A_195 = arith.constant 0 : index
    %swap3A_196 = tpu.vector_load %arg11[%swap3A_194, %swap3A_195] {strides = array<i32>} : memref<16x128xf32, #tpu.memory_space<vmem>>, vector<1x16xf32>,
    %swap3A_197 = vector.shape_cast %swap3A_196 : vector<1x16xf32> to vector<16xf32>
    %swap3A_198 = vector.shape_cast %broadcast_in_dim3A_1 : vector<16xf32> to vector<1x16xf32>
    tpu.vector_store %arg11[%swap3A_194, %swap3A_195], %swap3A_198 {strides = array<i32>} : memref<16x128xf32, #tpu.memory_space<vmem>>, vector<1x16xf32>,
    %swap3A_199 = arith.constant 4 : i32
    %swap3A_200 = arith.index_cast %swap3A_199 : i32 to index
    %swap3A_201 = arith.constant 16 : index
    %swap3A_202 = tpu.vector_load %arg11[%swap3A_200, %swap3A_201] {strides = array<i32>} : memref<16x128xf32, #tpu.memory_space<vmem>>, vector<1x16xf32>,
    %swap3A_203 = vector.shape_cast %swap3A_202 : vector<1x16xf32> to vector<16xf32>
    %swap3A_204 = vector.shape_cast %broadcast_in_dim3A_1 : vector<16xf32> to vector<1x16xf32>
    tpu.vector_store %arg11[%swap3A_200, %swap3A_201], %swap3A_204 {strides = array<i32>} : memref<16x128xf32, #tpu.memory_space<vmem>>, vector<1x16xf32>,
    %swap3A_205 = arith.constant 4 : i32
    %swap3A_206 = arith.index_cast %swap3A_205 : i32 to index
    %swap3A_207 = arith.constant 32 : index
    %swap3A_208 = tpu.vector_load %arg11[%swap3A_206, %swap3A_207] {strides = array<i32>} : memref<16x128xf32, #tpu.memory_space<vmem>>, vector<1x16xf32>,
    %swap3A_209 = vector.shape_cast %swap3A_208 : vector<1x16xf32> to vector<16xf32>
    %swap3A_210 = vector.shape_cast %broadcast_in_dim3A_1 : vector<16xf32> to vector<1x16xf32>
    tpu.vector_store %arg11[%swap3A_206, %swap3A_207], %swap3A_210 {strides = array<i32>} : memref<16x128xf32, #tpu.memory_space<vmem>>, vector<1x16xf32>,
    %swap3A_211 = arith.constant 4 : i32
    %swap3A_212 = arith.index_cast %swap3A_211 : i32 to index
    %swap3A_213 = arith.constant 48 : index
    %swap3A_214 = tpu.vector_load %arg11[%swap3A_212, %swap3A_213] {strides = array<i32>} : memref<16x128xf32, #tpu.memory_space<vmem>>, vector<1x16xf32>,
    %swap3A_215 = vector.shape_cast %swap3A_214 : vector<1x16xf32> to vector<16xf32>
    %swap3A_216 = vector.shape_cast %broadcast_in_dim3A_1 : vector<16xf32> to vector<1x16xf32>
    tpu.vector_store %arg11[%swap3A_212, %swap3A_213], %swap3A_216 {strides = array<i32>} : memref<16x128xf32, #tpu.memory_space<vmem>>, vector<1x16xf32>,
    %swap3A_217 = arith.constant 4 : i32
    %swap3A_218 = arith.index_cast %swap3A_217 : i32 to index
    %swap3A_219 = arith.constant 64 : index
    %swap3A_220 = tpu.vector_load %arg11[%swap3A_218, %swap3A_219] {strides = array<i32>} : memref<16x128xf32, #tpu.memory_space<vmem>>, vector<1x16xf32>,
    %swap3A_221 = vector.shape_cast %swap3A_220 : vector<1x16xf32> to vector<16xf32>
    %swap3A_222 = vector.shape_cast %broadcast_in_dim3A_1 : vector<16xf32> to vector<1x16xf32>
    tpu.vector_store %arg11[%swap3A_218, %swap3A_219], %swap3A_222 {strides = array<i32>} : memref<16x128xf32, #tpu.memory_space<vmem>>, vector<1x16xf32>,
    %swap3A_223 = arith.constant 4 : i32
    %swap3A_224 = arith.index_cast %swap3A_223 : i32 to index
    %swap3A_225 = arith.constant 80 : index
    %swap3A_226 = tpu.vector_load %arg11[%swap3A_224, %swap3A_225] {strides = array<i32>} : memref<16x128xf32, #tpu.memory_space<vmem>>, vector<1x16xf32>,
    %swap3A_227 = vector.shape_cast %swap3A_226 : vector<1x16xf32> to vector<16xf32>
    %swap3A_228 = vector.shape_cast %broadcast_in_dim3A_1 : vector<16xf32> to vector<1x16xf32>
    tpu.vector_store %arg11[%swap3A_224, %swap3A_225], %swap3A_228 {strides = array<i32>} : memref<16x128xf32, #tpu.memory_space<vmem>>, vector<1x16xf32>,
    %swap3A_229 = arith.constant 4 : i32
    %swap3A_230 = arith.index_cast %swap3A_229 : i32 to index
    %swap3A_231 = arith.constant 96 : index
    %swap3A_232 = tpu.vector_load %arg11[%swap3A_230, %swap3A_231] {strides = array<i32>} : memref<16x128xf32, #tpu.memory_space<vmem>>, vector<1x16xf32>,
    %swap3A_233 = vector.shape_cast %swap3A_232 : vector<1x16xf32> to vector<16xf32>
    %swap3A_234 = vector.shape_cast %broadcast_in_dim3A_1 : vector<16xf32> to vector<1x16xf32>
    tpu.vector_store %arg11[%swap3A_230, %swap3A_231], %swap3A_234 {strides = array<i32>} : memref<16x128xf32, #tpu.memory_space<vmem>>, vector<1x16xf32>,
    %swap3A_235 = arith.constant 4 : i32
    %swap3A_236 = arith.index_cast %swap3A_235 : i32 to index
    %swap3A_237 = arith.constant 112 : index
    %swap3A_238 = tpu.vector_load %arg11[%swap3A_236, %swap3A_237] {strides = array<i32>} : memref<16x128xf32, #tpu.memory_space<vmem>>, vector<1x16xf32>,
    %swap3A_239 = vector.shape_cast %swap3A_238 : vector<1x16xf32> to vector<16xf32>
    %swap3A_240 = vector.shape_cast %broadcast_in_dim3A_1 : vector<16xf32> to vector<1x16xf32>
    tpu.vector_store %arg11[%swap3A_236, %swap3A_237], %swap3A_240 {strides = array<i32>} : memref<16x128xf32, #tpu.memory_space<vmem>>, vector<1x16xf32>,
    %swap3A_241 = arith.constant 5 : i32
    %swap3A_242 = arith.index_cast %swap3A_241 : i32 to index
    %swap3A_243 = arith.constant 0 : index
    %swap3A_244 = tpu.vector_load %arg11[%swap3A_242, %swap3A_243] {strides = array<i32>} : memref<16x128xf32, #tpu.memory_space<vmem>>, vector<1x16xf32>,
    %swap3A_245 = vector.shape_cast %swap3A_244 : vector<1x16xf32> to vector<16xf32>
    %swap3A_246 = vector.shape_cast %broadcast_in_dim3A_1 : vector<16xf32> to vector<1x16xf32>
    tpu.vector_store %arg11[%swap3A_242, %swap3A_243], %swap3A_246 {strides = array<i32>} : memref<16x128xf32, #tpu.memory_space<vmem>>, vector<1x16xf32>,
    %swap3A_247 = arith.constant 5 : i32
    %swap3A_248 = arith.index_cast %swap3A_247 : i32 to index
    %swap3A_249 = arith.constant 16 : index
    %swap3A_250 = tpu.vector_load %arg11[%swap3A_248, %swap3A_249] {strides = array<i32>} : memref<16x128xf32, #tpu.memory_space<vmem>>, vector<1x16xf32>,
    %swap3A_251 = vector.shape_cast %swap3A_250 : vector<1x16xf32> to vector<16xf32>
    %swap3A_252 = vector.shape_cast %broadcast_in_dim3A_1 : vector<16xf32> to vector<1x16xf32>
    tpu.vector_store %arg11[%swap3A_248, %swap3A_249], %swap3A_252 {strides = array<i32>} : memref<16x128xf32, #tpu.memory_space<vmem>>, vector<1x16xf32>,
    %swap3A_253 = arith.constant 5 : i32
    %swap3A_254 = arith.index_cast %swap3A_253 : i32 to index
    %swap3A_255 = arith.constant 32 : index
    %swap3A_256 = tpu.vector_load %arg11[%swap3A_254, %swap3A_255] {strides = array<i32>} : memref<16x128xf32, #tpu.memory_space<vmem>>, vector<1x16xf32>,
    %swap3A_257 = vector.shape_cast %swap3A_256 : vector<1x16xf32> to vector<16xf32>
    %swap3A_258 = vector.shape_cast %broadcast_in_dim3A_1 : vector<16xf32> to vector<1x16xf32>
    tpu.vector_store %arg11[%swap3A_254, %swap3A_255], %swap3A_258 {strides = array<i32>} : memref<16x128xf32, #tpu.memory_space<vmem>>, vector<1x16xf32>,
    %swap3A_259 = arith.constant 5 : i32
    %swap3A_260 = arith.index_cast %swap3A_259 : i32 to index
    %swap3A_261 = arith.constant 48 : index
    %swap3A_262 = tpu.vector_load %arg11[%swap3A_260, %swap3A_261] {strides = array<i32>} : memref<16x128xf32, #tpu.memory_space<vmem>>, vector<1x16xf32>,
    %swap3A_263 = vector.shape_cast %swap3A_262 : vector<1x16xf32> to vector<16xf32>
    %swap3A_264 = vector.shape_cast %broadcast_in_dim3A_1 : vector<16xf32> to vector<1x16xf32>
    tpu.vector_store %arg11[%swap3A_260, %swap3A_261], %swap3A_264 {strides = array<i32>} : memref<16x128xf32, #tpu.memory_space<vmem>>, vector<1x16xf32>,
    %swap3A_265 = arith.constant 5 : i32
    %swap3A_266 = arith.index_cast %swap3A_265 : i32 to index
    %swap3A_267 = arith.constant 64 : index
    %swap3A_268 = tpu.vector_load %arg11[%swap3A_266, %swap3A_267] {strides = array<i32>} : memref<16x128xf32, #tpu.memory_space<vmem>>, vector<1x16xf32>,
    %swap3A_269 = vector.shape_cast %swap3A_268 : vector<1x16xf32> to vector<16xf32>
    %swap3A_270 = vector.shape_cast %broadcast_in_dim3A_1 : vector<16xf32> to vector<1x16xf32>
    tpu.vector_store %arg11[%swap3A_266, %swap3A_267], %swap3A_270 {strides = array<i32>} : memref<16x128xf32, #tpu.memory_space<vmem>>, vector<1x16xf32>,
    %swap3A_271 = arith.constant 5 : i32
    %swap3A_272 = arith.index_cast %swap3A_271 : i32 to index
    %swap3A_273 = arith.constant 80 : index
    %swap3A_274 = tpu.vector_load %arg11[%swap3A_272, %swap3A_273] {strides = array<i32>} : memref<16x128xf32, #tpu.memory_space<vmem>>, vector<1x16xf32>,
    %swap3A_275 = vector.shape_cast %swap3A_274 : vector<1x16xf32> to vector<16xf32>
    %swap3A_276 = vector.shape_cast %broadcast_in_dim3A_1 : vector<16xf32> to vector<1x16xf32>
    tpu.vector_store %arg11[%swap3A_272, %swap3A_273], %swap3A_276 {strides = array<i32>} : memref<16x128xf32, #tpu.memory_space<vmem>>, vector<1x16xf32>,
    %swap3A_277 = arith.constant 5 : i32
    %swap3A_278 = arith.index_cast %swap3A_277 : i32 to index
    %swap3A_279 = arith.constant 96 : index
    %swap3A_280 = tpu.vector_load %arg11[%swap3A_278, %swap3A_279] {strides = array<i32>} : memref<16x128xf32, #tpu.memory_space<vmem>>, vector<1x16xf32>,
    %swap3A_281 = vector.shape_cast %swap3A_280 : vector<1x16xf32> to vector<16xf32>
    %swap3A_282 = vector.shape_cast %broadcast_in_dim3A_1 : vector<16xf32> to vector<1x16xf32>
    tpu.vector_store %arg11[%swap3A_278, %swap3A_279], %swap3A_282 {strides = array<i32>} : memref<16x128xf32, #tpu.memory_space<vmem>>, vector<1x16xf32>,
    %swap3A_283 = arith.constant 5 : i32
    %swap3A_284 = arith.index_cast %swap3A_283 : i32 to index
    %swap3A_285 = arith.constant 112 : index
    %swap3A_286 = tpu.vector_load %arg11[%swap3A_284, %swap3A_285] {strides = array<i32>} : memref<16x128xf32, #tpu.memory_space<vmem>>, vector<1x16xf32>,
    %swap3A_287 = vector.shape_cast %swap3A_286 : vector<1x16xf32> to vector<16xf32>
    %swap3A_288 = vector.shape_cast %broadcast_in_dim3A_1 : vector<16xf32> to vector<1x16xf32>
    tpu.vector_store %arg11[%swap3A_284, %swap3A_285], %swap3A_288 {strides = array<i32>} : memref<16x128xf32, #tpu.memory_space<vmem>>, vector<1x16xf32>,
    %swap3A_289 = arith.constant 6 : i32
    %swap3A_290 = arith.index_cast %swap3A_289 : i32 to index
    %swap3A_291 = arith.constant 0 : index
    %swap3A_292 = tpu.vector_load %arg11[%swap3A_290, %swap3A_291] {strides = array<i32>} : memref<16x128xf32, #tpu.memory_space<vmem>>, vector<1x16xf32>,
    %swap3A_293 = vector.shape_cast %swap3A_292 : vector<1x16xf32> to vector<16xf32>
    %swap3A_294 = vector.shape_cast %broadcast_in_dim3A_1 : vector<16xf32> to vector<1x16xf32>
    tpu.vector_store %arg11[%swap3A_290, %swap3A_291], %swap3A_294 {strides = array<i32>} : memref<16x128xf32, #tpu.memory_space<vmem>>, vector<1x16xf32>,
    %swap3A_295 = arith.constant 6 : i32
    %swap3A_296 = arith.index_cast %swap3A_295 : i32 to index
    %swap3A_297 = arith.constant 16 : index
    %swap3A_298 = tpu.vector_load %arg11[%swap3A_296, %swap3A_297] {strides = array<i32>} : memref<16x128xf32, #tpu.memory_space<vmem>>, vector<1x16xf32>,
    %swap3A_299 = vector.shape_cast %swap3A_298 : vector<1x16xf32> to vector<16xf32>
    %swap3A_300 = vector.shape_cast %broadcast_in_dim3A_1 : vector<16xf32> to vector<1x16xf32>
    tpu.vector_store %arg11[%swap3A_296, %swap3A_297], %swap3A_300 {strides = array<i32>} : memref<16x128xf32, #tpu.memory_space<vmem>>, vector<1x16xf32>,
    %swap3A_301 = arith.constant 6 : i32
    %swap3A_302 = arith.index_cast %swap3A_301 : i32 to index
    %swap3A_303 = arith.constant 32 : index
    %swap3A_304 = tpu.vector_load %arg11[%swap3A_302, %swap3A_303] {strides = array<i32>} : memref<16x128xf32, #tpu.memory_space<vmem>>, vector<1x16xf32>,
    %swap3A_305 = vector.shape_cast %swap3A_304 : vector<1x16xf32> to vector<16xf32>
    %swap3A_306 = vector.shape_cast %broadcast_in_dim3A_1 : vector<16xf32> to vector<1x16xf32>
    tpu.vector_store %arg11[%swap3A_302, %swap3A_303], %swap3A_306 {strides = array<i32>} : memref<16x128xf32, #tpu.memory_space<vmem>>, vector<1x16xf32>,
    %swap3A_307 = arith.constant 6 : i32
    %swap3A_308 = arith.index_cast %swap3A_307 : i32 to index
    %swap3A_309 = arith.constant 48 : index
    %swap3A_310 = tpu.vector_load %arg11[%swap3A_308, %swap3A_309] {strides = array<i32>} : memref<16x128xf32, #tpu.memory_space<vmem>>, vector<1x16xf32>,
    %swap3A_311 = vector.shape_cast %swap3A_310 : vector<1x16xf32> to vector<16xf32>
    %swap3A_312 = vector.shape_cast %broadcast_in_dim3A_1 : vector<16xf32> to vector<1x16xf32>
    tpu.vector_store %arg11[%swap3A_308, %swap3A_309], %swap3A_312 {strides = array<i32>} : memref<16x128xf32, #tpu.memory_space<vmem>>, vector<1x16xf32>,
    %swap3A_313 = arith.constant 6 : i32
    %swap3A_314 = arith.index_cast %swap3A_313 : i32 to index
    %swap3A_315 = arith.constant 64 : index
    %swap3A_316 = tpu.vector_load %arg11[%swap3A_314, %swap3A_315] {strides = array<i32>} : memref<16x128xf32, #tpu.memory_space<vmem>>, vector<1x16xf32>,
    %swap3A_317 = vector.shape_cast %swap3A_316 : vector<1x16xf32> to vector<16xf32>
    %swap3A_318 = vector.shape_cast %broadcast_in_dim3A_1 : vector<16xf32> to vector<1x16xf32>
    tpu.vector_store %arg11[%swap3A_314, %swap3A_315], %swap3A_318 {strides = array<i32>} : memref<16x128xf32, #tpu.memory_space<vmem>>, vector<1x16xf32>,
    %swap3A_319 = arith.constant 6 : i32
    %swap3A_320 = arith.index_cast %swap3A_319 : i32 to index
    %swap3A_321 = arith.constant 80 : index
    %swap3A_322 = tpu.vector_load %arg11[%swap3A_320, %swap3A_321] {strides = array<i32>} : memref<16x128xf32, #tpu.memory_space<vmem>>, vector<1x16xf32>,
    %swap3A_323 = vector.shape_cast %swap3A_322 : vector<1x16xf32> to vector<16xf32>
    %swap3A_324 = vector.shape_cast %broadcast_in_dim3A_1 : vector<16xf32> to vector<1x16xf32>
    tpu.vector_store %arg11[%swap3A_320, %swap3A_321], %swap3A_324 {strides = array<i32>} : memref<16x128xf32, #tpu.memory_space<vmem>>, vector<1x16xf32>,
    %swap3A_325 = arith.constant 6 : i32
    %swap3A_326 = arith.index_cast %swap3A_325 : i32 to index
    %swap3A_327 = arith.constant 96 : index
    %swap3A_328 = tpu.vector_load %arg11[%swap3A_326, %swap3A_327] {strides = array<i32>} : memref<16x128xf32, #tpu.memory_space<vmem>>, vector<1x16xf32>,
    %swap3A_329 = vector.shape_cast %swap3A_328 : vector<1x16xf32> to vector<16xf32>
    %swap3A_330 = vector.shape_cast %broadcast_in_dim3A_1 : vector<16xf32> to vector<1x16xf32>
    tpu.vector_store %arg11[%swap3A_326, %swap3A_327], %swap3A_330 {strides = array<i32>} : memref<16x128xf32, #tpu.memory_space<vmem>>, vector<1x16xf32>,
    %swap3A_331 = arith.constant 6 : i32
    %swap3A_332 = arith.index_cast %swap3A_331 : i32 to index
    %swap3A_333 = arith.constant 112 : index
    %swap3A_334 = tpu.vector_load %arg11[%swap3A_332, %swap3A_333] {strides = array<i32>} : memref<16x128xf32, #tpu.memory_space<vmem>>, vector<1x16xf32>,
    %swap3A_335 = vector.shape_cast %swap3A_334 : vector<1x16xf32> to vector<16xf32>
    %swap3A_336 = vector.shape_cast %broadcast_in_dim3A_1 : vector<16xf32> to vector<1x16xf32>
    tpu.vector_store %arg11[%swap3A_332, %swap3A_333], %swap3A_336 {strides = array<i32>} : memref<16x128xf32, #tpu.memory_space<vmem>>, vector<1x16xf32>,
    %swap3A_337 = arith.constant 7 : i32
    %swap3A_338 = arith.index_cast %swap3A_337 : i32 to index
    %swap3A_339 = arith.constant 0 : index
    %swap3A_340 = tpu.vector_load %arg11[%swap3A_338, %swap3A_339] {strides = array<i32>} : memref<16x128xf32, #tpu.memory_space<vmem>>, vector<1x16xf32>,
    %swap3A_341 = vector.shape_cast %swap3A_340 : vector<1x16xf32> to vector<16xf32>
    %swap3A_342 = vector.shape_cast %broadcast_in_dim3A_1 : vector<16xf32> to vector<1x16xf32>
    tpu.vector_store %arg11[%swap3A_338, %swap3A_339], %swap3A_342 {strides = array<i32>} : memref<16x128xf32, #tpu.memory_space<vmem>>, vector<1x16xf32>,
    %swap3A_343 = arith.constant 7 : i32
    %swap3A_344 = arith.index_cast %swap3A_343 : i32 to index
    %swap3A_345 = arith.constant 16 : index
    %swap3A_346 = tpu.vector_load %arg11[%swap3A_344, %swap3A_345] {strides = array<i32>} : memref<16x128xf32, #tpu.memory_space<vmem>>, vector<1x16xf32>,
    %swap3A_347 = vector.shape_cast %swap3A_346 : vector<1x16xf32> to vector<16xf32>
    %swap3A_348 = vector.shape_cast %broadcast_in_dim3A_1 : vector<16xf32> to vector<1x16xf32>
    tpu.vector_store %arg11[%swap3A_344, %swap3A_345], %swap3A_348 {strides = array<i32>} : memref<16x128xf32, #tpu.memory_space<vmem>>, vector<1x16xf32>,
    %swap3A_349 = arith.constant 7 : i32
    %swap3A_350 = arith.index_cast %swap3A_349 : i32 to index
    %swap3A_351 = arith.constant 32 : index
    %swap3A_352 = tpu.vector_load %arg11[%swap3A_350, %swap3A_351] {strides = array<i32>} : memref<16x128xf32, #tpu.memory_space<vmem>>, vector<1x16xf32>,
    %swap3A_353 = vector.shape_cast %swap3A_352 : vector<1x16xf32> to vector<16xf32>
    %swap3A_354 = vector.shape_cast %broadcast_in_dim3A_1 : vector<16xf32> to vector<1x16xf32>
    tpu.vector_store %arg11[%swap3A_350, %swap3A_351], %swap3A_354 {strides = array<i32>} : memref<16x128xf32, #tpu.memory_space<vmem>>, vector<1x16xf32>,
    %swap3A_355 = arith.constant 7 : i32
    %swap3A_356 = arith.index_cast %swap3A_355 : i32 to index
    %swap3A_357 = arith.constant 48 : index
    %swap3A_358 = tpu.vector_load %arg11[%swap3A_356, %swap3A_357] {strides = array<i32>} : memref<16x128xf32, #tpu.memory_space<vmem>>, vector<1x16xf32>,
    %swap3A_359 = vector.shape_cast %swap3A_358 : vector<1x16xf32> to vector<16xf32>
    %swap3A_360 = vector.shape_cast %broadcast_in_dim3A_1 : vector<16xf32> to vector<1x16xf32>
    tpu.vector_store %arg11[%swap3A_356, %swap3A_357], %swap3A_360 {strides = array<i32>} : memref<16x128xf32, #tpu.memory_space<vmem>>, vector<1x16xf32>,
    %swap3A_361 = arith.constant 7 : i32
    %swap3A_362 = arith.index_cast %swap3A_361 : i32 to index
    %swap3A_363 = arith.constant 64 : index
    %swap3A_364 = tpu.vector_load %arg11[%swap3A_362, %swap3A_363] {strides = array<i32>} : memref<16x128xf32, #tpu.memory_space<vmem>>, vector<1x16xf32>,
    %swap3A_365 = vector.shape_cast %swap3A_364 : vector<1x16xf32> to vector<16xf32>
    %swap3A_366 = vector.shape_cast %broadcast_in_dim3A_1 : vector<16xf32> to vector<1x16xf32>
    tpu.vector_store %arg11[%swap3A_362, %swap3A_363], %swap3A_366 {strides = array<i32>} : memref<16x128xf32, #tpu.memory_space<vmem>>, vector<1x16xf32>,
    %swap3A_367 = arith.constant 7 : i32
    %swap3A_368 = arith.index_cast %swap3A_367 : i32 to index
    %swap3A_369 = arith.constant 80 : index
    %swap3A_370 = tpu.vector_load %arg11[%swap3A_368, %swap3A_369] {strides = array<i32>} : memref<16x128xf32, #tpu.memory_space<vmem>>, vector<1x16xf32>,
    %swap3A_371 = vector.shape_cast %swap3A_370 : vector<1x16xf32> to vector<16xf32>
    %swap3A_372 = vector.shape_cast %broadcast_in_dim3A_1 : vector<16xf32> to vector<1x16xf32>
    tpu.vector_store %arg11[%swap3A_368, %swap3A_369], %swap3A_372 {strides = array<i32>} : memref<16x128xf32, #tpu.memory_space<vmem>>, vector<1x16xf32>,
    %swap3A_373 = arith.constant 7 : i32
    %swap3A_374 = arith.index_cast %swap3A_373 : i32 to index
    %swap3A_375 = arith.constant 96 : index
    %swap3A_376 = tpu.vector_load %arg11[%swap3A_374, %swap3A_375] {strides = array<i32>} : memref<16x128xf32, #tpu.memory_space<vmem>>, vector<1x16xf32>,
    %swap3A_377 = vector.shape_cast %swap3A_376 : vector<1x16xf32> to vector<16xf32>
    %swap3A_378 = vector.shape_cast %broadcast_in_dim3A_1 : vector<16xf32> to vector<1x16xf32>
    tpu.vector_store %arg11[%swap3A_374, %swap3A_375], %swap3A_378 {strides = array<i32>} : memref<16x128xf32, #tpu.memory_space<vmem>>, vector<1x16xf32>,
    %swap3A_379 = arith.constant 7 : i32
    %swap3A_380 = arith.index_cast %swap3A_379 : i32 to index
    %swap3A_381 = arith.constant 112 : index
    %swap3A_382 = tpu.vector_load %arg11[%swap3A_380, %swap3A_381] {strides = array<i32>} : memref<16x128xf32, #tpu.memory_space<vmem>>, vector<1x16xf32>,
    %swap3A_383 = vector.shape_cast %swap3A_382 : vector<1x16xf32> to vector<16xf32>
    %swap3A_384 = vector.shape_cast %broadcast_in_dim3A_1 : vector<16xf32> to vector<1x16xf32>
    tpu.vector_store %arg11[%swap3A_380, %swap3A_381], %swap3A_384 {strides = array<i32>} : memref<16x128xf32, #tpu.memory_space<vmem>>, vector<1x16xf32>,
    %swap3A_385 = arith.constant 8 : i32
    %swap3A_386 = arith.index_cast %swap3A_385 : i32 to index
    %swap3A_387 = arith.constant 0 : index
    %swap3A_388 = tpu.vector_load %arg11[%swap3A_386, %swap3A_387] {strides = array<i32>} : memref<16x128xf32, #tpu.memory_space<vmem>>, vector<1x16xf32>,
    %swap3A_389 = vector.shape_cast %swap3A_388 : vector<1x16xf32> to vector<16xf32>
    %swap3A_390 = vector.shape_cast %broadcast_in_dim3A_1 : vector<16xf32> to vector<1x16xf32>
    tpu.vector_store %arg11[%swap3A_386, %swap3A_387], %swap3A_390 {strides = array<i32>} : memref<16x128xf32, #tpu.memory_space<vmem>>, vector<1x16xf32>,
    %swap3A_391 = arith.constant 8 : i32
    %swap3A_392 = arith.index_cast %swap3A_391 : i32 to index
    %swap3A_393 = arith.constant 16 : index
    %swap3A_394 = tpu.vector_load %arg11[%swap3A_392, %swap3A_393] {strides = array<i32>} : memref<16x128xf32, #tpu.memory_space<vmem>>, vector<1x16xf32>,
    %swap3A_395 = vector.shape_cast %swap3A_394 : vector<1x16xf32> to vector<16xf32>
    %swap3A_396 = vector.shape_cast %broadcast_in_dim3A_1 : vector<16xf32> to vector<1x16xf32>
    tpu.vector_store %arg11[%swap3A_392, %swap3A_393], %swap3A_396 {strides = array<i32>} : memref<16x128xf32, #tpu.memory_space<vmem>>, vector<1x16xf32>,
    %swap3A_397 = arith.constant 8 : i32
    %swap3A_398 = arith.index_cast %swap3A_397 : i32 to index
    %swap3A_399 = arith.constant 32 : index
    %swap3A_400 = tpu.vector_load %arg11[%swap3A_398, %swap3A_399] {strides = array<i32>} : memref<16x128xf32, #tpu.memory_space<vmem>>, vector<1x16xf32>,
    %swap3A_401 = vector.shape_cast %swap3A_400 : vector<1x16xf32> to vector<16xf32>
    %swap3A_402 = vector.shape_cast %broadcast_in_dim3A_1 : vector<16xf32> to vector<1x16xf32>
    tpu.vector_store %arg11[%swap3A_398, %swap3A_399], %swap3A_402 {strides = array<i32>} : memref<16x128xf32, #tpu.memory_space<vmem>>, vector<1x16xf32>,
    %swap3A_403 = arith.constant 8 : i32
    %swap3A_404 = arith.index_cast %swap3A_403 : i32 to index
    %swap3A_405 = arith.constant 48 : index
    %swap3A_406 = tpu.vector_load %arg11[%swap3A_404, %swap3A_405] {strides = array<i32>} : memref<16x128xf32, #tpu.memory_space<vmem>>, vector<1x16xf32>,
    %swap3A_407 = vector.shape_cast %swap3A_406 : vector<1x16xf32> to vector<16xf32>
    %swap3A_408 = vector.shape_cast %broadcast_in_dim3A_1 : vector<16xf32> to vector<1x16xf32>
    tpu.vector_store %arg11[%swap3A_404, %swap3A_405], %swap3A_408 {strides = array<i32>} : memref<16x128xf32, #tpu.memory_space<vmem>>, vector<1x16xf32>,
    %swap3A_409 = arith.constant 8 : i32
    %swap3A_410 = arith.index_cast %swap3A_409 : i32 to index
    %swap3A_411 = arith.constant 64 : index
    %swap3A_412 = tpu.vector_load %arg11[%swap3A_410, %swap3A_411] {strides = array<i32>} : memref<16x128xf32, #tpu.memory_space<vmem>>, vector<1x16xf32>,
    %swap3A_413 = vector.shape_cast %swap3A_412 : vector<1x16xf32> to vector<16xf32>
    %swap3A_414 = vector.shape_cast %broadcast_in_dim3A_1 : vector<16xf32> to vector<1x16xf32>
    tpu.vector_store %arg11[%swap3A_410, %swap3A_411], %swap3A_414 {strides = array<i32>} : memref<16x128xf32, #tpu.memory_space<vmem>>, vector<1x16xf32>,
    %swap3A_415 = arith.constant 8 : i32
    %swap3A_416 = arith.index_cast %swap3A_415 : i32 to index
    %swap3A_417 = arith.constant 80 : index
    %swap3A_418 = tpu.vector_load %arg11[%swap3A_416, %swap3A_417] {strides = array<i32>} : memref<16x128xf32, #tpu.memory_space<vmem>>, vector<1x16xf32>,
    %swap3A_419 = vector.shape_cast %swap3A_418 : vector<1x16xf32> to vector<16xf32>
    %swap3A_420 = vector.shape_cast %broadcast_in_dim3A_1 : vector<16xf32> to vector<1x16xf32>
    tpu.vector_store %arg11[%swap3A_416, %swap3A_417], %swap3A_420 {strides = array<i32>} : memref<16x128xf32, #tpu.memory_space<vmem>>, vector<1x16xf32>,
    %swap3A_421 = arith.constant 8 : i32
    %swap3A_422 = arith.index_cast %swap3A_421 : i32 to index
    %swap3A_423 = arith.constant 96 : index
    %swap3A_424 = tpu.vector_load %arg11[%swap3A_422, %swap3A_423] {strides = array<i32>} : memref<16x128xf32, #tpu.memory_space<vmem>>, vector<1x16xf32>,
    %swap3A_425 = vector.shape_cast %swap3A_424 : vector<1x16xf32> to vector<16xf32>
    %swap3A_426 = vector.shape_cast %broadcast_in_dim3A_1 : vector<16xf32> to vector<1x16xf32>
    tpu.vector_store %arg11[%swap3A_422, %swap3A_423], %swap3A_426 {strides = array<i32>} : memref<16x128xf32, #tpu.memory_space<vmem>>, vector<1x16xf32>,
    %swap3A_427 = arith.constant 8 : i32
    %swap3A_428 = arith.index_cast %swap3A_427 : i32 to index
    %swap3A_429 = arith.constant 112 : index
    %swap3A_430 = tpu.vector_load %arg11[%swap3A_428, %swap3A_429] {strides = array<i32>} : memref<16x128xf32, #tpu.memory_space<vmem>>, vector<1x16xf32>,
    %swap3A_431 = vector.shape_cast %swap3A_430 : vector<1x16xf32> to vector<16xf32>
    %swap3A_432 = vector.shape_cast %broadcast_in_dim3A_1 : vector<16xf32> to vector<1x16xf32>
    tpu.vector_store %arg11[%swap3A_428, %swap3A_429], %swap3A_432 {strides = array<i32>} : memref<16x128xf32, #tpu.memory_space<vmem>>, vector<1x16xf32>,
    %swap3A_433 = arith.constant 9 : i32
    %swap3A_434 = arith.index_cast %swap3A_433 : i32 to index
    %swap3A_435 = arith.constant 0 : index
    %swap3A_436 = tpu.vector_load %arg11[%swap3A_434, %swap3A_435] {strides = array<i32>} : memref<16x128xf32, #tpu.memory_space<vmem>>, vector<1x16xf32>,
    %swap3A_437 = vector.shape_cast %swap3A_436 : vector<1x16xf32> to vector<16xf32>
    %swap3A_438 = vector.shape_cast %broadcast_in_dim3A_1 : vector<16xf32> to vector<1x16xf32>
    tpu.vector_store %arg11[%swap3A_434, %swap3A_435], %swap3A_438 {strides = array<i32>} : memref<16x128xf32, #tpu.memory_space<vmem>>, vector<1x16xf32>,
    %swap3A_439 = arith.constant 9 : i32
    %swap3A_440 = arith.index_cast %swap3A_439 : i32 to index
    %swap3A_441 = arith.constant 16 : index
    %swap3A_442 = tpu.vector_load %arg11[%swap3A_440, %swap3A_441] {strides = array<i32>} : memref<16x128xf32, #tpu.memory_space<vmem>>, vector<1x16xf32>,
    %swap3A_443 = vector.shape_cast %swap3A_442 : vector<1x16xf32> to vector<16xf32>
    %swap3A_444 = vector.shape_cast %broadcast_in_dim3A_1 : vector<16xf32> to vector<1x16xf32>
    tpu.vector_store %arg11[%swap3A_440, %swap3A_441], %swap3A_444 {strides = array<i32>} : memref<16x128xf32, #tpu.memory_space<vmem>>, vector<1x16xf32>,
    %swap3A_445 = arith.constant 9 : i32
    %swap3A_446 = arith.index_cast %swap3A_445 : i32 to index
    %swap3A_447 = arith.constant 32 : index
    %swap3A_448 = tpu.vector_load %arg11[%swap3A_446, %swap3A_447] {strides = array<i32>} : memref<16x128xf32, #tpu.memory_space<vmem>>, vector<1x16xf32>,
    %swap3A_449 = vector.shape_cast %swap3A_448 : vector<1x16xf32> to vector<16xf32>
    %swap3A_450 = vector.shape_cast %broadcast_in_dim3A_1 : vector<16xf32> to vector<1x16xf32>
    tpu.vector_store %arg11[%swap3A_446, %swap3A_447], %swap3A_450 {strides = array<i32>} : memref<16x128xf32, #tpu.memory_space<vmem>>, vector<1x16xf32>,
    %swap3A_451 = arith.constant 9 : i32
    %swap3A_452 = arith.index_cast %swap3A_451 : i32 to index
    %swap3A_453 = arith.constant 48 : index
    %swap3A_454 = tpu.vector_load %arg11[%swap3A_452, %swap3A_453] {strides = array<i32>} : memref<16x128xf32, #tpu.memory_space<vmem>>, vector<1x16xf32>,
    %swap3A_455 = vector.shape_cast %swap3A_454 : vector<1x16xf32> to vector<16xf32>
    %swap3A_456 = vector.shape_cast %broadcast_in_dim3A_1 : vector<16xf32> to vector<1x16xf32>
    tpu.vector_store %arg11[%swap3A_452, %swap3A_453], %swap3A_456 {strides = array<i32>} : memref<16x128xf32, #tpu.memory_space<vmem>>, vector<1x16xf32>,
    %swap3A_457 = arith.constant 9 : i32
    %swap3A_458 = arith.index_cast %swap3A_457 : i32 to index
    %swap3A_459 = arith.constant 64 : index
    %swap3A_460 = tpu.vector_load %arg11[%swap3A_458, %swap3A_459] {strides = array<i32>} : memref<16x128xf32, #tpu.memory_space<vmem>>, vector<1x16xf32>,
    %swap3A_461 = vector.shape_cast %swap3A_460 : vector<1x16xf32> to vector<16xf32>
    %swap3A_462 = vector.shape_cast %broadcast_in_dim3A_1 : vector<16xf32> to vector<1x16xf32>
    tpu.vector_store %arg11[%swap3A_458, %swap3A_459], %swap3A_462 {strides = array<i32>} : memref<16x128xf32, #tpu.memory_space<vmem>>, vector<1x16xf32>,
    %swap3A_463 = arith.constant 9 : i32
    %swap3A_464 = arith.index_cast %swap3A_463 : i32 to index
    %swap3A_465 = arith.constant 80 : index
    %swap3A_466 = tpu.vector_load %arg11[%swap3A_464, %swap3A_465] {strides = array<i32>} : memref<16x128xf32, #tpu.memory_space<vmem>>, vector<1x16xf32>,
    %swap3A_467 = vector.shape_cast %swap3A_466 : vector<1x16xf32> to vector<16xf32>
    %swap3A_468 = vector.shape_cast %broadcast_in_dim3A_1 : vector<16xf32> to vector<1x16xf32>
    tpu.vector_store %arg11[%swap3A_464, %swap3A_465], %swap3A_468 {strides = array<i32>} : memref<16x128xf32, #tpu.memory_space<vmem>>, vector<1x16xf32>,
    %swap3A_469 = arith.constant 9 : i32
    %swap3A_470 = arith.index_cast %swap3A_469 : i32 to index
    %swap3A_471 = arith.constant 96 : index
    %swap3A_472 = tpu.vector_load %arg11[%swap3A_470, %swap3A_471] {strides = array<i32>} : memref<16x128xf32, #tpu.memory_space<vmem>>, vector<1x16xf32>,
    %swap3A_473 = vector.shape_cast %swap3A_472 : vector<1x16xf32> to vector<16xf32>
    %swap3A_474 = vector.shape_cast %broadcast_in_dim3A_1 : vector<16xf32> to vector<1x16xf32>
    tpu.vector_store %arg11[%swap3A_470, %swap3A_471], %swap3A_474 {strides = array<i32>} : memref<16x128xf32, #tpu.memory_space<vmem>>, vector<1x16xf32>,
    %swap3A_475 = arith.constant 9 : i32
    %swap3A_476 = arith.index_cast %swap3A_475 : i32 to index
    %swap3A_477 = arith.constant 112 : index
    %swap3A_478 = tpu.vector_load %arg11[%swap3A_476, %swap3A_477] {strides = array<i32>} : memref<16x128xf32, #tpu.memory_space<vmem>>, vector<1x16xf32>,
    %swap3A_479 = vector.shape_cast %swap3A_478 : vector<1x16xf32> to vector<16xf32>
    %swap3A_480 = vector.shape_cast %broadcast_in_dim3A_1 : vector<16xf32> to vector<1x16xf32>
    tpu.vector_store %arg11[%swap3A_476, %swap3A_477], %swap3A_480 {strides = array<i32>} : memref<16x128xf32, #tpu.memory_space<vmem>>, vector<1x16xf32>,
    %swap3A_481 = arith.constant 10 : i32
    %swap3A_482 = arith.index_cast %swap3A_481 : i32 to index
    %swap3A_483 = arith.constant 0 : index
    %swap3A_484 = tpu.vector_load %arg11[%swap3A_482, %swap3A_483] {strides = array<i32>} : memref<16x128xf32, #tpu.memory_space<vmem>>, vector<1x16xf32>,
    %swap3A_485 = vector.shape_cast %swap3A_484 : vector<1x16xf32> to vector<16xf32>
    %swap3A_486 = vector.shape_cast %broadcast_in_dim3A_1 : vector<16xf32> to vector<1x16xf32>
    tpu.vector_store %arg11[%swap3A_482, %swap3A_483], %swap3A_486 {strides = array<i32>} : memref<16x128xf32, #tpu.memory_space<vmem>>, vector<1x16xf32>,
    %swap3A_487 = arith.constant 10 : i32
    %swap3A_488 = arith.index_cast %swap3A_487 : i32 to index
    %swap3A_489 = arith.constant 16 : index
    %swap3A_490 = tpu.vector_load %arg11[%swap3A_488, %swap3A_489] {strides = array<i32>} : memref<16x128xf32, #tpu.memory_space<vmem>>, vector<1x16xf32>,
    %swap3A_491 = vector.shape_cast %swap3A_490 : vector<1x16xf32> to vector<16xf32>
    %swap3A_492 = vector.shape_cast %broadcast_in_dim3A_1 : vector<16xf32> to vector<1x16xf32>
    tpu.vector_store %arg11[%swap3A_488, %swap3A_489], %swap3A_492 {strides = array<i32>} : memref<16x128xf32, #tpu.memory_space<vmem>>, vector<1x16xf32>,
    %swap3A_493 = arith.constant 10 : i32
    %swap3A_494 = arith.index_cast %swap3A_493 : i32 to index
    %swap3A_495 = arith.constant 32 : index
    %swap3A_496 = tpu.vector_load %arg11[%swap3A_494, %swap3A_495] {strides = array<i32>} : memref<16x128xf32, #tpu.memory_space<vmem>>, vector<1x16xf32>,
    %swap3A_497 = vector.shape_cast %swap3A_496 : vector<1x16xf32> to vector<16xf32>
    %swap3A_498 = vector.shape_cast %broadcast_in_dim3A_1 : vector<16xf32> to vector<1x16xf32>
    tpu.vector_store %arg11[%swap3A_494, %swap3A_495], %swap3A_498 {strides = array<i32>} : memref<16x128xf32, #tpu.memory_space<vmem>>, vector<1x16xf32>,
    %swap3A_499 = arith.constant 10 : i32
    %swap3A_500 = arith.index_cast %swap3A_499 : i32 to index
    %swap3A_501 = arith.constant 48 : index
    %swap3A_502 = tpu.vector_load %arg11[%swap3A_500, %swap3A_501] {strides = array<i32>} : memref<16x128xf32, #tpu.memory_space<vmem>>, vector<1x16xf32>,
    %swap3A_503 = vector.shape_cast %swap3A_502 : vector<1x16xf32> to vector<16xf32>
    %swap3A_504 = vector.shape_cast %broadcast_in_dim3A_1 : vector<16xf32> to vector<1x16xf32>
    tpu.vector_store %arg11[%swap3A_500, %swap3A_501], %swap3A_504 {strides = array<i32>} : memref<16x128xf32, #tpu.memory_space<vmem>>, vector<1x16xf32>,
    %swap3A_505 = arith.constant 10 : i32
    %swap3A_506 = arith.index_cast %swap3A_505 : i32 to index
    %swap3A_507 = arith.constant 64 : index
    %swap3A_508 = tpu.vector_load %arg11[%swap3A_506, %swap3A_507] {strides = array<i32>} : memref<16x128xf32, #tpu.memory_space<vmem>>, vector<1x16xf32>,
    %swap3A_509 = vector.shape_cast %swap3A_508 : vector<1x16xf32> to vector<16xf32>
    %swap3A_510 = vector.shape_cast %broadcast_in_dim3A_1 : vector<16xf32> to vector<1x16xf32>
    tpu.vector_store %arg11[%swap3A_506, %swap3A_507], %swap3A_510 {strides = array<i32>} : memref<16x128xf32, #tpu.memory_space<vmem>>, vector<1x16xf32>,
    %swap3A_511 = arith.constant 10 : i32
    %swap3A_512 = arith.index_cast %swap3A_511 : i32 to index
    %swap3A_513 = arith.constant 80 : index
    %swap3A_514 = tpu.vector_load %arg11[%swap3A_512, %swap3A_513] {strides = array<i32>} : memref<16x128xf32, #tpu.memory_space<vmem>>, vector<1x16xf32>,
    %swap3A_515 = vector.shape_cast %swap3A_514 : vector<1x16xf32> to vector<16xf32>
    %swap3A_516 = vector.shape_cast %broadcast_in_dim3A_1 : vector<16xf32> to vector<1x16xf32>
    tpu.vector_store %arg11[%swap3A_512, %swap3A_513], %swap3A_516 {strides = array<i32>} : memref<16x128xf32, #tpu.memory_space<vmem>>, vector<1x16xf32>,
    %swap3A_517 = arith.constant 10 : i32
    %swap3A_518 = arith.index_cast %swap3A_517 : i32 to index
    %swap3A_519 = arith.constant 96 : index
    %swap3A_520 = tpu.vector_load %arg11[%swap3A_518, %swap3A_519] {strides = array<i32>} : memref<16x128xf32, #tpu.memory_space<vmem>>, vector<1x16xf32>,
    %swap3A_521 = vector.shape_cast %swap3A_520 : vector<1x16xf32> to vector<16xf32>
    %swap3A_522 = vector.shape_cast %broadcast_in_dim3A_1 : vector<16xf32> to vector<1x16xf32>
    tpu.vector_store %arg11[%swap3A_518, %swap3A_519], %swap3A_522 {strides = array<i32>} : memref<16x128xf32, #tpu.memory_space<vmem>>, vector<1x16xf32>,
    %swap3A_523 = arith.constant 10 : i32
    %swap3A_524 = arith.index_cast %swap3A_523 : i32 to index
    %swap3A_525 = arith.constant 112 : index
    %swap3A_526 = tpu.vector_load %arg11[%swap3A_524, %swap3A_525] {strides = array<i32>} : memref<16x128xf32, #tpu.memory_space<vmem>>, vector<1x16xf32>,
    %swap3A_527 = vector.shape_cast %swap3A_526 : vector<1x16xf32> to vector<16xf32>
    %swap3A_528 = vector.shape_cast %broadcast_in_dim3A_1 : vector<16xf32> to vector<1x16xf32>
    tpu.vector_store %arg11[%swap3A_524, %swap3A_525], %swap3A_528 {strides = array<i32>} : memref<16x128xf32, #tpu.memory_space<vmem>>, vector<1x16xf32>,
    %swap3A_529 = arith.constant 11 : i32
    %swap3A_530 = arith.index_cast %swap3A_529 : i32 to index
    %swap3A_531 = arith.constant 0 : index
    %swap3A_532 = tpu.vector_load %arg11[%swap3A_530, %swap3A_531] {strides = array<i32>} : memref<16x128xf32, #tpu.memory_space<vmem>>, vector<1x16xf32>,
    %swap3A_533 = vector.shape_cast %swap3A_532 : vector<1x16xf32> to vector<16xf32>
    %swap3A_534 = vector.shape_cast %broadcast_in_dim3A_1 : vector<16xf32> to vector<1x16xf32>
    tpu.vector_store %arg11[%swap3A_530, %swap3A_531], %swap3A_534 {strides = array<i32>} : memref<16x128xf32, #tpu.memory_space<vmem>>, vector<1x16xf32>,
    %swap3A_535 = arith.constant 11 : i32
    %swap3A_536 = arith.index_cast %swap3A_535 : i32 to index
    %swap3A_537 = arith.constant 16 : index
    %swap3A_538 = tpu.vector_load %arg11[%swap3A_536, %swap3A_537] {strides = array<i32>} : memref<16x128xf32, #tpu.memory_space<vmem>>, vector<1x16xf32>,
    %swap3A_539 = vector.shape_cast %swap3A_538 : vector<1x16xf32> to vector<16xf32>
    %swap3A_540 = vector.shape_cast %broadcast_in_dim3A_1 : vector<16xf32> to vector<1x16xf32>
    tpu.vector_store %arg11[%swap3A_536, %swap3A_537], %swap3A_540 {strides = array<i32>} : memref<16x128xf32, #tpu.memory_space<vmem>>, vector<1x16xf32>,
    %swap3A_541 = arith.constant 11 : i32
    %swap3A_542 = arith.index_cast %swap3A_541 : i32 to index
    %swap3A_543 = arith.constant 32 : index
    %swap3A_544 = tpu.vector_load %arg11[%swap3A_542, %swap3A_543] {strides = array<i32>} : memref<16x128xf32, #tpu.memory_space<vmem>>, vector<1x16xf32>,
    %swap3A_545 = vector.shape_cast %swap3A_544 : vector<1x16xf32> to vector<16xf32>
    %swap3A_546 = vector.shape_cast %broadcast_in_dim3A_1 : vector<16xf32> to vector<1x16xf32>
    tpu.vector_store %arg11[%swap3A_542, %swap3A_543], %swap3A_546 {strides = array<i32>} : memref<16x128xf32, #tpu.memory_space<vmem>>, vector<1x16xf32>,
    %swap3A_547 = arith.constant 11 : i32
    %swap3A_548 = arith.index_cast %swap3A_547 : i32 to index
    %swap3A_549 = arith.constant 48 : index
    %swap3A_550 = tpu.vector_load %arg11[%swap3A_548, %swap3A_549] {strides = array<i32>} : memref<16x128xf32, #tpu.memory_space<vmem>>, vector<1x16xf32>,
    %swap3A_551 = vector.shape_cast %swap3A_550 : vector<1x16xf32> to vector<16xf32>
    %swap3A_552 = vector.shape_cast %broadcast_in_dim3A_1 : vector<16xf32> to vector<1x16xf32>
    tpu.vector_store %arg11[%swap3A_548, %swap3A_549], %swap3A_552 {strides = array<i32>} : memref<16x128xf32, #tpu.memory_space<vmem>>, vector<1x16xf32>,
    %swap3A_553 = arith.constant 11 : i32
    %swap3A_554 = arith.index_cast %swap3A_553 : i32 to index
    %swap3A_555 = arith.constant 64 : index
    %swap3A_556 = tpu.vector_load %arg11[%swap3A_554, %swap3A_555] {strides = array<i32>} : memref<16x128xf32, #tpu.memory_space<vmem>>, vector<1x16xf32>,
    %swap3A_557 = vector.shape_cast %swap3A_556 : vector<1x16xf32> to vector<16xf32>
    %swap3A_558 = vector.shape_cast %broadcast_in_dim3A_1 : vector<16xf32> to vector<1x16xf32>
    tpu.vector_store %arg11[%swap3A_554, %swap3A_555], %swap3A_558 {strides = array<i32>} : memref<16x128xf32, #tpu.memory_space<vmem>>, vector<1x16xf32>,
    %swap3A_559 = arith.constant 11 : i32
    %swap3A_560 = arith.index_cast %swap3A_559 : i32 to index
    %swap3A_561 = arith.constant 80 : index
    %swap3A_562 = tpu.vector_load %arg11[%swap3A_560, %swap3A_561] {strides = array<i32>} : memref<16x128xf32, #tpu.memory_space<vmem>>, vector<1x16xf32>,
    %swap3A_563 = vector.shape_cast %swap3A_562 : vector<1x16xf32> to vector<16xf32>
    %swap3A_564 = vector.shape_cast %broadcast_in_dim3A_1 : vector<16xf32> to vector<1x16xf32>
    tpu.vector_store %arg11[%swap3A_560, %swap3A_561], %swap3A_564 {strides = array<i32>} : memref<16x128xf32, #tpu.memory_space<vmem>>, vector<1x16xf32>,
    %swap3A_565 = arith.constant 11 : i32
    %swap3A_566 = arith.index_cast %swap3A_565 : i32 to index
    %swap3A_567 = arith.constant 96 : index
    %swap3A_568 = tpu.vector_load %arg11[%swap3A_566, %swap3A_567] {strides = array<i32>} : memref<16x128xf32, #tpu.memory_space<vmem>>, vector<1x16xf32>,
    %swap3A_569 = vector.shape_cast %swap3A_568 : vector<1x16xf32> to vector<16xf32>
    %swap3A_570 = vector.shape_cast %broadcast_in_dim3A_1 : vector<16xf32> to vector<1x16xf32>
    tpu.vector_store %arg11[%swap3A_566, %swap3A_567], %swap3A_570 {strides = array<i32>} : memref<16x128xf32, #tpu.memory_space<vmem>>, vector<1x16xf32>,
    %swap3A_571 = arith.constant 11 : i32
    %swap3A_572 = arith.index_cast %swap3A_571 : i32 to index
    %swap3A_573 = arith.constant 112 : index
    %swap3A_574 = tpu.vector_load %arg11[%swap3A_572, %swap3A_573] {strides = array<i32>} : memref<16x128xf32, #tpu.memory_space<vmem>>, vector<1x16xf32>,
    %swap3A_575 = vector.shape_cast %swap3A_574 : vector<1x16xf32> to vector<16xf32>
    %swap3A_576 = vector.shape_cast %broadcast_in_dim3A_1 : vector<16xf32> to vector<1x16xf32>
    tpu.vector_store %arg11[%swap3A_572, %swap3A_573], %swap3A_576 {strides = array<i32>} : memref<16x128xf32, #tpu.memory_space<vmem>>, vector<1x16xf32>,
    %swap3A_577 = arith.constant 12 : i32
    %swap3A_578 = arith.index_cast %swap3A_577 : i32 to index
    %swap3A_579 = arith.constant 0 : index
    %swap3A_580 = tpu.vector_load %arg11[%swap3A_578, %swap3A_579] {strides = array<i32>} : memref<16x128xf32, #tpu.memory_space<vmem>>, vector<1x16xf32>,
    %swap3A_581 = vector.shape_cast %swap3A_580 : vector<1x16xf32> to vector<16xf32>
    %swap3A_582 = vector.shape_cast %broadcast_in_dim3A_1 : vector<16xf32> to vector<1x16xf32>
    tpu.vector_store %arg11[%swap3A_578, %swap3A_579], %swap3A_582 {strides = array<i32>} : memref<16x128xf32, #tpu.memory_space<vmem>>, vector<1x16xf32>,
    %swap3A_583 = arith.constant 12 : i32
    %swap3A_584 = arith.index_cast %swap3A_583 : i32 to index
    %swap3A_585 = arith.constant 16 : index
    %swap3A_586 = tpu.vector_load %arg11[%swap3A_584, %swap3A_585] {strides = array<i32>} : memref<16x128xf32, #tpu.memory_space<vmem>>, vector<1x16xf32>,
    %swap3A_587 = vector.shape_cast %swap3A_586 : vector<1x16xf32> to vector<16xf32>
    %swap3A_588 = vector.shape_cast %broadcast_in_dim3A_1 : vector<16xf32> to vector<1x16xf32>
    tpu.vector_store %arg11[%swap3A_584, %swap3A_585], %swap3A_588 {strides = array<i32>} : memref<16x128xf32, #tpu.memory_space<vmem>>, vector<1x16xf32>,
    %swap3A_589 = arith.constant 12 : i32
    %swap3A_590 = arith.index_cast %swap3A_589 : i32 to index
    %swap3A_591 = arith.constant 32 : index
    %swap3A_592 = tpu.vector_load %arg11[%swap3A_590, %swap3A_591] {strides = array<i32>} : memref<16x128xf32, #tpu.memory_space<vmem>>, vector<1x16xf32>,
    %swap3A_593 = vector.shape_cast %swap3A_592 : vector<1x16xf32> to vector<16xf32>
    %swap3A_594 = vector.shape_cast %broadcast_in_dim3A_1 : vector<16xf32> to vector<1x16xf32>
    tpu.vector_store %arg11[%swap3A_590, %swap3A_591], %swap3A_594 {strides = array<i32>} : memref<16x128xf32, #tpu.memory_space<vmem>>, vector<1x16xf32>,
    %swap3A_595 = arith.constant 12 : i32
    %swap3A_596 = arith.index_cast %swap3A_595 : i32 to index
    %swap3A_597 = arith.constant 48 : index
    %swap3A_598 = tpu.vector_load %arg11[%swap3A_596, %swap3A_597] {strides = array<i32>} : memref<16x128xf32, #tpu.memory_space<vmem>>, vector<1x16xf32>,
    %swap3A_599 = vector.shape_cast %swap3A_598 : vector<1x16xf32> to vector<16xf32>
    %swap3A_600 = vector.shape_cast %broadcast_in_dim3A_1 : vector<16xf32> to vector<1x16xf32>
    tpu.vector_store %arg11[%swap3A_596, %swap3A_597], %swap3A_600 {strides = array<i32>} : memref<16x128xf32, #tpu.memory_space<vmem>>, vector<1x16xf32>,
    %swap3A_601 = arith.constant 12 : i32
    %swap3A_602 = arith.index_cast %swap3A_601 : i32 to index
    %swap3A_603 = arith.constant 64 : index
    %swap3A_604 = tpu.vector_load %arg11[%swap3A_602, %swap3A_603] {strides = array<i32>} : memref<16x128xf32, #tpu.memory_space<vmem>>, vector<1x16xf32>,
    %swap3A_605 = vector.shape_cast %swap3A_604 : vector<1x16xf32> to vector<16xf32>
    %swap3A_606 = vector.shape_cast %broadcast_in_dim3A_1 : vector<16xf32> to vector<1x16xf32>
    tpu.vector_store %arg11[%swap3A_602, %swap3A_603], %swap3A_606 {strides = array<i32>} : memref<16x128xf32, #tpu.memory_space<vmem>>, vector<1x16xf32>,
    %swap3A_607 = arith.constant 12 : i32
    %swap3A_608 = arith.index_cast %swap3A_607 : i32 to index
    %swap3A_609 = arith.constant 80 : index
    %swap3A_610 = tpu.vector_load %arg11[%swap3A_608, %swap3A_609] {strides = array<i32>} : memref<16x128xf32, #tpu.memory_space<vmem>>, vector<1x16xf32>,
    %swap3A_611 = vector.shape_cast %swap3A_610 : vector<1x16xf32> to vector<16xf32>
    %swap3A_612 = vector.shape_cast %broadcast_in_dim3A_1 : vector<16xf32> to vector<1x16xf32>
    tpu.vector_store %arg11[%swap3A_608, %swap3A_609], %swap3A_612 {strides = array<i32>} : memref<16x128xf32, #tpu.memory_space<vmem>>, vector<1x16xf32>,
    %swap3A_613 = arith.constant 12 : i32
    %swap3A_614 = arith.index_cast %swap3A_613 : i32 to index
    %swap3A_615 = arith.constant 96 : index
    %swap3A_616 = tpu.vector_load %arg11[%swap3A_614, %swap3A_615] {strides = array<i32>} : memref<16x128xf32, #tpu.memory_space<vmem>>, vector<1x16xf32>,
    %swap3A_617 = vector.shape_cast %swap3A_616 : vector<1x16xf32> to vector<16xf32>
    %swap3A_618 = vector.shape_cast %broadcast_in_dim3A_1 : vector<16xf32> to vector<1x16xf32>
    tpu.vector_store %arg11[%swap3A_614, %swap3A_615], %swap3A_618 {strides = array<i32>} : memref<16x128xf32, #tpu.memory_space<vmem>>, vector<1x16xf32>,
    %swap3A_619 = arith.constant 12 : i32
    %swap3A_620 = arith.index_cast %swap3A_619 : i32 to index
    %swap3A_621 = arith.constant 112 : index
    %swap3A_622 = tpu.vector_load %arg11[%swap3A_620, %swap3A_621] {strides = array<i32>} : memref<16x128xf32, #tpu.memory_space<vmem>>, vector<1x16xf32>,
    %swap3A_623 = vector.shape_cast %swap3A_622 : vector<1x16xf32> to vector<16xf32>
    %swap3A_624 = vector.shape_cast %broadcast_in_dim3A_1 : vector<16xf32> to vector<1x16xf32>
    tpu.vector_store %arg11[%swap3A_620, %swap3A_621], %swap3A_624 {strides = array<i32>} : memref<16x128xf32, #tpu.memory_space<vmem>>, vector<1x16xf32>,
    %swap3A_625 = arith.constant 13 : i32
    %swap3A_626 = arith.index_cast %swap3A_625 : i32 to index
    %swap3A_627 = arith.constant 0 : index
    %swap3A_628 = tpu.vector_load %arg11[%swap3A_626, %swap3A_627] {strides = array<i32>} : memref<16x128xf32, #tpu.memory_space<vmem>>, vector<1x16xf32>,
    %swap3A_629 = vector.shape_cast %swap3A_628 : vector<1x16xf32> to vector<16xf32>
    %swap3A_630 = vector.shape_cast %broadcast_in_dim3A_1 : vector<16xf32> to vector<1x16xf32>
    tpu.vector_store %arg11[%swap3A_626, %swap3A_627], %swap3A_630 {strides = array<i32>} : memref<16x128xf32, #tpu.memory_space<vmem>>, vector<1x16xf32>,
    %swap3A_631 = arith.constant 13 : i32
    %swap3A_632 = arith.index_cast %swap3A_631 : i32 to index
    %swap3A_633 = arith.constant 16 : index
    %swap3A_634 = tpu.vector_load %arg11[%swap3A_632, %swap3A_633] {strides = array<i32>} : memref<16x128xf32, #tpu.memory_space<vmem>>, vector<1x16xf32>,
    %swap3A_635 = vector.shape_cast %swap3A_634 : vector<1x16xf32> to vector<16xf32>
    %swap3A_636 = vector.shape_cast %broadcast_in_dim3A_1 : vector<16xf32> to vector<1x16xf32>
    tpu.vector_store %arg11[%swap3A_632, %swap3A_633], %swap3A_636 {strides = array<i32>} : memref<16x128xf32, #tpu.memory_space<vmem>>, vector<1x16xf32>,
    %swap3A_637 = arith.constant 13 : i32
    %swap3A_638 = arith.index_cast %swap3A_637 : i32 to index
    %swap3A_639 = arith.constant 32 : index
    %swap3A_640 = tpu.vector_load %arg11[%swap3A_638, %swap3A_639] {strides = array<i32>} : memref<16x128xf32, #tpu.memory_space<vmem>>, vector<1x16xf32>,
    %swap3A_641 = vector.shape_cast %swap3A_640 : vector<1x16xf32> to vector<16xf32>
    %swap3A_642 = vector.shape_cast %broadcast_in_dim3A_1 : vector<16xf32> to vector<1x16xf32>
    tpu.vector_store %arg11[%swap3A_638, %swap3A_639], %swap3A_642 {strides = array<i32>} : memref<16x128xf32, #tpu.memory_space<vmem>>, vector<1x16xf32>,
    %swap3A_643 = arith.constant 13 : i32
    %swap3A_644 = arith.index_cast %swap3A_643 : i32 to index
    %swap3A_645 = arith.constant 48 : index
    %swap3A_646 = tpu.vector_load %arg11[%swap3A_644, %swap3A_645] {strides = array<i32>} : memref<16x128xf32, #tpu.memory_space<vmem>>, vector<1x16xf32>,
    %swap3A_647 = vector.shape_cast %swap3A_646 : vector<1x16xf32> to vector<16xf32>
    %swap3A_648 = vector.shape_cast %broadcast_in_dim3A_1 : vector<16xf32> to vector<1x16xf32>
    tpu.vector_store %arg11[%swap3A_644, %swap3A_645], %swap3A_648 {strides = array<i32>} : memref<16x128xf32, #tpu.memory_space<vmem>>, vector<1x16xf32>,
    %swap3A_649 = arith.constant 13 : i32
    %swap3A_650 = arith.index_cast %swap3A_649 : i32 to index
    %swap3A_651 = arith.constant 64 : index
    %swap3A_652 = tpu.vector_load %arg11[%swap3A_650, %swap3A_651] {strides = array<i32>} : memref<16x128xf32, #tpu.memory_space<vmem>>, vector<1x16xf32>,
    %swap3A_653 = vector.shape_cast %swap3A_652 : vector<1x16xf32> to vector<16xf32>
    %swap3A_654 = vector.shape_cast %broadcast_in_dim3A_1 : vector<16xf32> to vector<1x16xf32>
    tpu.vector_store %arg11[%swap3A_650, %swap3A_651], %swap3A_654 {strides = array<i32>} : memref<16x128xf32, #tpu.memory_space<vmem>>, vector<1x16xf32>,
    %swap3A_655 = arith.constant 13 : i32
    %swap3A_656 = arith.index_cast %swap3A_655 : i32 to index
    %swap3A_657 = arith.constant 80 : index
    %swap3A_658 = tpu.vector_load %arg11[%swap3A_656, %swap3A_657] {strides = array<i32>} : memref<16x128xf32, #tpu.memory_space<vmem>>, vector<1x16xf32>,
    %swap3A_659 = vector.shape_cast %swap3A_658 : vector<1x16xf32> to vector<16xf32>
    %swap3A_660 = vector.shape_cast %broadcast_in_dim3A_1 : vector<16xf32> to vector<1x16xf32>
    tpu.vector_store %arg11[%swap3A_656, %swap3A_657], %swap3A_660 {strides = array<i32>} : memref<16x128xf32, #tpu.memory_space<vmem>>, vector<1x16xf32>,
    %swap3A_661 = arith.constant 13 : i32
    %swap3A_662 = arith.index_cast %swap3A_661 : i32 to index
    %swap3A_663 = arith.constant 96 : index
    %swap3A_664 = tpu.vector_load %arg11[%swap3A_662, %swap3A_663] {strides = array<i32>} : memref<16x128xf32, #tpu.memory_space<vmem>>, vector<1x16xf32>,
    %swap3A_665 = vector.shape_cast %swap3A_664 : vector<1x16xf32> to vector<16xf32>
    %swap3A_666 = vector.shape_cast %broadcast_in_dim3A_1 : vector<16xf32> to vector<1x16xf32>
    tpu.vector_store %arg11[%swap3A_662, %swap3A_663], %swap3A_666 {strides = array<i32>} : memref<16x128xf32, #tpu.memory_space<vmem>>, vector<1x16xf32>,
    %swap3A_667 = arith.constant 13 : i32
    %swap3A_668 = arith.index_cast %swap3A_667 : i32 to index
    %swap3A_669 = arith.constant 112 : index
    %swap3A_670 = tpu.vector_load %arg11[%swap3A_668, %swap3A_669] {strides = array<i32>} : memref<16x128xf32, #tpu.memory_space<vmem>>, vector<1x16xf32>,
    %swap3A_671 = vector.shape_cast %swap3A_670 : vector<1x16xf32> to vector<16xf32>
    %swap3A_672 = vector.shape_cast %broadcast_in_dim3A_1 : vector<16xf32> to vector<1x16xf32>
    tpu.vector_store %arg11[%swap3A_668, %swap3A_669], %swap3A_672 {strides = array<i32>} : memref<16x128xf32, #tpu.memory_space<vmem>>, vector<1x16xf32>,
    %swap3A_673 = arith.constant 14 : i32
    %swap3A_674 = arith.index_cast %swap3A_673 : i32 to index
    %swap3A_675 = arith.constant 0 : index
    %swap3A_676 = tpu.vector_load %arg11[%swap3A_674, %swap3A_675] {strides = array<i32>} : memref<16x128xf32, #tpu.memory_space<vmem>>, vector<1x16xf32>,
    %swap3A_677 = vector.shape_cast %swap3A_676 : vector<1x16xf32> to vector<16xf32>
    %swap3A_678 = vector.shape_cast %broadcast_in_dim3A_1 : vector<16xf32> to vector<1x16xf32>
    tpu.vector_store %arg11[%swap3A_674, %swap3A_675], %swap3A_678 {strides = array<i32>} : memref<16x128xf32, #tpu.memory_space<vmem>>, vector<1x16xf32>,
    %swap3A_679 = arith.constant 14 : i32
    %swap3A_680 = arith.index_cast %swap3A_679 : i32 to index
    %swap3A_681 = arith.constant 16 : index
    %swap3A_682 = tpu.vector_load %arg11[%swap3A_680, %swap3A_681] {strides = array<i32>} : memref<16x128xf32, #tpu.memory_space<vmem>>, vector<1x16xf32>,
    %swap3A_683 = vector.shape_cast %swap3A_682 : vector<1x16xf32> to vector<16xf32>
    %swap3A_684 = vector.shape_cast %broadcast_in_dim3A_1 : vector<16xf32> to vector<1x16xf32>
    tpu.vector_store %arg11[%swap3A_680, %swap3A_681], %swap3A_684 {strides = array<i32>} : memref<16x128xf32, #tpu.memory_space<vmem>>, vector<1x16xf32>,
    %swap3A_685 = arith.constant 14 : i32
    %swap3A_686 = arith.index_cast %swap3A_685 : i32 to index
    %swap3A_687 = arith.constant 32 : index
    %swap3A_688 = tpu.vector_load %arg11[%swap3A_686, %swap3A_687] {strides = array<i32>} : memref<16x128xf32, #tpu.memory_space<vmem>>, vector<1x16xf32>,
    %swap3A_689 = vector.shape_cast %swap3A_688 : vector<1x16xf32> to vector<16xf32>
    %swap3A_690 = vector.shape_cast %broadcast_in_dim3A_1 : vector<16xf32> to vector<1x16xf32>
    tpu.vector_store %arg11[%swap3A_686, %swap3A_687], %swap3A_690 {strides = array<i32>} : memref<16x128xf32, #tpu.memory_space<vmem>>, vector<1x16xf32>,
    %swap3A_691 = arith.constant 14 : i32
    %swap3A_692 = arith.index_cast %swap3A_691 : i32 to index
    %swap3A_693 = arith.constant 48 : index
    %swap3A_694 = tpu.vector_load %arg11[%swap3A_692, %swap3A_693] {strides = array<i32>} : memref<16x128xf32, #tpu.memory_space<vmem>>, vector<1x16xf32>,
    %swap3A_695 = vector.shape_cast %swap3A_694 : vector<1x16xf32> to vector<16xf32>
    %swap3A_696 = vector.shape_cast %broadcast_in_dim3A_1 : vector<16xf32> to vector<1x16xf32>
    tpu.vector_store %arg11[%swap3A_692, %swap3A_693], %swap3A_696 {strides = array<i32>} : memref<16x128xf32, #tpu.memory_space<vmem>>, vector<1x16xf32>,
    %swap3A_697 = arith.constant 14 : i32
    %swap3A_698 = arith.index_cast %swap3A_697 : i32 to index
    %swap3A_699 = arith.constant 64 : index
    %swap3A_700 = tpu.vector_load %arg11[%swap3A_698, %swap3A_699] {strides = array<i32>} : memref<16x128xf32, #tpu.memory_space<vmem>>, vector<1x16xf32>,
    %swap3A_701 = vector.shape_cast %swap3A_700 : vector<1x16xf32> to vector<16xf32>
    %swap3A_702 = vector.shape_cast %broadcast_in_dim3A_1 : vector<16xf32> to vector<1x16xf32>
    tpu.vector_store %arg11[%swap3A_698, %swap3A_699], %swap3A_702 {strides = array<i32>} : memref<16x128xf32, #tpu.memory_space<vmem>>, vector<1x16xf32>,
    %swap3A_703 = arith.constant 14 : i32
    %swap3A_704 = arith.index_cast %swap3A_703 : i32 to index
    %swap3A_705 = arith.constant 80 : index
    %swap3A_706 = tpu.vector_load %arg11[%swap3A_704, %swap3A_705] {strides = array<i32>} : memref<16x128xf32, #tpu.memory_space<vmem>>, vector<1x16xf32>,
    %swap3A_707 = vector.shape_cast %swap3A_706 : vector<1x16xf32> to vector<16xf32>
    %swap3A_708 = vector.shape_cast %broadcast_in_dim3A_1 : vector<16xf32> to vector<1x16xf32>
    tpu.vector_store %arg11[%swap3A_704, %swap3A_705], %swap3A_708 {strides = array<i32>} : memref<16x128xf32, #tpu.memory_space<vmem>>, vector<1x16xf32>,
    %swap3A_709 = arith.constant 14 : i32
    %swap3A_710 = arith.index_cast %swap3A_709 : i32 to index
    %swap3A_711 = arith.constant 96 : index
    %swap3A_712 = tpu.vector_load %arg11[%swap3A_710, %swap3A_711] {strides = array<i32>} : memref<16x128xf32, #tpu.memory_space<vmem>>, vector<1x16xf32>,
    %swap3A_713 = vector.shape_cast %swap3A_712 : vector<1x16xf32> to vector<16xf32>
    %swap3A_714 = vector.shape_cast %broadcast_in_dim3A_1 : vector<16xf32> to vector<1x16xf32>
    tpu.vector_store %arg11[%swap3A_710, %swap3A_711], %swap3A_714 {strides = array<i32>} : memref<16x128xf32, #tpu.memory_space<vmem>>, vector<1x16xf32>,
    %swap3A_715 = arith.constant 14 : i32
    %swap3A_716 = arith.index_cast %swap3A_715 : i32 to index
    %swap3A_717 = arith.constant 112 : index
    %swap3A_718 = tpu.vector_load %arg11[%swap3A_716, %swap3A_717] {strides = array<i32>} : memref<16x128xf32, #tpu.memory_space<vmem>>, vector<1x16xf32>,
    %swap3A_719 = vector.shape_cast %swap3A_718 : vector<1x16xf32> to vector<16xf32>
    %swap3A_720 = vector.shape_cast %broadcast_in_dim3A_1 : vector<16xf32> to vector<1x16xf32>
    tpu.vector_store %arg11[%swap3A_716, %swap3A_717], %swap3A_720 {strides = array<i32>} : memref<16x128xf32, #tpu.memory_space<vmem>>, vector<1x16xf32>,
    %swap3A_721 = arith.constant 15 : i32
    %swap3A_722 = arith.index_cast %swap3A_721 : i32 to index
    %swap3A_723 = arith.constant 0 : index
    %swap3A_724 = tpu.vector_load %arg11[%swap3A_722, %swap3A_723] {strides = array<i32>} : memref<16x128xf32, #tpu.memory_space<vmem>>, vector<1x16xf32>,
    %swap3A_725 = vector.shape_cast %swap3A_724 : vector<1x16xf32> to vector<16xf32>
    %swap3A_726 = vector.shape_cast %broadcast_in_dim3A_1 : vector<16xf32> to vector<1x16xf32>
    tpu.vector_store %arg11[%swap3A_722, %swap3A_723], %swap3A_726 {strides = array<i32>} : memref<16x128xf32, #tpu.memory_space<vmem>>, vector<1x16xf32>,
    %swap3A_727 = arith.constant 15 : i32
    %swap3A_728 = arith.index_cast %swap3A_727 : i32 to index
    %swap3A_729 = arith.constant 16 : index
    %swap3A_730 = tpu.vector_load %arg11[%swap3A_728, %swap3A_729] {strides = array<i32>} : memref<16x128xf32, #tpu.memory_space<vmem>>, vector<1x16xf32>,
    %swap3A_731 = vector.shape_cast %swap3A_730 : vector<1x16xf32> to vector<16xf32>
    %swap3A_732 = vector.shape_cast %broadcast_in_dim3A_1 : vector<16xf32> to vector<1x16xf32>
    tpu.vector_store %arg11[%swap3A_728, %swap3A_729], %swap3A_732 {strides = array<i32>} : memref<16x128xf32, #tpu.memory_space<vmem>>, vector<1x16xf32>,
    %swap3A_733 = arith.constant 15 : i32
    %swap3A_734 = arith.index_cast %swap3A_733 : i32 to index
    %swap3A_735 = arith.constant 32 : index
    %swap3A_736 = tpu.vector_load %arg11[%swap3A_734, %swap3A_735] {strides = array<i32>} : memref<16x128xf32, #tpu.memory_space<vmem>>, vector<1x16xf32>,
    %swap3A_737 = vector.shape_cast %swap3A_736 : vector<1x16xf32> to vector<16xf32>
    %swap3A_738 = vector.shape_cast %broadcast_in_dim3A_1 : vector<16xf32> to vector<1x16xf32>
    tpu.vector_store %arg11[%swap3A_734, %swap3A_735], %swap3A_738 {strides = array<i32>} : memref<16x128xf32, #tpu.memory_space<vmem>>, vector<1x16xf32>,
    %swap3A_739 = arith.constant 15 : i32
    %swap3A_740 = arith.index_cast %swap3A_739 : i32 to index
    %swap3A_741 = arith.constant 48 : index
    %swap3A_742 = tpu.vector_load %arg11[%swap3A_740, %swap3A_741] {strides = array<i32>} : memref<16x128xf32, #tpu.memory_space<vmem>>, vector<1x16xf32>,
    %swap3A_743 = vector.shape_cast %swap3A_742 : vector<1x16xf32> to vector<16xf32>
    %swap3A_744 = vector.shape_cast %broadcast_in_dim3A_1 : vector<16xf32> to vector<1x16xf32>
    tpu.vector_store %arg11[%swap3A_740, %swap3A_741], %swap3A_744 {strides = array<i32>} : memref<16x128xf32, #tpu.memory_space<vmem>>, vector<1x16xf32>,
    %swap3A_745 = arith.constant 15 : i32
    %swap3A_746 = arith.index_cast %swap3A_745 : i32 to index
    %swap3A_747 = arith.constant 64 : index
    %swap3A_748 = tpu.vector_load %arg11[%swap3A_746, %swap3A_747] {strides = array<i32>} : memref<16x128xf32, #tpu.memory_space<vmem>>, vector<1x16xf32>,
    %swap3A_749 = vector.shape_cast %swap3A_748 : vector<1x16xf32> to vector<16xf32>
    %swap3A_750 = vector.shape_cast %broadcast_in_dim3A_1 : vector<16xf32> to vector<1x16xf32>
    tpu.vector_store %arg11[%swap3A_746, %swap3A_747], %swap3A_750 {strides = array<i32>} : memref<16x128xf32, #tpu.memory_space<vmem>>, vector<1x16xf32>,
    %swap3A_751 = arith.constant 15 : i32
    %swap3A_752 = arith.index_cast %swap3A_751 : i32 to index
    %swap3A_753 = arith.constant 80 : index
    %swap3A_754 = tpu.vector_load %arg11[%swap3A_752, %swap3A_753] {strides = array<i32>} : memref<16x128xf32, #tpu.memory_space<vmem>>, vector<1x16xf32>,
    %swap3A_755 = vector.shape_cast %swap3A_754 : vector<1x16xf32> to vector<16xf32>
    %swap3A_756 = vector.shape_cast %broadcast_in_dim3A_1 : vector<16xf32> to vector<1x16xf32>
    tpu.vector_store %arg11[%swap3A_752, %swap3A_753], %swap3A_756 {strides = array<i32>} : memref<16x128xf32, #tpu.memory_space<vmem>>, vector<1x16xf32>,
    %swap3A_757 = arith.constant 15 : i32
    %swap3A_758 = arith.index_cast %swap3A_757 : i32 to index
    %swap3A_759 = arith.constant 96 : index
    %swap3A_760 = tpu.vector_load %arg11[%swap3A_758, %swap3A_759] {strides = array<i32>} : memref<16x128xf32, #tpu.memory_space<vmem>>, vector<1x16xf32>,
    %swap3A_761 = vector.shape_cast %swap3A_760 : vector<1x16xf32> to vector<16xf32>
    %swap3A_762 = vector.shape_cast %broadcast_in_dim3A_1 : vector<16xf32> to vector<1x16xf32>
    tpu.vector_store %arg11[%swap3A_758, %swap3A_759], %swap3A_762 {strides = array<i32>} : memref<16x128xf32, #tpu.memory_space<vmem>>, vector<1x16xf32>,
    %swap3A_763 = arith.constant 15 : i32
    %swap3A_764 = arith.index_cast %swap3A_763 : i32 to index
    %swap3A_765 = arith.constant 112 : index
    %swap3A_766 = tpu.vector_load %arg11[%swap3A_764, %swap3A_765] {strides = array<i32>} : memref<16x128xf32, #tpu.memory_space<vmem>>, vector<1x16xf32>,
    %swap3A_767 = vector.shape_cast %swap3A_766 : vector<1x16xf32> to vector<16xf32>
    %swap3A_768 = vector.shape_cast %broadcast_in_dim3A_1 : vector<16xf32> to vector<1x16xf32>
    tpu.vector_store %arg11[%swap3A_764, %swap3A_765], %swap3A_768 {strides = array<i32>} : memref<16x128xf32, #tpu.memory_space<vmem>>, vector<1x16xf32>,
    %mul3A_769 = arith.constant 256 : i32
    %mul3A_770 = arith.muli %arg1, %mul3A_769 : i32
    %add3A = arith.constant 0 : i32
    %add3A_771 = arith.addi %mul3A_770, %add3A : i32
    "tpu.region"() ({
      %run_scoped3A = tpu.sem_alloc : memref<!tpu.dma_semaphore, #tpu.memory_space<semaphore_mem>>
      %dma_start3A = arith.constant 0 : i32
      %dma_start3A_847 = tpu.memref_slice %arg12[%add3A_771, %dma_start3A] : memref<4096x128xf32, #tpu.memory_space<vmem_shared>> -> memref<16x128xf32, #tpu.memory_space<vmem_shared>>
      %dma_start3A_848 = arith.constant 0 : i32
      %dma_start3A_849 = tpu.memref_slice %arg12[%add3A_771, %dma_start3A_848] : memref<4096x128xf32, #tpu.memory_space<vmem_shared>> -> memref<16x128xf32, #tpu.memory_space<vmem_shared>>
      tpu.enqueue_dma source(%arg11 : memref<16x128xf32, #tpu.memory_space<vmem>>) target(%dma_start3A_849 : memref<16x128xf32, #tpu.memory_space<vmem_shared>>) target_semaphore(%run_scoped3A : memref<!tpu.dma_semaphore, #tpu.memory_space<semaphore_mem>>)
      %dma_wait3A = arith.constant 0 : i32
      %dma_wait3A_850 = tpu.memref_slice %arg12[%add3A_771, %dma_wait3A] : memref<4096x128xf32, #tpu.memory_space<vmem_shared>> -> memref<16x128xf32, #tpu.memory_space<vmem_shared>>
      %dma_wait3A_851 = arith.constant 0 : i32
      %dma_wait3A_852 = tpu.memref_slice %arg12[%add3A_771, %dma_wait3A_851] : memref<4096x128xf32, #tpu.memory_space<vmem_shared>> -> memref<16x128xf32, #tpu.memory_space<vmem_shared>>
      tpu.wait_dma2 semaphore(%run_scoped3A : memref<!tpu.dma_semaphore, #tpu.memory_space<semaphore_mem>>) src(%arg11 : memref<16x128xf32, #tpu.memory_space<vmem>>) dst(%dma_wait3A_852 : memref<16x128xf32, #tpu.memory_space<vmem_shared>>)
      tpu.yield
    }) : () -> ()
    %mul3A_772 = arith.constant 256 : i32
    %mul3A_773 = arith.muli %arg1, %mul3A_772 : i32
    %add3A_774 = arith.constant 16 : i32
    %add3A_775 = arith.addi %mul3A_773, %add3A_774 : i32
    "tpu.region"() ({
      %run_scoped3A = tpu.sem_alloc : memref<!tpu.dma_semaphore, #tpu.memory_space<semaphore_mem>>
      %dma_start3A = arith.constant 0 : i32
      %dma_start3A_847 = tpu.memref_slice %arg12[%add3A_775, %dma_start3A] : memref<4096x128xf32, #tpu.memory_space<vmem_shared>> -> memref<16x128xf32, #tpu.memory_space<vmem_shared>>
      %dma_start3A_848 = arith.constant 0 : i32
      %dma_start3A_849 = tpu.memref_slice %arg12[%add3A_775, %dma_start3A_848] : memref<4096x128xf32, #tpu.memory_space<vmem_shared>> -> memref<16x128xf32, #tpu.memory_space<vmem_shared>>
      tpu.enqueue_dma source(%arg11 : memref<16x128xf32, #tpu.memory_space<vmem>>) target(%dma_start3A_849 : memref<16x128xf32, #tpu.memory_space<vmem_shared>>) target_semaphore(%run_scoped3A : memref<!tpu.dma_semaphore, #tpu.memory_space<semaphore_mem>>)
      %dma_wait3A = arith.constant 0 : i32
      %dma_wait3A_850 = tpu.memref_slice %arg12[%add3A_775, %dma_wait3A] : memref<4096x128xf32, #tpu.memory_space<vmem_shared>> -> memref<16x128xf32, #tpu.memory_space<vmem_shared>>
      %dma_wait3A_851 = arith.constant 0 : i32
      %dma_wait3A_852 = tpu.memref_slice %arg12[%add3A_775, %dma_wait3A_851] : memref<4096x128xf32, #tpu.memory_space<vmem_shared>> -> memref<16x128xf32, #tpu.memory_space<vmem_shared>>
      tpu.wait_dma2 semaphore(%run_scoped3A : memref<!tpu.dma_semaphore, #tpu.memory_space<semaphore_mem>>) src(%arg11 : memref<16x128xf32, #tpu.memory_space<vmem>>) dst(%dma_wait3A_852 : memref<16x128xf32, #tpu.memory_space<vmem_shared>>)
      tpu.yield
    }) : () -> ()
    %mul3A_776 = arith.constant 256 : i32
    %mul3A_777 = arith.muli %arg1, %mul3A_776 : i32
    %add3A_778 = arith.constant 32 : i32
    %add3A_779 = arith.addi %mul3A_777, %add3A_778 : i32
    "tpu.region"() ({
      %run_scoped3A = tpu.sem_alloc : memref<!tpu.dma_semaphore, #tpu.memory_space<semaphore_mem>>
      %dma_start3A = arith.constant 0 : i32
      %dma_start3A_847 = tpu.memref_slice %arg12[%add3A_779, %dma_start3A] : memref<4096x128xf32, #tpu.memory_space<vmem_shared>> -> memref<16x128xf32, #tpu.memory_space<vmem_shared>>
      %dma_start3A_848 = arith.constant 0 : i32
      %dma_start3A_849 = tpu.memref_slice %arg12[%add3A_779, %dma_start3A_848] : memref<4096x128xf32, #tpu.memory_space<vmem_shared>> -> memref<16x128xf32, #tpu.memory_space<vmem_shared>>
      tpu.enqueue_dma source(%arg11 : memref<16x128xf32, #tpu.memory_space<vmem>>) target(%dma_start3A_849 : memref<16x128xf32, #tpu.memory_space<vmem_shared>>) target_semaphore(%run_scoped3A : memref<!tpu.dma_semaphore, #tpu.memory_space<semaphore_mem>>)
      %dma_wait3A = arith.constant 0 : i32
      %dma_wait3A_850 = tpu.memref_slice %arg12[%add3A_779, %dma_wait3A] : memref<4096x128xf32, #tpu.memory_space<vmem_shared>> -> memref<16x128xf32, #tpu.memory_space<vmem_shared>>
      %dma_wait3A_851 = arith.constant 0 : i32
      %dma_wait3A_852 = tpu.memref_slice %arg12[%add3A_779, %dma_wait3A_851] : memref<4096x128xf32, #tpu.memory_space<vmem_shared>> -> memref<16x128xf32, #tpu.memory_space<vmem_shared>>
      tpu.wait_dma2 semaphore(%run_scoped3A : memref<!tpu.dma_semaphore, #tpu.memory_space<semaphore_mem>>) src(%arg11 : memref<16x128xf32, #tpu.memory_space<vmem>>) dst(%dma_wait3A_852 : memref<16x128xf32, #tpu.memory_space<vmem_shared>>)
      tpu.yield
    }) : () -> ()
    %mul3A_780 = arith.constant 256 : i32
    %mul3A_781 = arith.muli %arg1, %mul3A_780 : i32
    %add3A_782 = arith.constant 48 : i32
    %add3A_783 = arith.addi %mul3A_781, %add3A_782 : i32
    "tpu.region"() ({
      %run_scoped3A = tpu.sem_alloc : memref<!tpu.dma_semaphore, #tpu.memory_space<semaphore_mem>>
      %dma_start3A = arith.constant 0 : i32
      %dma_start3A_847 = tpu.memref_slice %arg12[%add3A_783, %dma_start3A] : memref<4096x128xf32, #tpu.memory_space<vmem_shared>> -> memref<16x128xf32, #tpu.memory_space<vmem_shared>>
      %dma_start3A_848 = arith.constant 0 : i32
      %dma_start3A_849 = tpu.memref_slice %arg12[%add3A_783, %dma_start3A_848] : memref<4096x128xf32, #tpu.memory_space<vmem_shared>> -> memref<16x128xf32, #tpu.memory_space<vmem_shared>>
      tpu.enqueue_dma source(%arg11 : memref<16x128xf32, #tpu.memory_space<vmem>>) target(%dma_start3A_849 : memref<16x128xf32, #tpu.memory_space<vmem_shared>>) target_semaphore(%run_scoped3A : memref<!tpu.dma_semaphore, #tpu.memory_space<semaphore_mem>>)
      %dma_wait3A = arith.constant 0 : i32
      %dma_wait3A_850 = tpu.memref_slice %arg12[%add3A_783, %dma_wait3A] : memref<4096x128xf32, #tpu.memory_space<vmem_shared>> -> memref<16x128xf32, #tpu.memory_space<vmem_shared>>
      %dma_wait3A_851 = arith.constant 0 : i32
      %dma_wait3A_852 = tpu.memref_slice %arg12[%add3A_783, %dma_wait3A_851] : memref<4096x128xf32, #tpu.memory_space<vmem_shared>> -> memref<16x128xf32, #tpu.memory_space<vmem_shared>>
      tpu.wait_dma2 semaphore(%run_scoped3A : memref<!tpu.dma_semaphore, #tpu.memory_space<semaphore_mem>>) src(%arg11 : memref<16x128xf32, #tpu.memory_space<vmem>>) dst(%dma_wait3A_852 : memref<16x128xf32, #tpu.memory_space<vmem_shared>>)
      tpu.yield
    }) : () -> ()
    %mul3A_784 = arith.constant 256 : i32
    %mul3A_785 = arith.muli %arg1, %mul3A_784 : i32
    %add3A_786 = arith.constant 64 : i32
    %add3A_787 = arith.addi %mul3A_785, %add3A_786 : i32
    "tpu.region"() ({
      %run_scoped3A = tpu.sem_alloc : memref<!tpu.dma_semaphore, #tpu.memory_space<semaphore_mem>>
      %dma_start3A = arith.constant 0 : i32
      %dma_start3A_847 = tpu.memref_slice %arg12[%add3A_787, %dma_start3A] : memref<4096x128xf32, #tpu.memory_space<vmem_shared>> -> memref<16x128xf32, #tpu.memory_space<vmem_shared>>
      %dma_start3A_848 = arith.constant 0 : i32
      %dma_start3A_849 = tpu.memref_slice %arg12[%add3A_787, %dma_start3A_848] : memref<4096x128xf32, #tpu.memory_space<vmem_shared>> -> memref<16x128xf32, #tpu.memory_space<vmem_shared>>
      tpu.enqueue_dma source(%arg11 : memref<16x128xf32, #tpu.memory_space<vmem>>) target(%dma_start3A_849 : memref<16x128xf32, #tpu.memory_space<vmem_shared>>) target_semaphore(%run_scoped3A : memref<!tpu.dma_semaphore, #tpu.memory_space<semaphore_mem>>)
      %dma_wait3A = arith.constant 0 : i32
      %dma_wait3A_850 = tpu.memref_slice %arg12[%add3A_787, %dma_wait3A] : memref<4096x128xf32, #tpu.memory_space<vmem_shared>> -> memref<16x128xf32, #tpu.memory_space<vmem_shared>>
      %dma_wait3A_851 = arith.constant 0 : i32
      %dma_wait3A_852 = tpu.memref_slice %arg12[%add3A_787, %dma_wait3A_851] : memref<4096x128xf32, #tpu.memory_space<vmem_shared>> -> memref<16x128xf32, #tpu.memory_space<vmem_shared>>
      tpu.wait_dma2 semaphore(%run_scoped3A : memref<!tpu.dma_semaphore, #tpu.memory_space<semaphore_mem>>) src(%arg11 : memref<16x128xf32, #tpu.memory_space<vmem>>) dst(%dma_wait3A_852 : memref<16x128xf32, #tpu.memory_space<vmem_shared>>)
      tpu.yield
    }) : () -> ()
    %mul3A_788 = arith.constant 256 : i32
    %mul3A_789 = arith.muli %arg1, %mul3A_788 : i32
    %add3A_790 = arith.constant 80 : i32
    %add3A_791 = arith.addi %mul3A_789, %add3A_790 : i32
    "tpu.region"() ({
      %run_scoped3A = tpu.sem_alloc : memref<!tpu.dma_semaphore, #tpu.memory_space<semaphore_mem>>
      %dma_start3A = arith.constant 0 : i32
      %dma_start3A_847 = tpu.memref_slice %arg12[%add3A_791, %dma_start3A] : memref<4096x128xf32, #tpu.memory_space<vmem_shared>> -> memref<16x128xf32, #tpu.memory_space<vmem_shared>>
      %dma_start3A_848 = arith.constant 0 : i32
      %dma_start3A_849 = tpu.memref_slice %arg12[%add3A_791, %dma_start3A_848] : memref<4096x128xf32, #tpu.memory_space<vmem_shared>> -> memref<16x128xf32, #tpu.memory_space<vmem_shared>>
      tpu.enqueue_dma source(%arg11 : memref<16x128xf32, #tpu.memory_space<vmem>>) target(%dma_start3A_849 : memref<16x128xf32, #tpu.memory_space<vmem_shared>>) target_semaphore(%run_scoped3A : memref<!tpu.dma_semaphore, #tpu.memory_space<semaphore_mem>>)
      %dma_wait3A = arith.constant 0 : i32
      %dma_wait3A_850 = tpu.memref_slice %arg12[%add3A_791, %dma_wait3A] : memref<4096x128xf32, #tpu.memory_space<vmem_shared>> -> memref<16x128xf32, #tpu.memory_space<vmem_shared>>
      %dma_wait3A_851 = arith.constant 0 : i32
      %dma_wait3A_852 = tpu.memref_slice %arg12[%add3A_791, %dma_wait3A_851] : memref<4096x128xf32, #tpu.memory_space<vmem_shared>> -> memref<16x128xf32, #tpu.memory_space<vmem_shared>>
      tpu.wait_dma2 semaphore(%run_scoped3A : memref<!tpu.dma_semaphore, #tpu.memory_space<semaphore_mem>>) src(%arg11 : memref<16x128xf32, #tpu.memory_space<vmem>>) dst(%dma_wait3A_852 : memref<16x128xf32, #tpu.memory_space<vmem_shared>>)
      tpu.yield
    }) : () -> ()
    %mul3A_792 = arith.constant 256 : i32
    %mul3A_793 = arith.muli %arg1, %mul3A_792 : i32
    %add3A_794 = arith.constant 96 : i32
    %add3A_795 = arith.addi %mul3A_793, %add3A_794 : i32
    "tpu.region"() ({
      %run_scoped3A = tpu.sem_alloc : memref<!tpu.dma_semaphore, #tpu.memory_space<semaphore_mem>>
      %dma_start3A = arith.constant 0 : i32
      %dma_start3A_847 = tpu.memref_slice %arg12[%add3A_795, %dma_start3A] : memref<4096x128xf32, #tpu.memory_space<vmem_shared>> -> memref<16x128xf32, #tpu.memory_space<vmem_shared>>
      %dma_start3A_848 = arith.constant 0 : i32
      %dma_start3A_849 = tpu.memref_slice %arg12[%add3A_795, %dma_start3A_848] : memref<4096x128xf32, #tpu.memory_space<vmem_shared>> -> memref<16x128xf32, #tpu.memory_space<vmem_shared>>
      tpu.enqueue_dma source(%arg11 : memref<16x128xf32, #tpu.memory_space<vmem>>) target(%dma_start3A_849 : memref<16x128xf32, #tpu.memory_space<vmem_shared>>) target_semaphore(%run_scoped3A : memref<!tpu.dma_semaphore, #tpu.memory_space<semaphore_mem>>)
      %dma_wait3A = arith.constant 0 : i32
      %dma_wait3A_850 = tpu.memref_slice %arg12[%add3A_795, %dma_wait3A] : memref<4096x128xf32, #tpu.memory_space<vmem_shared>> -> memref<16x128xf32, #tpu.memory_space<vmem_shared>>
      %dma_wait3A_851 = arith.constant 0 : i32
      %dma_wait3A_852 = tpu.memref_slice %arg12[%add3A_795, %dma_wait3A_851] : memref<4096x128xf32, #tpu.memory_space<vmem_shared>> -> memref<16x128xf32, #tpu.memory_space<vmem_shared>>
      tpu.wait_dma2 semaphore(%run_scoped3A : memref<!tpu.dma_semaphore, #tpu.memory_space<semaphore_mem>>) src(%arg11 : memref<16x128xf32, #tpu.memory_space<vmem>>) dst(%dma_wait3A_852 : memref<16x128xf32, #tpu.memory_space<vmem_shared>>)
      tpu.yield
    }) : () -> ()
    %mul3A_796 = arith.constant 256 : i32
    %mul3A_797 = arith.muli %arg1, %mul3A_796 : i32
    %add3A_798 = arith.constant 112 : i32
    %add3A_799 = arith.addi %mul3A_797, %add3A_798 : i32
    "tpu.region"() ({
      %run_scoped3A = tpu.sem_alloc : memref<!tpu.dma_semaphore, #tpu.memory_space<semaphore_mem>>
      %dma_start3A = arith.constant 0 : i32
      %dma_start3A_847 = tpu.memref_slice %arg12[%add3A_799, %dma_start3A] : memref<4096x128xf32, #tpu.memory_space<vmem_shared>> -> memref<16x128xf32, #tpu.memory_space<vmem_shared>>
      %dma_start3A_848 = arith.constant 0 : i32
      %dma_start3A_849 = tpu.memref_slice %arg12[%add3A_799, %dma_start3A_848] : memref<4096x128xf32, #tpu.memory_space<vmem_shared>> -> memref<16x128xf32, #tpu.memory_space<vmem_shared>>
      tpu.enqueue_dma source(%arg11 : memref<16x128xf32, #tpu.memory_space<vmem>>) target(%dma_start3A_849 : memref<16x128xf32, #tpu.memory_space<vmem_shared>>) target_semaphore(%run_scoped3A : memref<!tpu.dma_semaphore, #tpu.memory_space<semaphore_mem>>)
      %dma_wait3A = arith.constant 0 : i32
      %dma_wait3A_850 = tpu.memref_slice %arg12[%add3A_799, %dma_wait3A] : memref<4096x128xf32, #tpu.memory_space<vmem_shared>> -> memref<16x128xf32, #tpu.memory_space<vmem_shared>>
      %dma_wait3A_851 = arith.constant 0 : i32
      %dma_wait3A_852 = tpu.memref_slice %arg12[%add3A_799, %dma_wait3A_851] : memref<4096x128xf32, #tpu.memory_space<vmem_shared>> -> memref<16x128xf32, #tpu.memory_space<vmem_shared>>
      tpu.wait_dma2 semaphore(%run_scoped3A : memref<!tpu.dma_semaphore, #tpu.memory_space<semaphore_mem>>) src(%arg11 : memref<16x128xf32, #tpu.memory_space<vmem>>) dst(%dma_wait3A_852 : memref<16x128xf32, #tpu.memory_space<vmem_shared>>)
      tpu.yield
    }) : () -> ()
    %mul3A_800 = arith.constant 256 : i32
    %mul3A_801 = arith.muli %arg1, %mul3A_800 : i32
    %add3A_802 = arith.constant 128 : i32
    %add3A_803 = arith.addi %mul3A_801, %add3A_802 : i32
    "tpu.region"() ({
      %run_scoped3A = tpu.sem_alloc : memref<!tpu.dma_semaphore, #tpu.memory_space<semaphore_mem>>
      %dma_start3A = arith.constant 0 : i32
      %dma_start3A_847 = tpu.memref_slice %arg12[%add3A_803, %dma_start3A] : memref<4096x128xf32, #tpu.memory_space<vmem_shared>> -> memref<16x128xf32, #tpu.memory_space<vmem_shared>>
      %dma_start3A_848 = arith.constant 0 : i32
      %dma_start3A_849 = tpu.memref_slice %arg12[%add3A_803, %dma_start3A_848] : memref<4096x128xf32, #tpu.memory_space<vmem_shared>> -> memref<16x128xf32, #tpu.memory_space<vmem_shared>>
      tpu.enqueue_dma source(%arg11 : memref<16x128xf32, #tpu.memory_space<vmem>>) target(%dma_start3A_849 : memref<16x128xf32, #tpu.memory_space<vmem_shared>>) target_semaphore(%run_scoped3A : memref<!tpu.dma_semaphore, #tpu.memory_space<semaphore_mem>>)
      %dma_wait3A = arith.constant 0 : i32
      %dma_wait3A_850 = tpu.memref_slice %arg12[%add3A_803, %dma_wait3A] : memref<4096x128xf32, #tpu.memory_space<vmem_shared>> -> memref<16x128xf32, #tpu.memory_space<vmem_shared>>
      %dma_wait3A_851 = arith.constant 0 : i32
      %dma_wait3A_852 = tpu.memref_slice %arg12[%add3A_803, %dma_wait3A_851] : memref<4096x128xf32, #tpu.memory_space<vmem_shared>> -> memref<16x128xf32, #tpu.memory_space<vmem_shared>>
      tpu.wait_dma2 semaphore(%run_scoped3A : memref<!tpu.dma_semaphore, #tpu.memory_space<semaphore_mem>>) src(%arg11 : memref<16x128xf32, #tpu.memory_space<vmem>>) dst(%dma_wait3A_852 : memref<16x128xf32, #tpu.memory_space<vmem_shared>>)
      tpu.yield
    }) : () -> ()
    %mul3A_804 = arith.constant 256 : i32
    %mul3A_805 = arith.muli %arg1, %mul3A_804 : i32
    %add3A_806 = arith.constant 144 : i32
    %add3A_807 = arith.addi %mul3A_805, %add3A_806 : i32
    "tpu.region"() ({
      %run_scoped3A = tpu.sem_alloc : memref<!tpu.dma_semaphore, #tpu.memory_space<semaphore_mem>>
      %dma_start3A = arith.constant 0 : i32
      %dma_start3A_847 = tpu.memref_slice %arg12[%add3A_807, %dma_start3A] : memref<4096x128xf32, #tpu.memory_space<vmem_shared>> -> memref<16x128xf32, #tpu.memory_space<vmem_shared>>
      %dma_start3A_848 = arith.constant 0 : i32
      %dma_start3A_849 = tpu.memref_slice %arg12[%add3A_807, %dma_start3A_848] : memref<4096x128xf32, #tpu.memory_space<vmem_shared>> -> memref<16x128xf32, #tpu.memory_space<vmem_shared>>
      tpu.enqueue_dma source(%arg11 : memref<16x128xf32, #tpu.memory_space<vmem>>) target(%dma_start3A_849 : memref<16x128xf32, #tpu.memory_space<vmem_shared>>) target_semaphore(%run_scoped3A : memref<!tpu.dma_semaphore, #tpu.memory_space<semaphore_mem>>)
      %dma_wait3A = arith.constant 0 : i32
      %dma_wait3A_850 = tpu.memref_slice %arg12[%add3A_807, %dma_wait3A] : memref<4096x128xf32, #tpu.memory_space<vmem_shared>> -> memref<16x128xf32, #tpu.memory_space<vmem_shared>>
      %dma_wait3A_851 = arith.constant 0 : i32
      %dma_wait3A_852 = tpu.memref_slice %arg12[%add3A_807, %dma_wait3A_851] : memref<4096x128xf32, #tpu.memory_space<vmem_shared>> -> memref<16x128xf32, #tpu.memory_space<vmem_shared>>
      tpu.wait_dma2 semaphore(%run_scoped3A : memref<!tpu.dma_semaphore, #tpu.memory_space<semaphore_mem>>) src(%arg11 : memref<16x128xf32, #tpu.memory_space<vmem>>) dst(%dma_wait3A_852 : memref<16x128xf32, #tpu.memory_space<vmem_shared>>)
      tpu.yield
    }) : () -> ()
    %mul3A_808 = arith.constant 256 : i32
    %mul3A_809 = arith.muli %arg1, %mul3A_808 : i32
    %add3A_810 = arith.constant 160 : i32
    %add3A_811 = arith.addi %mul3A_809, %add3A_810 : i32
    "tpu.region"() ({
      %run_scoped3A = tpu.sem_alloc : memref<!tpu.dma_semaphore, #tpu.memory_space<semaphore_mem>>
      %dma_start3A = arith.constant 0 : i32
      %dma_start3A_847 = tpu.memref_slice %arg12[%add3A_811, %dma_start3A] : memref<4096x128xf32, #tpu.memory_space<vmem_shared>> -> memref<16x128xf32, #tpu.memory_space<vmem_shared>>
      %dma_start3A_848 = arith.constant 0 : i32
      %dma_start3A_849 = tpu.memref_slice %arg12[%add3A_811, %dma_start3A_848] : memref<4096x128xf32, #tpu.memory_space<vmem_shared>> -> memref<16x128xf32, #tpu.memory_space<vmem_shared>>
      tpu.enqueue_dma source(%arg11 : memref<16x128xf32, #tpu.memory_space<vmem>>) target(%dma_start3A_849 : memref<16x128xf32, #tpu.memory_space<vmem_shared>>) target_semaphore(%run_scoped3A : memref<!tpu.dma_semaphore, #tpu.memory_space<semaphore_mem>>)
      %dma_wait3A = arith.constant 0 : i32
      %dma_wait3A_850 = tpu.memref_slice %arg12[%add3A_811, %dma_wait3A] : memref<4096x128xf32, #tpu.memory_space<vmem_shared>> -> memref<16x128xf32, #tpu.memory_space<vmem_shared>>
      %dma_wait3A_851 = arith.constant 0 : i32
      %dma_wait3A_852 = tpu.memref_slice %arg12[%add3A_811, %dma_wait3A_851] : memref<4096x128xf32, #tpu.memory_space<vmem_shared>> -> memref<16x128xf32, #tpu.memory_space<vmem_shared>>
      tpu.wait_dma2 semaphore(%run_scoped3A : memref<!tpu.dma_semaphore, #tpu.memory_space<semaphore_mem>>) src(%arg11 : memref<16x128xf32, #tpu.memory_space<vmem>>) dst(%dma_wait3A_852 : memref<16x128xf32, #tpu.memory_space<vmem_shared>>)
      tpu.yield
    }) : () -> ()
    %mul3A_812 = arith.constant 256 : i32
    %mul3A_813 = arith.muli %arg1, %mul3A_812 : i32
    %add3A_814 = arith.constant 176 : i32
    %add3A_815 = arith.addi %mul3A_813, %add3A_814 : i32
    "tpu.region"() ({
      %run_scoped3A = tpu.sem_alloc : memref<!tpu.dma_semaphore, #tpu.memory_space<semaphore_mem>>
      %dma_start3A = arith.constant 0 : i32
      %dma_start3A_847 = tpu.memref_slice %arg12[%add3A_815, %dma_start3A] : memref<4096x128xf32, #tpu.memory_space<vmem_shared>> -> memref<16x128xf32, #tpu.memory_space<vmem_shared>>
      %dma_start3A_848 = arith.constant 0 : i32
      %dma_start3A_849 = tpu.memref_slice %arg12[%add3A_815, %dma_start3A_848] : memref<4096x128xf32, #tpu.memory_space<vmem_shared>> -> memref<16x128xf32, #tpu.memory_space<vmem_shared>>
      tpu.enqueue_dma source(%arg11 : memref<16x128xf32, #tpu.memory_space<vmem>>) target(%dma_start3A_849 : memref<16x128xf32, #tpu.memory_space<vmem_shared>>) target_semaphore(%run_scoped3A : memref<!tpu.dma_semaphore, #tpu.memory_space<semaphore_mem>>)
      %dma_wait3A = arith.constant 0 : i32
      %dma_wait3A_850 = tpu.memref_slice %arg12[%add3A_815, %dma_wait3A] : memref<4096x128xf32, #tpu.memory_space<vmem_shared>> -> memref<16x128xf32, #tpu.memory_space<vmem_shared>>
      %dma_wait3A_851 = arith.constant 0 : i32
      %dma_wait3A_852 = tpu.memref_slice %arg12[%add3A_815, %dma_wait3A_851] : memref<4096x128xf32, #tpu.memory_space<vmem_shared>> -> memref<16x128xf32, #tpu.memory_space<vmem_shared>>
      tpu.wait_dma2 semaphore(%run_scoped3A : memref<!tpu.dma_semaphore, #tpu.memory_space<semaphore_mem>>) src(%arg11 : memref<16x128xf32, #tpu.memory_space<vmem>>) dst(%dma_wait3A_852 : memref<16x128xf32, #tpu.memory_space<vmem_shared>>)
      tpu.yield
    }) : () -> ()
    %mul3A_816 = arith.constant 256 : i32
    %mul3A_817 = arith.muli %arg1, %mul3A_816 : i32
    %add3A_818 = arith.constant 192 : i32
    %add3A_819 = arith.addi %mul3A_817, %add3A_818 : i32
    "tpu.region"() ({
      %run_scoped3A = tpu.sem_alloc : memref<!tpu.dma_semaphore, #tpu.memory_space<semaphore_mem>>
      %dma_start3A = arith.constant 0 : i32
      %dma_start3A_847 = tpu.memref_slice %arg12[%add3A_819, %dma_start3A] : memref<4096x128xf32, #tpu.memory_space<vmem_shared>> -> memref<16x128xf32, #tpu.memory_space<vmem_shared>>
      %dma_start3A_848 = arith.constant 0 : i32
      %dma_start3A_849 = tpu.memref_slice %arg12[%add3A_819, %dma_start3A_848] : memref<4096x128xf32, #tpu.memory_space<vmem_shared>> -> memref<16x128xf32, #tpu.memory_space<vmem_shared>>
      tpu.enqueue_dma source(%arg11 : memref<16x128xf32, #tpu.memory_space<vmem>>) target(%dma_start3A_849 : memref<16x128xf32, #tpu.memory_space<vmem_shared>>) target_semaphore(%run_scoped3A : memref<!tpu.dma_semaphore, #tpu.memory_space<semaphore_mem>>)
      %dma_wait3A = arith.constant 0 : i32
      %dma_wait3A_850 = tpu.memref_slice %arg12[%add3A_819, %dma_wait3A] : memref<4096x128xf32, #tpu.memory_space<vmem_shared>> -> memref<16x128xf32, #tpu.memory_space<vmem_shared>>
      %dma_wait3A_851 = arith.constant 0 : i32
      %dma_wait3A_852 = tpu.memref_slice %arg12[%add3A_819, %dma_wait3A_851] : memref<4096x128xf32, #tpu.memory_space<vmem_shared>> -> memref<16x128xf32, #tpu.memory_space<vmem_shared>>
      tpu.wait_dma2 semaphore(%run_scoped3A : memref<!tpu.dma_semaphore, #tpu.memory_space<semaphore_mem>>) src(%arg11 : memref<16x128xf32, #tpu.memory_space<vmem>>) dst(%dma_wait3A_852 : memref<16x128xf32, #tpu.memory_space<vmem_shared>>)
      tpu.yield
    }) : () -> ()
    %mul3A_820 = arith.constant 256 : i32
    %mul3A_821 = arith.muli %arg1, %mul3A_820 : i32
    %add3A_822 = arith.constant 208 : i32
    %add3A_823 = arith.addi %mul3A_821, %add3A_822 : i32
    "tpu.region"() ({
      %run_scoped3A = tpu.sem_alloc : memref<!tpu.dma_semaphore, #tpu.memory_space<semaphore_mem>>
      %dma_start3A = arith.constant 0 : i32
      %dma_start3A_847 = tpu.memref_slice %arg12[%add3A_823, %dma_start3A] : memref<4096x128xf32, #tpu.memory_space<vmem_shared>> -> memref<16x128xf32, #tpu.memory_space<vmem_shared>>
      %dma_start3A_848 = arith.constant 0 : i32
      %dma_start3A_849 = tpu.memref_slice %arg12[%add3A_823, %dma_start3A_848] : memref<4096x128xf32, #tpu.memory_space<vmem_shared>> -> memref<16x128xf32, #tpu.memory_space<vmem_shared>>
      tpu.enqueue_dma source(%arg11 : memref<16x128xf32, #tpu.memory_space<vmem>>) target(%dma_start3A_849 : memref<16x128xf32, #tpu.memory_space<vmem_shared>>) target_semaphore(%run_scoped3A : memref<!tpu.dma_semaphore, #tpu.memory_space<semaphore_mem>>)
      %dma_wait3A = arith.constant 0 : i32
      %dma_wait3A_850 = tpu.memref_slice %arg12[%add3A_823, %dma_wait3A] : memref<4096x128xf32, #tpu.memory_space<vmem_shared>> -> memref<16x128xf32, #tpu.memory_space<vmem_shared>>
      %dma_wait3A_851 = arith.constant 0 : i32
      %dma_wait3A_852 = tpu.memref_slice %arg12[%add3A_823, %dma_wait3A_851] : memref<4096x128xf32, #tpu.memory_space<vmem_shared>> -> memref<16x128xf32, #tpu.memory_space<vmem_shared>>
      tpu.wait_dma2 semaphore(%run_scoped3A : memref<!tpu.dma_semaphore, #tpu.memory_space<semaphore_mem>>) src(%arg11 : memref<16x128xf32, #tpu.memory_space<vmem>>) dst(%dma_wait3A_852 : memref<16x128xf32, #tpu.memory_space<vmem_shared>>)
      tpu.yield
    }) : () -> ()
    %mul3A_824 = arith.constant 256 : i32
    %mul3A_825 = arith.muli %arg1, %mul3A_824 : i32
    %add3A_826 = arith.constant 224 : i32
    %add3A_827 = arith.addi %mul3A_825, %add3A_826 : i32
    "tpu.region"() ({
      %run_scoped3A = tpu.sem_alloc : memref<!tpu.dma_semaphore, #tpu.memory_space<semaphore_mem>>
      %dma_start3A = arith.constant 0 : i32
      %dma_start3A_847 = tpu.memref_slice %arg12[%add3A_827, %dma_start3A] : memref<4096x128xf32, #tpu.memory_space<vmem_shared>> -> memref<16x128xf32, #tpu.memory_space<vmem_shared>>
      %dma_start3A_848 = arith.constant 0 : i32
      %dma_start3A_849 = tpu.memref_slice %arg12[%add3A_827, %dma_start3A_848] : memref<4096x128xf32, #tpu.memory_space<vmem_shared>> -> memref<16x128xf32, #tpu.memory_space<vmem_shared>>
      tpu.enqueue_dma source(%arg11 : memref<16x128xf32, #tpu.memory_space<vmem>>) target(%dma_start3A_849 : memref<16x128xf32, #tpu.memory_space<vmem_shared>>) target_semaphore(%run_scoped3A : memref<!tpu.dma_semaphore, #tpu.memory_space<semaphore_mem>>)
      %dma_wait3A = arith.constant 0 : i32
      %dma_wait3A_850 = tpu.memref_slice %arg12[%add3A_827, %dma_wait3A] : memref<4096x128xf32, #tpu.memory_space<vmem_shared>> -> memref<16x128xf32, #tpu.memory_space<vmem_shared>>
      %dma_wait3A_851 = arith.constant 0 : i32
      %dma_wait3A_852 = tpu.memref_slice %arg12[%add3A_827, %dma_wait3A_851] : memref<4096x128xf32, #tpu.memory_space<vmem_shared>> -> memref<16x128xf32, #tpu.memory_space<vmem_shared>>
      tpu.wait_dma2 semaphore(%run_scoped3A : memref<!tpu.dma_semaphore, #tpu.memory_space<semaphore_mem>>) src(%arg11 : memref<16x128xf32, #tpu.memory_space<vmem>>) dst(%dma_wait3A_852 : memref<16x128xf32, #tpu.memory_space<vmem_shared>>)
      tpu.yield
    }) : () -> ()
    %mul3A_828 = arith.constant 256 : i32
    %mul3A_829 = arith.muli %arg1, %mul3A_828 : i32
    %add3A_830 = arith.constant 240 : i32
    %add3A_831 = arith.addi %mul3A_829, %add3A_830 : i32
    "tpu.region"() ({
      %run_scoped3A = tpu.sem_alloc : memref<!tpu.dma_semaphore, #tpu.memory_space<semaphore_mem>>
      %dma_start3A = arith.constant 0 : i32
      %dma_start3A_847 = tpu.memref_slice %arg12[%add3A_831, %dma_start3A] : memref<4096x128xf32, #tpu.memory_space<vmem_shared>> -> memref<16x128xf32, #tpu.memory_space<vmem_shared>>
      %dma_start3A_848 = arith.constant 0 : i32
      %dma_start3A_849 = tpu.memref_slice %arg12[%add3A_831, %dma_start3A_848] : memref<4096x128xf32, #tpu.memory_space<vmem_shared>> -> memref<16x128xf32, #tpu.memory_space<vmem_shared>>
      tpu.enqueue_dma source(%arg11 : memref<16x128xf32, #tpu.memory_space<vmem>>) target(%dma_start3A_849 : memref<16x128xf32, #tpu.memory_space<vmem_shared>>) target_semaphore(%run_scoped3A : memref<!tpu.dma_semaphore, #tpu.memory_space<semaphore_mem>>)
      %dma_wait3A = arith.constant 0 : i32
      %dma_wait3A_850 = tpu.memref_slice %arg12[%add3A_831, %dma_wait3A] : memref<4096x128xf32, #tpu.memory_space<vmem_shared>> -> memref<16x128xf32, #tpu.memory_space<vmem_shared>>
      %dma_wait3A_851 = arith.constant 0 : i32
      %dma_wait3A_852 = tpu.memref_slice %arg12[%add3A_831, %dma_wait3A_851] : memref<4096x128xf32, #tpu.memory_space<vmem_shared>> -> memref<16x128xf32, #tpu.memory_space<vmem_shared>>
      tpu.wait_dma2 semaphore(%run_scoped3A : memref<!tpu.dma_semaphore, #tpu.memory_space<semaphore_mem>>) src(%arg11 : memref<16x128xf32, #tpu.memory_space<vmem>>) dst(%dma_wait3A_852 : memref<16x128xf32, #tpu.memory_space<vmem_shared>>)
      tpu.yield
    }) : () -> ()
    %barrier3A = arith.constant 0 : index
    tpu.barrier barrier_id(%barrier3A)
    %mul3A_832 = arith.constant 4097 : i32
    %mul3A_833 = arith.muli %arg0, %mul3A_832 : i32
    %scan3A = arith.constant 0 : i32
    %scan3A_834 = arith.constant 0 : i32
    %scan3A_835 = arith.constant 664 : i32
    %scan3A_836 = arith.addi %scan3A_834, %scan3A_835 : i32
    %scan3A_837 = arith.constant 1 : i32
    scf.for %scan3A_847 = %scan3A_834 to %scan3A_836 step %scan3A_837  : i32 {
      %mul3A_848 = arith.constant 16 : i32
      %mul3A_849 = arith.muli %scan3A_847, %mul3A_848 : i32
      %get3A = arith.index_cast %mul3A_849 : i32 to index
      %get3A_850 = tpu.vector_load %arg8[%get3A] {strides = array<i32>} : memref<10624xi32, #tpu.memory_space<vmem>>, vector<16xi32>,
      %get3A_851 = vector.shape_cast %get3A_850 : vector<16xi32> to vector<16xi32>
      %add3A_852 = vector.broadcast %mul3A_833 : i32 to vector<16xi32>
      %add3A_853 = arith.addi %get3A_851, %add3A_852 : vector<16xi32>
      %get3A_854 = arith.index_cast %mul3A_849 : i32 to index
      %get3A_855 = tpu.vector_load %arg7[%get3A_854] {strides = array<i32>} : memref<10624xi32, #tpu.memory_space<vmem>>, vector<16xi32>,
      %get3A_856 = vector.shape_cast %get3A_855 : vector<16xi32> to vector<16xi32>
      %get3A_857 = arith.index_cast %mul3A_849 : i32 to index
      %get3A_858 = tpu.vector_load %arg9[%get3A_857] {strides = array<i32>} : memref<10624xf32, #tpu.memory_space<vmem>>, vector<16xf32>,
      %get3A_859 = vector.shape_cast %get3A_858 : vector<16xf32> to vector<16xf32>
      %dma_start3A = arith.constant 0 : i32
      %dma_start3A_860 = arith.constant 0 : i32
      %dma_start3A_861 = tpu.memref_slice %arg2[%dma_start3A, %dma_start3A_860] : memref<8194x128xf32, #tpu.memory_space<hbm>> -> memref<8194x128xf32, #tpu.memory_space<hbm>>
      tpu.enqueue_indirect_dma source(%dma_start3A_861 : memref<8194x128xf32, #tpu.memory_space<hbm>>) target(%arg10 : memref<16x128xf32, #tpu.memory_space<vmem>>) offsets(%add3A_853 : vector<16xi32>) semaphore(%arg13 : memref<!tpu.dma_semaphore, #tpu.memory_space<semaphore_mem>>)
      %dma_wait3A = arith.constant 0 : i32
      %dma_wait3A_862 = arith.constant 0 : i32
      %dma_wait3A_863 = tpu.memref_slice %arg2[%dma_wait3A, %dma_wait3A_862] : memref<8194x128xf32, #tpu.memory_space<hbm>> -> memref<8194x128xf32, #tpu.memory_space<hbm>>
      tpu.wait_indirect_dma semaphore(%arg13 : memref<!tpu.dma_semaphore, #tpu.memory_space<semaphore_mem>>) src(%dma_wait3A_863 : memref<8194x128xf32, #tpu.memory_space<hbm>>) dst(%arg10 : memref<16x128xf32, #tpu.memory_space<vmem>>)
      %slice3A = vector.extract_strided_slice %get3A_859 {offsets = [0], sizes = [1], strides = [1]} : vector<16xf32> to vector<1xf32>
      %squeeze3A = vector.extract %slice3A[0] : f32 from vector<1xf32>
      %broadcast_in_dim3A_864 = vector.broadcast %squeeze3A : f32 to vector<16xf32>
      %get3A_865 = arith.constant 0 : i32
      %get3A_866 = arith.index_cast %get3A_865 : i32 to index
      %get3A_867 = arith.constant 0 : index
      %get3A_868 = tpu.vector_load %arg10[%get3A_866, %get3A_867] {strides = array<i32>} : memref<16x128xf32, #tpu.memory_space<vmem>>, vector<1x16xf32>,
      %get3A_869 = vector.shape_cast %get3A_868 : vector<1x16xf32> to vector<16xf32>
      %mul3A_870 = arith.mulf %get3A_869, %broadcast_in_dim3A_864 : vector<16xf32>
      %swap3A_871 = arith.constant 0 : i32
      %swap3A_872 = arith.index_cast %swap3A_871 : i32 to index
      %swap3A_873 = arith.constant 0 : index
      %swap3A_874 = tpu.vector_load %arg11[%swap3A_872, %swap3A_873] {strides = array<i32>} : memref<16x128xf32, #tpu.memory_space<vmem>>, vector<1x16xf32>,
      %swap3A_875 = vector.shape_cast %swap3A_874 : vector<1x16xf32> to vector<16xf32>
      %swap3A_876 = vector.shape_cast %mul3A_870 : vector<16xf32> to vector<1x16xf32>
      tpu.vector_store %arg11[%swap3A_872, %swap3A_873], %swap3A_876 {strides = array<i32>} : memref<16x128xf32, #tpu.memory_space<vmem>>, vector<1x16xf32>,
      %get3A_877 = arith.constant 0 : i32
      %get3A_878 = arith.index_cast %get3A_877 : i32 to index
      %get3A_879 = arith.constant 16 : index
      %get3A_880 = tpu.vector_load %arg10[%get3A_878, %get3A_879] {strides = array<i32>} : memref<16x128xf32, #tpu.memory_space<vmem>>, vector<1x16xf32>,
      %get3A_881 = vector.shape_cast %get3A_880 : vector<1x16xf32> to vector<16xf32>
      %mul3A_882 = arith.mulf %get3A_881, %broadcast_in_dim3A_864 : vector<16xf32>
      %swap3A_883 = arith.constant 0 : i32
      %swap3A_884 = arith.index_cast %swap3A_883 : i32 to index
      %swap3A_885 = arith.constant 16 : index
      %swap3A_886 = tpu.vector_load %arg11[%swap3A_884, %swap3A_885] {strides = array<i32>} : memref<16x128xf32, #tpu.memory_space<vmem>>, vector<1x16xf32>,
      %swap3A_887 = vector.shape_cast %swap3A_886 : vector<1x16xf32> to vector<16xf32>
      %swap3A_888 = vector.shape_cast %mul3A_882 : vector<16xf32> to vector<1x16xf32>
      tpu.vector_store %arg11[%swap3A_884, %swap3A_885], %swap3A_888 {strides = array<i32>} : memref<16x128xf32, #tpu.memory_space<vmem>>, vector<1x16xf32>,
      %get3A_889 = arith.constant 0 : i32
      %get3A_890 = arith.index_cast %get3A_889 : i32 to index
      %get3A_891 = arith.constant 32 : index
      %get3A_892 = tpu.vector_load %arg10[%get3A_890, %get3A_891] {strides = array<i32>} : memref<16x128xf32, #tpu.memory_space<vmem>>, vector<1x16xf32>,
      %get3A_893 = vector.shape_cast %get3A_892 : vector<1x16xf32> to vector<16xf32>
      %mul3A_894 = arith.mulf %get3A_893, %broadcast_in_dim3A_864 : vector<16xf32>
      %swap3A_895 = arith.constant 0 : i32
      %swap3A_896 = arith.index_cast %swap3A_895 : i32 to index
      %swap3A_897 = arith.constant 32 : index
      %swap3A_898 = tpu.vector_load %arg11[%swap3A_896, %swap3A_897] {strides = array<i32>} : memref<16x128xf32, #tpu.memory_space<vmem>>, vector<1x16xf32>,
      %swap3A_899 = vector.shape_cast %swap3A_898 : vector<1x16xf32> to vector<16xf32>
      %swap3A_900 = vector.shape_cast %mul3A_894 : vector<16xf32> to vector<1x16xf32>
      tpu.vector_store %arg11[%swap3A_896, %swap3A_897], %swap3A_900 {strides = array<i32>} : memref<16x128xf32, #tpu.memory_space<vmem>>, vector<1x16xf32>,
      %get3A_901 = arith.constant 0 : i32
      %get3A_902 = arith.index_cast %get3A_901 : i32 to index
      %get3A_903 = arith.constant 48 : index
      %get3A_904 = tpu.vector_load %arg10[%get3A_902, %get3A_903] {strides = array<i32>} : memref<16x128xf32, #tpu.memory_space<vmem>>, vector<1x16xf32>,
      %get3A_905 = vector.shape_cast %get3A_904 : vector<1x16xf32> to vector<16xf32>
      %mul3A_906 = arith.mulf %get3A_905, %broadcast_in_dim3A_864 : vector<16xf32>
      %swap3A_907 = arith.constant 0 : i32
      %swap3A_908 = arith.index_cast %swap3A_907 : i32 to index
      %swap3A_909 = arith.constant 48 : index
      %swap3A_910 = tpu.vector_load %arg11[%swap3A_908, %swap3A_909] {strides = array<i32>} : memref<16x128xf32, #tpu.memory_space<vmem>>, vector<1x16xf32>,
      %swap3A_911 = vector.shape_cast %swap3A_910 : vector<1x16xf32> to vector<16xf32>
      %swap3A_912 = vector.shape_cast %mul3A_906 : vector<16xf32> to vector<1x16xf32>
      tpu.vector_store %arg11[%swap3A_908, %swap3A_909], %swap3A_912 {strides = array<i32>} : memref<16x128xf32, #tpu.memory_space<vmem>>, vector<1x16xf32>,
      %get3A_913 = arith.constant 0 : i32
      %get3A_914 = arith.index_cast %get3A_913 : i32 to index
      %get3A_915 = arith.constant 64 : index
      %get3A_916 = tpu.vector_load %arg10[%get3A_914, %get3A_915] {strides = array<i32>} : memref<16x128xf32, #tpu.memory_space<vmem>>, vector<1x16xf32>,
      %get3A_917 = vector.shape_cast %get3A_916 : vector<1x16xf32> to vector<16xf32>
      %mul3A_918 = arith.mulf %get3A_917, %broadcast_in_dim3A_864 : vector<16xf32>
      %swap3A_919 = arith.constant 0 : i32
      %swap3A_920 = arith.index_cast %swap3A_919 : i32 to index
      %swap3A_921 = arith.constant 64 : index
      %swap3A_922 = tpu.vector_load %arg11[%swap3A_920, %swap3A_921] {strides = array<i32>} : memref<16x128xf32, #tpu.memory_space<vmem>>, vector<1x16xf32>,
      %swap3A_923 = vector.shape_cast %swap3A_922 : vector<1x16xf32> to vector<16xf32>
      %swap3A_924 = vector.shape_cast %mul3A_918 : vector<16xf32> to vector<1x16xf32>
      tpu.vector_store %arg11[%swap3A_920, %swap3A_921], %swap3A_924 {strides = array<i32>} : memref<16x128xf32, #tpu.memory_space<vmem>>, vector<1x16xf32>,
      %get3A_925 = arith.constant 0 : i32
      %get3A_926 = arith.index_cast %get3A_925 : i32 to index
      %get3A_927 = arith.constant 80 : index
      %get3A_928 = tpu.vector_load %arg10[%get3A_926, %get3A_927] {strides = array<i32>} : memref<16x128xf32, #tpu.memory_space<vmem>>, vector<1x16xf32>,
      %get3A_929 = vector.shape_cast %get3A_928 : vector<1x16xf32> to vector<16xf32>
      %mul3A_930 = arith.mulf %get3A_929, %broadcast_in_dim3A_864 : vector<16xf32>
      %swap3A_931 = arith.constant 0 : i32
      %swap3A_932 = arith.index_cast %swap3A_931 : i32 to index
      %swap3A_933 = arith.constant 80 : index
      %swap3A_934 = tpu.vector_load %arg11[%swap3A_932, %swap3A_933] {strides = array<i32>} : memref<16x128xf32, #tpu.memory_space<vmem>>, vector<1x16xf32>,
      %swap3A_935 = vector.shape_cast %swap3A_934 : vector<1x16xf32> to vector<16xf32>
      %swap3A_936 = vector.shape_cast %mul3A_930 : vector<16xf32> to vector<1x16xf32>
      tpu.vector_store %arg11[%swap3A_932, %swap3A_933], %swap3A_936 {strides = array<i32>} : memref<16x128xf32, #tpu.memory_space<vmem>>, vector<1x16xf32>,
      %get3A_937 = arith.constant 0 : i32
      %get3A_938 = arith.index_cast %get3A_937 : i32 to index
      %get3A_939 = arith.constant 96 : index
      %get3A_940 = tpu.vector_load %arg10[%get3A_938, %get3A_939] {strides = array<i32>} : memref<16x128xf32, #tpu.memory_space<vmem>>, vector<1x16xf32>,
      %get3A_941 = vector.shape_cast %get3A_940 : vector<1x16xf32> to vector<16xf32>
      %mul3A_942 = arith.mulf %get3A_941, %broadcast_in_dim3A_864 : vector<16xf32>
      %swap3A_943 = arith.constant 0 : i32
      %swap3A_944 = arith.index_cast %swap3A_943 : i32 to index
      %swap3A_945 = arith.constant 96 : index
      %swap3A_946 = tpu.vector_load %arg11[%swap3A_944, %swap3A_945] {strides = array<i32>} : memref<16x128xf32, #tpu.memory_space<vmem>>, vector<1x16xf32>,
      %swap3A_947 = vector.shape_cast %swap3A_946 : vector<1x16xf32> to vector<16xf32>
      %swap3A_948 = vector.shape_cast %mul3A_942 : vector<16xf32> to vector<1x16xf32>
      tpu.vector_store %arg11[%swap3A_944, %swap3A_945], %swap3A_948 {strides = array<i32>} : memref<16x128xf32, #tpu.memory_space<vmem>>, vector<1x16xf32>,
      %get3A_949 = arith.constant 0 : i32
      %get3A_950 = arith.index_cast %get3A_949 : i32 to index
      %get3A_951 = arith.constant 112 : index
      %get3A_952 = tpu.vector_load %arg10[%get3A_950, %get3A_951] {strides = array<i32>} : memref<16x128xf32, #tpu.memory_space<vmem>>, vector<1x16xf32>,
      %get3A_953 = vector.shape_cast %get3A_952 : vector<1x16xf32> to vector<16xf32>
      %mul3A_954 = arith.mulf %get3A_953, %broadcast_in_dim3A_864 : vector<16xf32>
      %swap3A_955 = arith.constant 0 : i32
      %swap3A_956 = arith.index_cast %swap3A_955 : i32 to index
      %swap3A_957 = arith.constant 112 : index
      %swap3A_958 = tpu.vector_load %arg11[%swap3A_956, %swap3A_957] {strides = array<i32>} : memref<16x128xf32, #tpu.memory_space<vmem>>, vector<1x16xf32>,
      %swap3A_959 = vector.shape_cast %swap3A_958 : vector<1x16xf32> to vector<16xf32>
      %swap3A_960 = vector.shape_cast %mul3A_954 : vector<16xf32> to vector<1x16xf32>
      tpu.vector_store %arg11[%swap3A_956, %swap3A_957], %swap3A_960 {strides = array<i32>} : memref<16x128xf32, #tpu.memory_space<vmem>>, vector<1x16xf32>,
      %slice3A_961 = vector.extract_strided_slice %get3A_859 {offsets = [1], sizes = [1], strides = [1]} : vector<16xf32> to vector<1xf32>
      %squeeze3A_962 = vector.extract %slice3A_961[0] : f32 from vector<1xf32>
      %broadcast_in_dim3A_963 = vector.broadcast %squeeze3A_962 : f32 to vector<16xf32>
      %get3A_964 = arith.constant 1 : i32
      %get3A_965 = arith.index_cast %get3A_964 : i32 to index
      %get3A_966 = arith.constant 0 : index
      %get3A_967 = tpu.vector_load %arg10[%get3A_965, %get3A_966] {strides = array<i32>} : memref<16x128xf32, #tpu.memory_space<vmem>>, vector<1x16xf32>,
      %get3A_968 = vector.shape_cast %get3A_967 : vector<1x16xf32> to vector<16xf32>
      %mul3A_969 = arith.mulf %get3A_968, %broadcast_in_dim3A_963 : vector<16xf32>
      %swap3A_970 = arith.constant 1 : i32
      %swap3A_971 = arith.index_cast %swap3A_970 : i32 to index
      %swap3A_972 = arith.constant 0 : index
      %swap3A_973 = tpu.vector_load %arg11[%swap3A_971, %swap3A_972] {strides = array<i32>} : memref<16x128xf32, #tpu.memory_space<vmem>>, vector<1x16xf32>,
      %swap3A_974 = vector.shape_cast %swap3A_973 : vector<1x16xf32> to vector<16xf32>
      %swap3A_975 = vector.shape_cast %mul3A_969 : vector<16xf32> to vector<1x16xf32>
      tpu.vector_store %arg11[%swap3A_971, %swap3A_972], %swap3A_975 {strides = array<i32>} : memref<16x128xf32, #tpu.memory_space<vmem>>, vector<1x16xf32>,
      %get3A_976 = arith.constant 1 : i32
      %get3A_977 = arith.index_cast %get3A_976 : i32 to index
      %get3A_978 = arith.constant 16 : index
      %get3A_979 = tpu.vector_load %arg10[%get3A_977, %get3A_978] {strides = array<i32>} : memref<16x128xf32, #tpu.memory_space<vmem>>, vector<1x16xf32>,
      %get3A_980 = vector.shape_cast %get3A_979 : vector<1x16xf32> to vector<16xf32>
      %mul3A_981 = arith.mulf %get3A_980, %broadcast_in_dim3A_963 : vector<16xf32>
      %swap3A_982 = arith.constant 1 : i32
      %swap3A_983 = arith.index_cast %swap3A_982 : i32 to index
      %swap3A_984 = arith.constant 16 : index
      %swap3A_985 = tpu.vector_load %arg11[%swap3A_983, %swap3A_984] {strides = array<i32>} : memref<16x128xf32, #tpu.memory_space<vmem>>, vector<1x16xf32>,
      %swap3A_986 = vector.shape_cast %swap3A_985 : vector<1x16xf32> to vector<16xf32>
      %swap3A_987 = vector.shape_cast %mul3A_981 : vector<16xf32> to vector<1x16xf32>
      tpu.vector_store %arg11[%swap3A_983, %swap3A_984], %swap3A_987 {strides = array<i32>} : memref<16x128xf32, #tpu.memory_space<vmem>>, vector<1x16xf32>,
      %get3A_988 = arith.constant 1 : i32
      %get3A_989 = arith.index_cast %get3A_988 : i32 to index
      %get3A_990 = arith.constant 32 : index
      %get3A_991 = tpu.vector_load %arg10[%get3A_989, %get3A_990] {strides = array<i32>} : memref<16x128xf32, #tpu.memory_space<vmem>>, vector<1x16xf32>,
      %get3A_992 = vector.shape_cast %get3A_991 : vector<1x16xf32> to vector<16xf32>
      %mul3A_993 = arith.mulf %get3A_992, %broadcast_in_dim3A_963 : vector<16xf32>
      %swap3A_994 = arith.constant 1 : i32
      %swap3A_995 = arith.index_cast %swap3A_994 : i32 to index
      %swap3A_996 = arith.constant 32 : index
      %swap3A_997 = tpu.vector_load %arg11[%swap3A_995, %swap3A_996] {strides = array<i32>} : memref<16x128xf32, #tpu.memory_space<vmem>>, vector<1x16xf32>,
      %swap3A_998 = vector.shape_cast %swap3A_997 : vector<1x16xf32> to vector<16xf32>
      %swap3A_999 = vector.shape_cast %mul3A_993 : vector<16xf32> to vector<1x16xf32>
      tpu.vector_store %arg11[%swap3A_995, %swap3A_996], %swap3A_999 {strides = array<i32>} : memref<16x128xf32, #tpu.memory_space<vmem>>, vector<1x16xf32>,
      %get3A_1000 = arith.constant 1 : i32
      %get3A_1001 = arith.index_cast %get3A_1000 : i32 to index
      %get3A_1002 = arith.constant 48 : index
      %get3A_1003 = tpu.vector_load %arg10[%get3A_1001, %get3A_1002] {strides = array<i32>} : memref<16x128xf32, #tpu.memory_space<vmem>>, vector<1x16xf32>,
      %get3A_1004 = vector.shape_cast %get3A_1003 : vector<1x16xf32> to vector<16xf32>
      %mul3A_1005 = arith.mulf %get3A_1004, %broadcast_in_dim3A_963 : vector<16xf32>
      %swap3A_1006 = arith.constant 1 : i32
      %swap3A_1007 = arith.index_cast %swap3A_1006 : i32 to index
      %swap3A_1008 = arith.constant 48 : index
      %swap3A_1009 = tpu.vector_load %arg11[%swap3A_1007, %swap3A_1008] {strides = array<i32>} : memref<16x128xf32, #tpu.memory_space<vmem>>, vector<1x16xf32>,
      %swap3A_1010 = vector.shape_cast %swap3A_1009 : vector<1x16xf32> to vector<16xf32>
      %swap3A_1011 = vector.shape_cast %mul3A_1005 : vector<16xf32> to vector<1x16xf32>
      tpu.vector_store %arg11[%swap3A_1007, %swap3A_1008], %swap3A_1011 {strides = array<i32>} : memref<16x128xf32, #tpu.memory_space<vmem>>, vector<1x16xf32>,
      %get3A_1012 = arith.constant 1 : i32
      %get3A_1013 = arith.index_cast %get3A_1012 : i32 to index
      %get3A_1014 = arith.constant 64 : index
      %get3A_1015 = tpu.vector_load %arg10[%get3A_1013, %get3A_1014] {strides = array<i32>} : memref<16x128xf32, #tpu.memory_space<vmem>>, vector<1x16xf32>,
      %get3A_1016 = vector.shape_cast %get3A_1015 : vector<1x16xf32> to vector<16xf32>
      %mul3A_1017 = arith.mulf %get3A_1016, %broadcast_in_dim3A_963 : vector<16xf32>
      %swap3A_1018 = arith.constant 1 : i32
      %swap3A_1019 = arith.index_cast %swap3A_1018 : i32 to index
      %swap3A_1020 = arith.constant 64 : index
      %swap3A_1021 = tpu.vector_load %arg11[%swap3A_1019, %swap3A_1020] {strides = array<i32>} : memref<16x128xf32, #tpu.memory_space<vmem>>, vector<1x16xf32>,
      %swap3A_1022 = vector.shape_cast %swap3A_1021 : vector<1x16xf32> to vector<16xf32>
      %swap3A_1023 = vector.shape_cast %mul3A_1017 : vector<16xf32> to vector<1x16xf32>
      tpu.vector_store %arg11[%swap3A_1019, %swap3A_1020], %swap3A_1023 {strides = array<i32>} : memref<16x128xf32, #tpu.memory_space<vmem>>, vector<1x16xf32>,
      %get3A_1024 = arith.constant 1 : i32
      %get3A_1025 = arith.index_cast %get3A_1024 : i32 to index
      %get3A_1026 = arith.constant 80 : index
      %get3A_1027 = tpu.vector_load %arg10[%get3A_1025, %get3A_1026] {strides = array<i32>} : memref<16x128xf32, #tpu.memory_space<vmem>>, vector<1x16xf32>,
      %get3A_1028 = vector.shape_cast %get3A_1027 : vector<1x16xf32> to vector<16xf32>
      %mul3A_1029 = arith.mulf %get3A_1028, %broadcast_in_dim3A_963 : vector<16xf32>
      %swap3A_1030 = arith.constant 1 : i32
      %swap3A_1031 = arith.index_cast %swap3A_1030 : i32 to index
      %swap3A_1032 = arith.constant 80 : index
      %swap3A_1033 = tpu.vector_load %arg11[%swap3A_1031, %swap3A_1032] {strides = array<i32>} : memref<16x128xf32, #tpu.memory_space<vmem>>, vector<1x16xf32>,
      %swap3A_1034 = vector.shape_cast %swap3A_1033 : vector<1x16xf32> to vector<16xf32>
      %swap3A_1035 = vector.shape_cast %mul3A_1029 : vector<16xf32> to vector<1x16xf32>
      tpu.vector_store %arg11[%swap3A_1031, %swap3A_1032], %swap3A_1035 {strides = array<i32>} : memref<16x128xf32, #tpu.memory_space<vmem>>, vector<1x16xf32>,
      %get3A_1036 = arith.constant 1 : i32
      %get3A_1037 = arith.index_cast %get3A_1036 : i32 to index
      %get3A_1038 = arith.constant 96 : index
      %get3A_1039 = tpu.vector_load %arg10[%get3A_1037, %get3A_1038] {strides = array<i32>} : memref<16x128xf32, #tpu.memory_space<vmem>>, vector<1x16xf32>,
      %get3A_1040 = vector.shape_cast %get3A_1039 : vector<1x16xf32> to vector<16xf32>
      %mul3A_1041 = arith.mulf %get3A_1040, %broadcast_in_dim3A_963 : vector<16xf32>
      %swap3A_1042 = arith.constant 1 : i32
      %swap3A_1043 = arith.index_cast %swap3A_1042 : i32 to index
      %swap3A_1044 = arith.constant 96 : index
      %swap3A_1045 = tpu.vector_load %arg11[%swap3A_1043, %swap3A_1044] {strides = array<i32>} : memref<16x128xf32, #tpu.memory_space<vmem>>, vector<1x16xf32>,
      %swap3A_1046 = vector.shape_cast %swap3A_1045 : vector<1x16xf32> to vector<16xf32>
      %swap3A_1047 = vector.shape_cast %mul3A_1041 : vector<16xf32> to vector<1x16xf32>
      tpu.vector_store %arg11[%swap3A_1043, %swap3A_1044], %swap3A_1047 {strides = array<i32>} : memref<16x128xf32, #tpu.memory_space<vmem>>, vector<1x16xf32>,
      %get3A_1048 = arith.constant 1 : i32
      %get3A_1049 = arith.index_cast %get3A_1048 : i32 to index
      %get3A_1050 = arith.constant 112 : index
      %get3A_1051 = tpu.vector_load %arg10[%get3A_1049, %get3A_1050] {strides = array<i32>} : memref<16x128xf32, #tpu.memory_space<vmem>>, vector<1x16xf32>,
      %get3A_1052 = vector.shape_cast %get3A_1051 : vector<1x16xf32> to vector<16xf32>
      %mul3A_1053 = arith.mulf %get3A_1052, %broadcast_in_dim3A_963 : vector<16xf32>
      %swap3A_1054 = arith.constant 1 : i32
      %swap3A_1055 = arith.index_cast %swap3A_1054 : i32 to index
      %swap3A_1056 = arith.constant 112 : index
      %swap3A_1057 = tpu.vector_load %arg11[%swap3A_1055, %swap3A_1056] {strides = array<i32>} : memref<16x128xf32, #tpu.memory_space<vmem>>, vector<1x16xf32>,
      %swap3A_1058 = vector.shape_cast %swap3A_1057 : vector<1x16xf32> to vector<16xf32>
      %swap3A_1059 = vector.shape_cast %mul3A_1053 : vector<16xf32> to vector<1x16xf32>
      tpu.vector_store %arg11[%swap3A_1055, %swap3A_1056], %swap3A_1059 {strides = array<i32>} : memref<16x128xf32, #tpu.memory_space<vmem>>, vector<1x16xf32>,
      %slice3A_1060 = vector.extract_strided_slice %get3A_859 {offsets = [2], sizes = [1], strides = [1]} : vector<16xf32> to vector<1xf32>
      %squeeze3A_1061 = vector.extract %slice3A_1060[0] : f32 from vector<1xf32>
      %broadcast_in_dim3A_1062 = vector.broadcast %squeeze3A_1061 : f32 to vector<16xf32>
      %get3A_1063 = arith.constant 2 : i32
      %get3A_1064 = arith.index_cast %get3A_1063 : i32 to index
      %get3A_1065 = arith.constant 0 : index
      %get3A_1066 = tpu.vector_load %arg10[%get3A_1064, %get3A_1065] {strides = array<i32>} : memref<16x128xf32, #tpu.memory_space<vmem>>, vector<1x16xf32>,
      %get3A_1067 = vector.shape_cast %get3A_1066 : vector<1x16xf32> to vector<16xf32>
      %mul3A_1068 = arith.mulf %get3A_1067, %broadcast_in_dim3A_1062 : vector<16xf32>
      %swap3A_1069 = arith.constant 2 : i32
      %swap3A_1070 = arith.index_cast %swap3A_1069 : i32 to index
      %swap3A_1071 = arith.constant 0 : index
      %swap3A_1072 = tpu.vector_load %arg11[%swap3A_1070, %swap3A_1071] {strides = array<i32>} : memref<16x128xf32, #tpu.memory_space<vmem>>, vector<1x16xf32>,
      %swap3A_1073 = vector.shape_cast %swap3A_1072 : vector<1x16xf32> to vector<16xf32>
      %swap3A_1074 = vector.shape_cast %mul3A_1068 : vector<16xf32> to vector<1x16xf32>
      tpu.vector_store %arg11[%swap3A_1070, %swap3A_1071], %swap3A_1074 {strides = array<i32>} : memref<16x128xf32, #tpu.memory_space<vmem>>, vector<1x16xf32>,
      %get3A_1075 = arith.constant 2 : i32
      %get3A_1076 = arith.index_cast %get3A_1075 : i32 to index
      %get3A_1077 = arith.constant 16 : index
      %get3A_1078 = tpu.vector_load %arg10[%get3A_1076, %get3A_1077] {strides = array<i32>} : memref<16x128xf32, #tpu.memory_space<vmem>>, vector<1x16xf32>,
      %get3A_1079 = vector.shape_cast %get3A_1078 : vector<1x16xf32> to vector<16xf32>
      %mul3A_1080 = arith.mulf %get3A_1079, %broadcast_in_dim3A_1062 : vector<16xf32>
      %swap3A_1081 = arith.constant 2 : i32
      %swap3A_1082 = arith.index_cast %swap3A_1081 : i32 to index
      %swap3A_1083 = arith.constant 16 : index
      %swap3A_1084 = tpu.vector_load %arg11[%swap3A_1082, %swap3A_1083] {strides = array<i32>} : memref<16x128xf32, #tpu.memory_space<vmem>>, vector<1x16xf32>,
      %swap3A_1085 = vector.shape_cast %swap3A_1084 : vector<1x16xf32> to vector<16xf32>
      %swap3A_1086 = vector.shape_cast %mul3A_1080 : vector<16xf32> to vector<1x16xf32>
      tpu.vector_store %arg11[%swap3A_1082, %swap3A_1083], %swap3A_1086 {strides = array<i32>} : memref<16x128xf32, #tpu.memory_space<vmem>>, vector<1x16xf32>,
      %get3A_1087 = arith.constant 2 : i32
      %get3A_1088 = arith.index_cast %get3A_1087 : i32 to index
      %get3A_1089 = arith.constant 32 : index
      %get3A_1090 = tpu.vector_load %arg10[%get3A_1088, %get3A_1089] {strides = array<i32>} : memref<16x128xf32, #tpu.memory_space<vmem>>, vector<1x16xf32>,
      %get3A_1091 = vector.shape_cast %get3A_1090 : vector<1x16xf32> to vector<16xf32>
      %mul3A_1092 = arith.mulf %get3A_1091, %broadcast_in_dim3A_1062 : vector<16xf32>
      %swap3A_1093 = arith.constant 2 : i32
      %swap3A_1094 = arith.index_cast %swap3A_1093 : i32 to index
      %swap3A_1095 = arith.constant 32 : index
      %swap3A_1096 = tpu.vector_load %arg11[%swap3A_1094, %swap3A_1095] {strides = array<i32>} : memref<16x128xf32, #tpu.memory_space<vmem>>, vector<1x16xf32>,
      %swap3A_1097 = vector.shape_cast %swap3A_1096 : vector<1x16xf32> to vector<16xf32>
      %swap3A_1098 = vector.shape_cast %mul3A_1092 : vector<16xf32> to vector<1x16xf32>
      tpu.vector_store %arg11[%swap3A_1094, %swap3A_1095], %swap3A_1098 {strides = array<i32>} : memref<16x128xf32, #tpu.memory_space<vmem>>, vector<1x16xf32>,
      %get3A_1099 = arith.constant 2 : i32
      %get3A_1100 = arith.index_cast %get3A_1099 : i32 to index
      %get3A_1101 = arith.constant 48 : index
      %get3A_1102 = tpu.vector_load %arg10[%get3A_1100, %get3A_1101] {strides = array<i32>} : memref<16x128xf32, #tpu.memory_space<vmem>>, vector<1x16xf32>,
      %get3A_1103 = vector.shape_cast %get3A_1102 : vector<1x16xf32> to vector<16xf32>
      %mul3A_1104 = arith.mulf %get3A_1103, %broadcast_in_dim3A_1062 : vector<16xf32>
      %swap3A_1105 = arith.constant 2 : i32
      %swap3A_1106 = arith.index_cast %swap3A_1105 : i32 to index
      %swap3A_1107 = arith.constant 48 : index
      %swap3A_1108 = tpu.vector_load %arg11[%swap3A_1106, %swap3A_1107] {strides = array<i32>} : memref<16x128xf32, #tpu.memory_space<vmem>>, vector<1x16xf32>,
      %swap3A_1109 = vector.shape_cast %swap3A_1108 : vector<1x16xf32> to vector<16xf32>
      %swap3A_1110 = vector.shape_cast %mul3A_1104 : vector<16xf32> to vector<1x16xf32>
      tpu.vector_store %arg11[%swap3A_1106, %swap3A_1107], %swap3A_1110 {strides = array<i32>} : memref<16x128xf32, #tpu.memory_space<vmem>>, vector<1x16xf32>,
      %get3A_1111 = arith.constant 2 : i32
      %get3A_1112 = arith.index_cast %get3A_1111 : i32 to index
      %get3A_1113 = arith.constant 64 : index
      %get3A_1114 = tpu.vector_load %arg10[%get3A_1112, %get3A_1113] {strides = array<i32>} : memref<16x128xf32, #tpu.memory_space<vmem>>, vector<1x16xf32>,
      %get3A_1115 = vector.shape_cast %get3A_1114 : vector<1x16xf32> to vector<16xf32>
      %mul3A_1116 = arith.mulf %get3A_1115, %broadcast_in_dim3A_1062 : vector<16xf32>
      %swap3A_1117 = arith.constant 2 : i32
      %swap3A_1118 = arith.index_cast %swap3A_1117 : i32 to index
      %swap3A_1119 = arith.constant 64 : index
      %swap3A_1120 = tpu.vector_load %arg11[%swap3A_1118, %swap3A_1119] {strides = array<i32>} : memref<16x128xf32, #tpu.memory_space<vmem>>, vector<1x16xf32>,
      %swap3A_1121 = vector.shape_cast %swap3A_1120 : vector<1x16xf32> to vector<16xf32>
      %swap3A_1122 = vector.shape_cast %mul3A_1116 : vector<16xf32> to vector<1x16xf32>
      tpu.vector_store %arg11[%swap3A_1118, %swap3A_1119], %swap3A_1122 {strides = array<i32>} : memref<16x128xf32, #tpu.memory_space<vmem>>, vector<1x16xf32>,
      %get3A_1123 = arith.constant 2 : i32
      %get3A_1124 = arith.index_cast %get3A_1123 : i32 to index
      %get3A_1125 = arith.constant 80 : index
      %get3A_1126 = tpu.vector_load %arg10[%get3A_1124, %get3A_1125] {strides = array<i32>} : memref<16x128xf32, #tpu.memory_space<vmem>>, vector<1x16xf32>,
      %get3A_1127 = vector.shape_cast %get3A_1126 : vector<1x16xf32> to vector<16xf32>
      %mul3A_1128 = arith.mulf %get3A_1127, %broadcast_in_dim3A_1062 : vector<16xf32>
      %swap3A_1129 = arith.constant 2 : i32
      %swap3A_1130 = arith.index_cast %swap3A_1129 : i32 to index
      %swap3A_1131 = arith.constant 80 : index
      %swap3A_1132 = tpu.vector_load %arg11[%swap3A_1130, %swap3A_1131] {strides = array<i32>} : memref<16x128xf32, #tpu.memory_space<vmem>>, vector<1x16xf32>,
      %swap3A_1133 = vector.shape_cast %swap3A_1132 : vector<1x16xf32> to vector<16xf32>
      %swap3A_1134 = vector.shape_cast %mul3A_1128 : vector<16xf32> to vector<1x16xf32>
      tpu.vector_store %arg11[%swap3A_1130, %swap3A_1131], %swap3A_1134 {strides = array<i32>} : memref<16x128xf32, #tpu.memory_space<vmem>>, vector<1x16xf32>,
      %get3A_1135 = arith.constant 2 : i32
      %get3A_1136 = arith.index_cast %get3A_1135 : i32 to index
      %get3A_1137 = arith.constant 96 : index
      %get3A_1138 = tpu.vector_load %arg10[%get3A_1136, %get3A_1137] {strides = array<i32>} : memref<16x128xf32, #tpu.memory_space<vmem>>, vector<1x16xf32>,
      %get3A_1139 = vector.shape_cast %get3A_1138 : vector<1x16xf32> to vector<16xf32>
      %mul3A_1140 = arith.mulf %get3A_1139, %broadcast_in_dim3A_1062 : vector<16xf32>
      %swap3A_1141 = arith.constant 2 : i32
      %swap3A_1142 = arith.index_cast %swap3A_1141 : i32 to index
      %swap3A_1143 = arith.constant 96 : index
      %swap3A_1144 = tpu.vector_load %arg11[%swap3A_1142, %swap3A_1143] {strides = array<i32>} : memref<16x128xf32, #tpu.memory_space<vmem>>, vector<1x16xf32>,
      %swap3A_1145 = vector.shape_cast %swap3A_1144 : vector<1x16xf32> to vector<16xf32>
      %swap3A_1146 = vector.shape_cast %mul3A_1140 : vector<16xf32> to vector<1x16xf32>
      tpu.vector_store %arg11[%swap3A_1142, %swap3A_1143], %swap3A_1146 {strides = array<i32>} : memref<16x128xf32, #tpu.memory_space<vmem>>, vector<1x16xf32>,
      %get3A_1147 = arith.constant 2 : i32
      %get3A_1148 = arith.index_cast %get3A_1147 : i32 to index
      %get3A_1149 = arith.constant 112 : index
      %get3A_1150 = tpu.vector_load %arg10[%get3A_1148, %get3A_1149] {strides = array<i32>} : memref<16x128xf32, #tpu.memory_space<vmem>>, vector<1x16xf32>,
      %get3A_1151 = vector.shape_cast %get3A_1150 : vector<1x16xf32> to vector<16xf32>
      %mul3A_1152 = arith.mulf %get3A_1151, %broadcast_in_dim3A_1062 : vector<16xf32>
      %swap3A_1153 = arith.constant 2 : i32
      %swap3A_1154 = arith.index_cast %swap3A_1153 : i32 to index
      %swap3A_1155 = arith.constant 112 : index
      %swap3A_1156 = tpu.vector_load %arg11[%swap3A_1154, %swap3A_1155] {strides = array<i32>} : memref<16x128xf32, #tpu.memory_space<vmem>>, vector<1x16xf32>,
      %swap3A_1157 = vector.shape_cast %swap3A_1156 : vector<1x16xf32> to vector<16xf32>
      %swap3A_1158 = vector.shape_cast %mul3A_1152 : vector<16xf32> to vector<1x16xf32>
      tpu.vector_store %arg11[%swap3A_1154, %swap3A_1155], %swap3A_1158 {strides = array<i32>} : memref<16x128xf32, #tpu.memory_space<vmem>>, vector<1x16xf32>,
      %slice3A_1159 = vector.extract_strided_slice %get3A_859 {offsets = [3], sizes = [1], strides = [1]} : vector<16xf32> to vector<1xf32>
      %squeeze3A_1160 = vector.extract %slice3A_1159[0] : f32 from vector<1xf32>
      %broadcast_in_dim3A_1161 = vector.broadcast %squeeze3A_1160 : f32 to vector<16xf32>
      %get3A_1162 = arith.constant 3 : i32
      %get3A_1163 = arith.index_cast %get3A_1162 : i32 to index
      %get3A_1164 = arith.constant 0 : index
      %get3A_1165 = tpu.vector_load %arg10[%get3A_1163, %get3A_1164] {strides = array<i32>} : memref<16x128xf32, #tpu.memory_space<vmem>>, vector<1x16xf32>,
      %get3A_1166 = vector.shape_cast %get3A_1165 : vector<1x16xf32> to vector<16xf32>
      %mul3A_1167 = arith.mulf %get3A_1166, %broadcast_in_dim3A_1161 : vector<16xf32>
      %swap3A_1168 = arith.constant 3 : i32
      %swap3A_1169 = arith.index_cast %swap3A_1168 : i32 to index
      %swap3A_1170 = arith.constant 0 : index
      %swap3A_1171 = tpu.vector_load %arg11[%swap3A_1169, %swap3A_1170] {strides = array<i32>} : memref<16x128xf32, #tpu.memory_space<vmem>>, vector<1x16xf32>,
      %swap3A_1172 = vector.shape_cast %swap3A_1171 : vector<1x16xf32> to vector<16xf32>
      %swap3A_1173 = vector.shape_cast %mul3A_1167 : vector<16xf32> to vector<1x16xf32>
      tpu.vector_store %arg11[%swap3A_1169, %swap3A_1170], %swap3A_1173 {strides = array<i32>} : memref<16x128xf32, #tpu.memory_space<vmem>>, vector<1x16xf32>,
      %get3A_1174 = arith.constant 3 : i32
      %get3A_1175 = arith.index_cast %get3A_1174 : i32 to index
      %get3A_1176 = arith.constant 16 : index
      %get3A_1177 = tpu.vector_load %arg10[%get3A_1175, %get3A_1176] {strides = array<i32>} : memref<16x128xf32, #tpu.memory_space<vmem>>, vector<1x16xf32>,
      %get3A_1178 = vector.shape_cast %get3A_1177 : vector<1x16xf32> to vector<16xf32>
      %mul3A_1179 = arith.mulf %get3A_1178, %broadcast_in_dim3A_1161 : vector<16xf32>
      %swap3A_1180 = arith.constant 3 : i32
      %swap3A_1181 = arith.index_cast %swap3A_1180 : i32 to index
      %swap3A_1182 = arith.constant 16 : index
      %swap3A_1183 = tpu.vector_load %arg11[%swap3A_1181, %swap3A_1182] {strides = array<i32>} : memref<16x128xf32, #tpu.memory_space<vmem>>, vector<1x16xf32>,
      %swap3A_1184 = vector.shape_cast %swap3A_1183 : vector<1x16xf32> to vector<16xf32>
      %swap3A_1185 = vector.shape_cast %mul3A_1179 : vector<16xf32> to vector<1x16xf32>
      tpu.vector_store %arg11[%swap3A_1181, %swap3A_1182], %swap3A_1185 {strides = array<i32>} : memref<16x128xf32, #tpu.memory_space<vmem>>, vector<1x16xf32>,
      %get3A_1186 = arith.constant 3 : i32
      %get3A_1187 = arith.index_cast %get3A_1186 : i32 to index
      %get3A_1188 = arith.constant 32 : index
      %get3A_1189 = tpu.vector_load %arg10[%get3A_1187, %get3A_1188] {strides = array<i32>} : memref<16x128xf32, #tpu.memory_space<vmem>>, vector<1x16xf32>,
      %get3A_1190 = vector.shape_cast %get3A_1189 : vector<1x16xf32> to vector<16xf32>
      %mul3A_1191 = arith.mulf %get3A_1190, %broadcast_in_dim3A_1161 : vector<16xf32>
      %swap3A_1192 = arith.constant 3 : i32
      %swap3A_1193 = arith.index_cast %swap3A_1192 : i32 to index
      %swap3A_1194 = arith.constant 32 : index
      %swap3A_1195 = tpu.vector_load %arg11[%swap3A_1193, %swap3A_1194] {strides = array<i32>} : memref<16x128xf32, #tpu.memory_space<vmem>>, vector<1x16xf32>,
      %swap3A_1196 = vector.shape_cast %swap3A_1195 : vector<1x16xf32> to vector<16xf32>
      %swap3A_1197 = vector.shape_cast %mul3A_1191 : vector<16xf32> to vector<1x16xf32>
      tpu.vector_store %arg11[%swap3A_1193, %swap3A_1194], %swap3A_1197 {strides = array<i32>} : memref<16x128xf32, #tpu.memory_space<vmem>>, vector<1x16xf32>,
      %get3A_1198 = arith.constant 3 : i32
      %get3A_1199 = arith.index_cast %get3A_1198 : i32 to index
      %get3A_1200 = arith.constant 48 : index
      %get3A_1201 = tpu.vector_load %arg10[%get3A_1199, %get3A_1200] {strides = array<i32>} : memref<16x128xf32, #tpu.memory_space<vmem>>, vector<1x16xf32>,
      %get3A_1202 = vector.shape_cast %get3A_1201 : vector<1x16xf32> to vector<16xf32>
      %mul3A_1203 = arith.mulf %get3A_1202, %broadcast_in_dim3A_1161 : vector<16xf32>
      %swap3A_1204 = arith.constant 3 : i32
      %swap3A_1205 = arith.index_cast %swap3A_1204 : i32 to index
      %swap3A_1206 = arith.constant 48 : index
      %swap3A_1207 = tpu.vector_load %arg11[%swap3A_1205, %swap3A_1206] {strides = array<i32>} : memref<16x128xf32, #tpu.memory_space<vmem>>, vector<1x16xf32>,
      %swap3A_1208 = vector.shape_cast %swap3A_1207 : vector<1x16xf32> to vector<16xf32>
      %swap3A_1209 = vector.shape_cast %mul3A_1203 : vector<16xf32> to vector<1x16xf32>
      tpu.vector_store %arg11[%swap3A_1205, %swap3A_1206], %swap3A_1209 {strides = array<i32>} : memref<16x128xf32, #tpu.memory_space<vmem>>, vector<1x16xf32>,
      %get3A_1210 = arith.constant 3 : i32
      %get3A_1211 = arith.index_cast %get3A_1210 : i32 to index
      %get3A_1212 = arith.constant 64 : index
      %get3A_1213 = tpu.vector_load %arg10[%get3A_1211, %get3A_1212] {strides = array<i32>} : memref<16x128xf32, #tpu.memory_space<vmem>>, vector<1x16xf32>,
      %get3A_1214 = vector.shape_cast %get3A_1213 : vector<1x16xf32> to vector<16xf32>
      %mul3A_1215 = arith.mulf %get3A_1214, %broadcast_in_dim3A_1161 : vector<16xf32>
      %swap3A_1216 = arith.constant 3 : i32
      %swap3A_1217 = arith.index_cast %swap3A_1216 : i32 to index
      %swap3A_1218 = arith.constant 64 : index
      %swap3A_1219 = tpu.vector_load %arg11[%swap3A_1217, %swap3A_1218] {strides = array<i32>} : memref<16x128xf32, #tpu.memory_space<vmem>>, vector<1x16xf32>,
      %swap3A_1220 = vector.shape_cast %swap3A_1219 : vector<1x16xf32> to vector<16xf32>
      %swap3A_1221 = vector.shape_cast %mul3A_1215 : vector<16xf32> to vector<1x16xf32>
      tpu.vector_store %arg11[%swap3A_1217, %swap3A_1218], %swap3A_1221 {strides = array<i32>} : memref<16x128xf32, #tpu.memory_space<vmem>>, vector<1x16xf32>,
      %get3A_1222 = arith.constant 3 : i32
      %get3A_1223 = arith.index_cast %get3A_1222 : i32 to index
      %get3A_1224 = arith.constant 80 : index
      %get3A_1225 = tpu.vector_load %arg10[%get3A_1223, %get3A_1224] {strides = array<i32>} : memref<16x128xf32, #tpu.memory_space<vmem>>, vector<1x16xf32>,
      %get3A_1226 = vector.shape_cast %get3A_1225 : vector<1x16xf32> to vector<16xf32>
      %mul3A_1227 = arith.mulf %get3A_1226, %broadcast_in_dim3A_1161 : vector<16xf32>
      %swap3A_1228 = arith.constant 3 : i32
      %swap3A_1229 = arith.index_cast %swap3A_1228 : i32 to index
      %swap3A_1230 = arith.constant 80 : index
      %swap3A_1231 = tpu.vector_load %arg11[%swap3A_1229, %swap3A_1230] {strides = array<i32>} : memref<16x128xf32, #tpu.memory_space<vmem>>, vector<1x16xf32>,
      %swap3A_1232 = vector.shape_cast %swap3A_1231 : vector<1x16xf32> to vector<16xf32>
      %swap3A_1233 = vector.shape_cast %mul3A_1227 : vector<16xf32> to vector<1x16xf32>
      tpu.vector_store %arg11[%swap3A_1229, %swap3A_1230], %swap3A_1233 {strides = array<i32>} : memref<16x128xf32, #tpu.memory_space<vmem>>, vector<1x16xf32>,
      %get3A_1234 = arith.constant 3 : i32
      %get3A_1235 = arith.index_cast %get3A_1234 : i32 to index
      %get3A_1236 = arith.constant 96 : index
      %get3A_1237 = tpu.vector_load %arg10[%get3A_1235, %get3A_1236] {strides = array<i32>} : memref<16x128xf32, #tpu.memory_space<vmem>>, vector<1x16xf32>,
      %get3A_1238 = vector.shape_cast %get3A_1237 : vector<1x16xf32> to vector<16xf32>
      %mul3A_1239 = arith.mulf %get3A_1238, %broadcast_in_dim3A_1161 : vector<16xf32>
      %swap3A_1240 = arith.constant 3 : i32
      %swap3A_1241 = arith.index_cast %swap3A_1240 : i32 to index
      %swap3A_1242 = arith.constant 96 : index
      %swap3A_1243 = tpu.vector_load %arg11[%swap3A_1241, %swap3A_1242] {strides = array<i32>} : memref<16x128xf32, #tpu.memory_space<vmem>>, vector<1x16xf32>,
      %swap3A_1244 = vector.shape_cast %swap3A_1243 : vector<1x16xf32> to vector<16xf32>
      %swap3A_1245 = vector.shape_cast %mul3A_1239 : vector<16xf32> to vector<1x16xf32>
      tpu.vector_store %arg11[%swap3A_1241, %swap3A_1242], %swap3A_1245 {strides = array<i32>} : memref<16x128xf32, #tpu.memory_space<vmem>>, vector<1x16xf32>,
      %get3A_1246 = arith.constant 3 : i32
      %get3A_1247 = arith.index_cast %get3A_1246 : i32 to index
      %get3A_1248 = arith.constant 112 : index
      %get3A_1249 = tpu.vector_load %arg10[%get3A_1247, %get3A_1248] {strides = array<i32>} : memref<16x128xf32, #tpu.memory_space<vmem>>, vector<1x16xf32>,
      %get3A_1250 = vector.shape_cast %get3A_1249 : vector<1x16xf32> to vector<16xf32>
      %mul3A_1251 = arith.mulf %get3A_1250, %broadcast_in_dim3A_1161 : vector<16xf32>
      %swap3A_1252 = arith.constant 3 : i32
      %swap3A_1253 = arith.index_cast %swap3A_1252 : i32 to index
      %swap3A_1254 = arith.constant 112 : index
      %swap3A_1255 = tpu.vector_load %arg11[%swap3A_1253, %swap3A_1254] {strides = array<i32>} : memref<16x128xf32, #tpu.memory_space<vmem>>, vector<1x16xf32>,
      %swap3A_1256 = vector.shape_cast %swap3A_1255 : vector<1x16xf32> to vector<16xf32>
      %swap3A_1257 = vector.shape_cast %mul3A_1251 : vector<16xf32> to vector<1x16xf32>
      tpu.vector_store %arg11[%swap3A_1253, %swap3A_1254], %swap3A_1257 {strides = array<i32>} : memref<16x128xf32, #tpu.memory_space<vmem>>, vector<1x16xf32>,
      %slice3A_1258 = vector.extract_strided_slice %get3A_859 {offsets = [4], sizes = [1], strides = [1]} : vector<16xf32> to vector<1xf32>
      %squeeze3A_1259 = vector.extract %slice3A_1258[0] : f32 from vector<1xf32>
      %broadcast_in_dim3A_1260 = vector.broadcast %squeeze3A_1259 : f32 to vector<16xf32>
      %get3A_1261 = arith.constant 4 : i32
      %get3A_1262 = arith.index_cast %get3A_1261 : i32 to index
      %get3A_1263 = arith.constant 0 : index
      %get3A_1264 = tpu.vector_load %arg10[%get3A_1262, %get3A_1263] {strides = array<i32>} : memref<16x128xf32, #tpu.memory_space<vmem>>, vector<1x16xf32>,
      %get3A_1265 = vector.shape_cast %get3A_1264 : vector<1x16xf32> to vector<16xf32>
      %mul3A_1266 = arith.mulf %get3A_1265, %broadcast_in_dim3A_1260 : vector<16xf32>
      %swap3A_1267 = arith.constant 4 : i32
      %swap3A_1268 = arith.index_cast %swap3A_1267 : i32 to index
      %swap3A_1269 = arith.constant 0 : index
      %swap3A_1270 = tpu.vector_load %arg11[%swap3A_1268, %swap3A_1269] {strides = array<i32>} : memref<16x128xf32, #tpu.memory_space<vmem>>, vector<1x16xf32>,
      %swap3A_1271 = vector.shape_cast %swap3A_1270 : vector<1x16xf32> to vector<16xf32>
      %swap3A_1272 = vector.shape_cast %mul3A_1266 : vector<16xf32> to vector<1x16xf32>
      tpu.vector_store %arg11[%swap3A_1268, %swap3A_1269], %swap3A_1272 {strides = array<i32>} : memref<16x128xf32, #tpu.memory_space<vmem>>, vector<1x16xf32>,
      %get3A_1273 = arith.constant 4 : i32
      %get3A_1274 = arith.index_cast %get3A_1273 : i32 to index
      %get3A_1275 = arith.constant 16 : index
      %get3A_1276 = tpu.vector_load %arg10[%get3A_1274, %get3A_1275] {strides = array<i32>} : memref<16x128xf32, #tpu.memory_space<vmem>>, vector<1x16xf32>,
      %get3A_1277 = vector.shape_cast %get3A_1276 : vector<1x16xf32> to vector<16xf32>
      %mul3A_1278 = arith.mulf %get3A_1277, %broadcast_in_dim3A_1260 : vector<16xf32>
      %swap3A_1279 = arith.constant 4 : i32
      %swap3A_1280 = arith.index_cast %swap3A_1279 : i32 to index
      %swap3A_1281 = arith.constant 16 : index
      %swap3A_1282 = tpu.vector_load %arg11[%swap3A_1280, %swap3A_1281] {strides = array<i32>} : memref<16x128xf32, #tpu.memory_space<vmem>>, vector<1x16xf32>,
      %swap3A_1283 = vector.shape_cast %swap3A_1282 : vector<1x16xf32> to vector<16xf32>
      %swap3A_1284 = vector.shape_cast %mul3A_1278 : vector<16xf32> to vector<1x16xf32>
      tpu.vector_store %arg11[%swap3A_1280, %swap3A_1281], %swap3A_1284 {strides = array<i32>} : memref<16x128xf32, #tpu.memory_space<vmem>>, vector<1x16xf32>,
      %get3A_1285 = arith.constant 4 : i32
      %get3A_1286 = arith.index_cast %get3A_1285 : i32 to index
      %get3A_1287 = arith.constant 32 : index
      %get3A_1288 = tpu.vector_load %arg10[%get3A_1286, %get3A_1287] {strides = array<i32>} : memref<16x128xf32, #tpu.memory_space<vmem>>, vector<1x16xf32>,
      %get3A_1289 = vector.shape_cast %get3A_1288 : vector<1x16xf32> to vector<16xf32>
      %mul3A_1290 = arith.mulf %get3A_1289, %broadcast_in_dim3A_1260 : vector<16xf32>
      %swap3A_1291 = arith.constant 4 : i32
      %swap3A_1292 = arith.index_cast %swap3A_1291 : i32 to index
      %swap3A_1293 = arith.constant 32 : index
      %swap3A_1294 = tpu.vector_load %arg11[%swap3A_1292, %swap3A_1293] {strides = array<i32>} : memref<16x128xf32, #tpu.memory_space<vmem>>, vector<1x16xf32>,
      %swap3A_1295 = vector.shape_cast %swap3A_1294 : vector<1x16xf32> to vector<16xf32>
      %swap3A_1296 = vector.shape_cast %mul3A_1290 : vector<16xf32> to vector<1x16xf32>
      tpu.vector_store %arg11[%swap3A_1292, %swap3A_1293], %swap3A_1296 {strides = array<i32>} : memref<16x128xf32, #tpu.memory_space<vmem>>, vector<1x16xf32>,
      %get3A_1297 = arith.constant 4 : i32
      %get3A_1298 = arith.index_cast %get3A_1297 : i32 to index
      %get3A_1299 = arith.constant 48 : index
      %get3A_1300 = tpu.vector_load %arg10[%get3A_1298, %get3A_1299] {strides = array<i32>} : memref<16x128xf32, #tpu.memory_space<vmem>>, vector<1x16xf32>,
      %get3A_1301 = vector.shape_cast %get3A_1300 : vector<1x16xf32> to vector<16xf32>
      %mul3A_1302 = arith.mulf %get3A_1301, %broadcast_in_dim3A_1260 : vector<16xf32>
      %swap3A_1303 = arith.constant 4 : i32
      %swap3A_1304 = arith.index_cast %swap3A_1303 : i32 to index
      %swap3A_1305 = arith.constant 48 : index
      %swap3A_1306 = tpu.vector_load %arg11[%swap3A_1304, %swap3A_1305] {strides = array<i32>} : memref<16x128xf32, #tpu.memory_space<vmem>>, vector<1x16xf32>,
      %swap3A_1307 = vector.shape_cast %swap3A_1306 : vector<1x16xf32> to vector<16xf32>
      %swap3A_1308 = vector.shape_cast %mul3A_1302 : vector<16xf32> to vector<1x16xf32>
      tpu.vector_store %arg11[%swap3A_1304, %swap3A_1305], %swap3A_1308 {strides = array<i32>} : memref<16x128xf32, #tpu.memory_space<vmem>>, vector<1x16xf32>,
      %get3A_1309 = arith.constant 4 : i32
      %get3A_1310 = arith.index_cast %get3A_1309 : i32 to index
      %get3A_1311 = arith.constant 64 : index
      %get3A_1312 = tpu.vector_load %arg10[%get3A_1310, %get3A_1311] {strides = array<i32>} : memref<16x128xf32, #tpu.memory_space<vmem>>, vector<1x16xf32>,
      %get3A_1313 = vector.shape_cast %get3A_1312 : vector<1x16xf32> to vector<16xf32>
      %mul3A_1314 = arith.mulf %get3A_1313, %broadcast_in_dim3A_1260 : vector<16xf32>
      %swap3A_1315 = arith.constant 4 : i32
      %swap3A_1316 = arith.index_cast %swap3A_1315 : i32 to index
      %swap3A_1317 = arith.constant 64 : index
      %swap3A_1318 = tpu.vector_load %arg11[%swap3A_1316, %swap3A_1317] {strides = array<i32>} : memref<16x128xf32, #tpu.memory_space<vmem>>, vector<1x16xf32>,
      %swap3A_1319 = vector.shape_cast %swap3A_1318 : vector<1x16xf32> to vector<16xf32>
      %swap3A_1320 = vector.shape_cast %mul3A_1314 : vector<16xf32> to vector<1x16xf32>
      tpu.vector_store %arg11[%swap3A_1316, %swap3A_1317], %swap3A_1320 {strides = array<i32>} : memref<16x128xf32, #tpu.memory_space<vmem>>, vector<1x16xf32>,
      %get3A_1321 = arith.constant 4 : i32
      %get3A_1322 = arith.index_cast %get3A_1321 : i32 to index
      %get3A_1323 = arith.constant 80 : index
      %get3A_1324 = tpu.vector_load %arg10[%get3A_1322, %get3A_1323] {strides = array<i32>} : memref<16x128xf32, #tpu.memory_space<vmem>>, vector<1x16xf32>,
      %get3A_1325 = vector.shape_cast %get3A_1324 : vector<1x16xf32> to vector<16xf32>
      %mul3A_1326 = arith.mulf %get3A_1325, %broadcast_in_dim3A_1260 : vector<16xf32>
      %swap3A_1327 = arith.constant 4 : i32
      %swap3A_1328 = arith.index_cast %swap3A_1327 : i32 to index
      %swap3A_1329 = arith.constant 80 : index
      %swap3A_1330 = tpu.vector_load %arg11[%swap3A_1328, %swap3A_1329] {strides = array<i32>} : memref<16x128xf32, #tpu.memory_space<vmem>>, vector<1x16xf32>,
      %swap3A_1331 = vector.shape_cast %swap3A_1330 : vector<1x16xf32> to vector<16xf32>
      %swap3A_1332 = vector.shape_cast %mul3A_1326 : vector<16xf32> to vector<1x16xf32>
      tpu.vector_store %arg11[%swap3A_1328, %swap3A_1329], %swap3A_1332 {strides = array<i32>} : memref<16x128xf32, #tpu.memory_space<vmem>>, vector<1x16xf32>,
      %get3A_1333 = arith.constant 4 : i32
      %get3A_1334 = arith.index_cast %get3A_1333 : i32 to index
      %get3A_1335 = arith.constant 96 : index
      %get3A_1336 = tpu.vector_load %arg10[%get3A_1334, %get3A_1335] {strides = array<i32>} : memref<16x128xf32, #tpu.memory_space<vmem>>, vector<1x16xf32>,
      %get3A_1337 = vector.shape_cast %get3A_1336 : vector<1x16xf32> to vector<16xf32>
      %mul3A_1338 = arith.mulf %get3A_1337, %broadcast_in_dim3A_1260 : vector<16xf32>
      %swap3A_1339 = arith.constant 4 : i32
      %swap3A_1340 = arith.index_cast %swap3A_1339 : i32 to index
      %swap3A_1341 = arith.constant 96 : index
      %swap3A_1342 = tpu.vector_load %arg11[%swap3A_1340, %swap3A_1341] {strides = array<i32>} : memref<16x128xf32, #tpu.memory_space<vmem>>, vector<1x16xf32>,
      %swap3A_1343 = vector.shape_cast %swap3A_1342 : vector<1x16xf32> to vector<16xf32>
      %swap3A_1344 = vector.shape_cast %mul3A_1338 : vector<16xf32> to vector<1x16xf32>
      tpu.vector_store %arg11[%swap3A_1340, %swap3A_1341], %swap3A_1344 {strides = array<i32>} : memref<16x128xf32, #tpu.memory_space<vmem>>, vector<1x16xf32>,
      %get3A_1345 = arith.constant 4 : i32
      %get3A_1346 = arith.index_cast %get3A_1345 : i32 to index
      %get3A_1347 = arith.constant 112 : index
      %get3A_1348 = tpu.vector_load %arg10[%get3A_1346, %get3A_1347] {strides = array<i32>} : memref<16x128xf32, #tpu.memory_space<vmem>>, vector<1x16xf32>,
      %get3A_1349 = vector.shape_cast %get3A_1348 : vector<1x16xf32> to vector<16xf32>
      %mul3A_1350 = arith.mulf %get3A_1349, %broadcast_in_dim3A_1260 : vector<16xf32>
      %swap3A_1351 = arith.constant 4 : i32
      %swap3A_1352 = arith.index_cast %swap3A_1351 : i32 to index
      %swap3A_1353 = arith.constant 112 : index
      %swap3A_1354 = tpu.vector_load %arg11[%swap3A_1352, %swap3A_1353] {strides = array<i32>} : memref<16x128xf32, #tpu.memory_space<vmem>>, vector<1x16xf32>,
      %swap3A_1355 = vector.shape_cast %swap3A_1354 : vector<1x16xf32> to vector<16xf32>
      %swap3A_1356 = vector.shape_cast %mul3A_1350 : vector<16xf32> to vector<1x16xf32>
      tpu.vector_store %arg11[%swap3A_1352, %swap3A_1353], %swap3A_1356 {strides = array<i32>} : memref<16x128xf32, #tpu.memory_space<vmem>>, vector<1x16xf32>,
      %slice3A_1357 = vector.extract_strided_slice %get3A_859 {offsets = [5], sizes = [1], strides = [1]} : vector<16xf32> to vector<1xf32>
      %squeeze3A_1358 = vector.extract %slice3A_1357[0] : f32 from vector<1xf32>
      %broadcast_in_dim3A_1359 = vector.broadcast %squeeze3A_1358 : f32 to vector<16xf32>
      %get3A_1360 = arith.constant 5 : i32
      %get3A_1361 = arith.index_cast %get3A_1360 : i32 to index
      %get3A_1362 = arith.constant 0 : index
      %get3A_1363 = tpu.vector_load %arg10[%get3A_1361, %get3A_1362] {strides = array<i32>} : memref<16x128xf32, #tpu.memory_space<vmem>>, vector<1x16xf32>,
      %get3A_1364 = vector.shape_cast %get3A_1363 : vector<1x16xf32> to vector<16xf32>
      %mul3A_1365 = arith.mulf %get3A_1364, %broadcast_in_dim3A_1359 : vector<16xf32>
      %swap3A_1366 = arith.constant 5 : i32
      %swap3A_1367 = arith.index_cast %swap3A_1366 : i32 to index
      %swap3A_1368 = arith.constant 0 : index
      %swap3A_1369 = tpu.vector_load %arg11[%swap3A_1367, %swap3A_1368] {strides = array<i32>} : memref<16x128xf32, #tpu.memory_space<vmem>>, vector<1x16xf32>,
      %swap3A_1370 = vector.shape_cast %swap3A_1369 : vector<1x16xf32> to vector<16xf32>
      %swap3A_1371 = vector.shape_cast %mul3A_1365 : vector<16xf32> to vector<1x16xf32>
      tpu.vector_store %arg11[%swap3A_1367, %swap3A_1368], %swap3A_1371 {strides = array<i32>} : memref<16x128xf32, #tpu.memory_space<vmem>>, vector<1x16xf32>,
      %get3A_1372 = arith.constant 5 : i32
      %get3A_1373 = arith.index_cast %get3A_1372 : i32 to index
      %get3A_1374 = arith.constant 16 : index
      %get3A_1375 = tpu.vector_load %arg10[%get3A_1373, %get3A_1374] {strides = array<i32>} : memref<16x128xf32, #tpu.memory_space<vmem>>, vector<1x16xf32>,
      %get3A_1376 = vector.shape_cast %get3A_1375 : vector<1x16xf32> to vector<16xf32>
      %mul3A_1377 = arith.mulf %get3A_1376, %broadcast_in_dim3A_1359 : vector<16xf32>
      %swap3A_1378 = arith.constant 5 : i32
      %swap3A_1379 = arith.index_cast %swap3A_1378 : i32 to index
      %swap3A_1380 = arith.constant 16 : index
      %swap3A_1381 = tpu.vector_load %arg11[%swap3A_1379, %swap3A_1380] {strides = array<i32>} : memref<16x128xf32, #tpu.memory_space<vmem>>, vector<1x16xf32>,
      %swap3A_1382 = vector.shape_cast %swap3A_1381 : vector<1x16xf32> to vector<16xf32>
      %swap3A_1383 = vector.shape_cast %mul3A_1377 : vector<16xf32> to vector<1x16xf32>
      tpu.vector_store %arg11[%swap3A_1379, %swap3A_1380], %swap3A_1383 {strides = array<i32>} : memref<16x128xf32, #tpu.memory_space<vmem>>, vector<1x16xf32>,
      %get3A_1384 = arith.constant 5 : i32
      %get3A_1385 = arith.index_cast %get3A_1384 : i32 to index
      %get3A_1386 = arith.constant 32 : index
      %get3A_1387 = tpu.vector_load %arg10[%get3A_1385, %get3A_1386] {strides = array<i32>} : memref<16x128xf32, #tpu.memory_space<vmem>>, vector<1x16xf32>,
      %get3A_1388 = vector.shape_cast %get3A_1387 : vector<1x16xf32> to vector<16xf32>
      %mul3A_1389 = arith.mulf %get3A_1388, %broadcast_in_dim3A_1359 : vector<16xf32>
      %swap3A_1390 = arith.constant 5 : i32
      %swap3A_1391 = arith.index_cast %swap3A_1390 : i32 to index
      %swap3A_1392 = arith.constant 32 : index
      %swap3A_1393 = tpu.vector_load %arg11[%swap3A_1391, %swap3A_1392] {strides = array<i32>} : memref<16x128xf32, #tpu.memory_space<vmem>>, vector<1x16xf32>,
      %swap3A_1394 = vector.shape_cast %swap3A_1393 : vector<1x16xf32> to vector<16xf32>
      %swap3A_1395 = vector.shape_cast %mul3A_1389 : vector<16xf32> to vector<1x16xf32>
      tpu.vector_store %arg11[%swap3A_1391, %swap3A_1392], %swap3A_1395 {strides = array<i32>} : memref<16x128xf32, #tpu.memory_space<vmem>>, vector<1x16xf32>,
      %get3A_1396 = arith.constant 5 : i32
      %get3A_1397 = arith.index_cast %get3A_1396 : i32 to index
      %get3A_1398 = arith.constant 48 : index
      %get3A_1399 = tpu.vector_load %arg10[%get3A_1397, %get3A_1398] {strides = array<i32>} : memref<16x128xf32, #tpu.memory_space<vmem>>, vector<1x16xf32>,
      %get3A_1400 = vector.shape_cast %get3A_1399 : vector<1x16xf32> to vector<16xf32>
      %mul3A_1401 = arith.mulf %get3A_1400, %broadcast_in_dim3A_1359 : vector<16xf32>
      %swap3A_1402 = arith.constant 5 : i32
      %swap3A_1403 = arith.index_cast %swap3A_1402 : i32 to index
      %swap3A_1404 = arith.constant 48 : index
      %swap3A_1405 = tpu.vector_load %arg11[%swap3A_1403, %swap3A_1404] {strides = array<i32>} : memref<16x128xf32, #tpu.memory_space<vmem>>, vector<1x16xf32>,
      %swap3A_1406 = vector.shape_cast %swap3A_1405 : vector<1x16xf32> to vector<16xf32>
      %swap3A_1407 = vector.shape_cast %mul3A_1401 : vector<16xf32> to vector<1x16xf32>
      tpu.vector_store %arg11[%swap3A_1403, %swap3A_1404], %swap3A_1407 {strides = array<i32>} : memref<16x128xf32, #tpu.memory_space<vmem>>, vector<1x16xf32>,
      %get3A_1408 = arith.constant 5 : i32
      %get3A_1409 = arith.index_cast %get3A_1408 : i32 to index
      %get3A_1410 = arith.constant 64 : index
      %get3A_1411 = tpu.vector_load %arg10[%get3A_1409, %get3A_1410] {strides = array<i32>} : memref<16x128xf32, #tpu.memory_space<vmem>>, vector<1x16xf32>,
      %get3A_1412 = vector.shape_cast %get3A_1411 : vector<1x16xf32> to vector<16xf32>
      %mul3A_1413 = arith.mulf %get3A_1412, %broadcast_in_dim3A_1359 : vector<16xf32>
      %swap3A_1414 = arith.constant 5 : i32
      %swap3A_1415 = arith.index_cast %swap3A_1414 : i32 to index
      %swap3A_1416 = arith.constant 64 : index
      %swap3A_1417 = tpu.vector_load %arg11[%swap3A_1415, %swap3A_1416] {strides = array<i32>} : memref<16x128xf32, #tpu.memory_space<vmem>>, vector<1x16xf32>,
      %swap3A_1418 = vector.shape_cast %swap3A_1417 : vector<1x16xf32> to vector<16xf32>
      %swap3A_1419 = vector.shape_cast %mul3A_1413 : vector<16xf32> to vector<1x16xf32>
      tpu.vector_store %arg11[%swap3A_1415, %swap3A_1416], %swap3A_1419 {strides = array<i32>} : memref<16x128xf32, #tpu.memory_space<vmem>>, vector<1x16xf32>,
      %get3A_1420 = arith.constant 5 : i32
      %get3A_1421 = arith.index_cast %get3A_1420 : i32 to index
      %get3A_1422 = arith.constant 80 : index
      %get3A_1423 = tpu.vector_load %arg10[%get3A_1421, %get3A_1422] {strides = array<i32>} : memref<16x128xf32, #tpu.memory_space<vmem>>, vector<1x16xf32>,
      %get3A_1424 = vector.shape_cast %get3A_1423 : vector<1x16xf32> to vector<16xf32>
      %mul3A_1425 = arith.mulf %get3A_1424, %broadcast_in_dim3A_1359 : vector<16xf32>
      %swap3A_1426 = arith.constant 5 : i32
      %swap3A_1427 = arith.index_cast %swap3A_1426 : i32 to index
      %swap3A_1428 = arith.constant 80 : index
      %swap3A_1429 = tpu.vector_load %arg11[%swap3A_1427, %swap3A_1428] {strides = array<i32>} : memref<16x128xf32, #tpu.memory_space<vmem>>, vector<1x16xf32>,
      %swap3A_1430 = vector.shape_cast %swap3A_1429 : vector<1x16xf32> to vector<16xf32>
      %swap3A_1431 = vector.shape_cast %mul3A_1425 : vector<16xf32> to vector<1x16xf32>
      tpu.vector_store %arg11[%swap3A_1427, %swap3A_1428], %swap3A_1431 {strides = array<i32>} : memref<16x128xf32, #tpu.memory_space<vmem>>, vector<1x16xf32>,
      %get3A_1432 = arith.constant 5 : i32
      %get3A_1433 = arith.index_cast %get3A_1432 : i32 to index
      %get3A_1434 = arith.constant 96 : index
      %get3A_1435 = tpu.vector_load %arg10[%get3A_1433, %get3A_1434] {strides = array<i32>} : memref<16x128xf32, #tpu.memory_space<vmem>>, vector<1x16xf32>,
      %get3A_1436 = vector.shape_cast %get3A_1435 : vector<1x16xf32> to vector<16xf32>
      %mul3A_1437 = arith.mulf %get3A_1436, %broadcast_in_dim3A_1359 : vector<16xf32>
      %swap3A_1438 = arith.constant 5 : i32
      %swap3A_1439 = arith.index_cast %swap3A_1438 : i32 to index
      %swap3A_1440 = arith.constant 96 : index
      %swap3A_1441 = tpu.vector_load %arg11[%swap3A_1439, %swap3A_1440] {strides = array<i32>} : memref<16x128xf32, #tpu.memory_space<vmem>>, vector<1x16xf32>,
      %swap3A_1442 = vector.shape_cast %swap3A_1441 : vector<1x16xf32> to vector<16xf32>
      %swap3A_1443 = vector.shape_cast %mul3A_1437 : vector<16xf32> to vector<1x16xf32>
      tpu.vector_store %arg11[%swap3A_1439, %swap3A_1440], %swap3A_1443 {strides = array<i32>} : memref<16x128xf32, #tpu.memory_space<vmem>>, vector<1x16xf32>,
      %get3A_1444 = arith.constant 5 : i32
      %get3A_1445 = arith.index_cast %get3A_1444 : i32 to index
      %get3A_1446 = arith.constant 112 : index
      %get3A_1447 = tpu.vector_load %arg10[%get3A_1445, %get3A_1446] {strides = array<i32>} : memref<16x128xf32, #tpu.memory_space<vmem>>, vector<1x16xf32>,
      %get3A_1448 = vector.shape_cast %get3A_1447 : vector<1x16xf32> to vector<16xf32>
      %mul3A_1449 = arith.mulf %get3A_1448, %broadcast_in_dim3A_1359 : vector<16xf32>
      %swap3A_1450 = arith.constant 5 : i32
      %swap3A_1451 = arith.index_cast %swap3A_1450 : i32 to index
      %swap3A_1452 = arith.constant 112 : index
      %swap3A_1453 = tpu.vector_load %arg11[%swap3A_1451, %swap3A_1452] {strides = array<i32>} : memref<16x128xf32, #tpu.memory_space<vmem>>, vector<1x16xf32>,
      %swap3A_1454 = vector.shape_cast %swap3A_1453 : vector<1x16xf32> to vector<16xf32>
      %swap3A_1455 = vector.shape_cast %mul3A_1449 : vector<16xf32> to vector<1x16xf32>
      tpu.vector_store %arg11[%swap3A_1451, %swap3A_1452], %swap3A_1455 {strides = array<i32>} : memref<16x128xf32, #tpu.memory_space<vmem>>, vector<1x16xf32>,
      %slice3A_1456 = vector.extract_strided_slice %get3A_859 {offsets = [6], sizes = [1], strides = [1]} : vector<16xf32> to vector<1xf32>
      %squeeze3A_1457 = vector.extract %slice3A_1456[0] : f32 from vector<1xf32>
      %broadcast_in_dim3A_1458 = vector.broadcast %squeeze3A_1457 : f32 to vector<16xf32>
      %get3A_1459 = arith.constant 6 : i32
      %get3A_1460 = arith.index_cast %get3A_1459 : i32 to index
      %get3A_1461 = arith.constant 0 : index
      %get3A_1462 = tpu.vector_load %arg10[%get3A_1460, %get3A_1461] {strides = array<i32>} : memref<16x128xf32, #tpu.memory_space<vmem>>, vector<1x16xf32>,
      %get3A_1463 = vector.shape_cast %get3A_1462 : vector<1x16xf32> to vector<16xf32>
      %mul3A_1464 = arith.mulf %get3A_1463, %broadcast_in_dim3A_1458 : vector<16xf32>
      %swap3A_1465 = arith.constant 6 : i32
      %swap3A_1466 = arith.index_cast %swap3A_1465 : i32 to index
      %swap3A_1467 = arith.constant 0 : index
      %swap3A_1468 = tpu.vector_load %arg11[%swap3A_1466, %swap3A_1467] {strides = array<i32>} : memref<16x128xf32, #tpu.memory_space<vmem>>, vector<1x16xf32>,
      %swap3A_1469 = vector.shape_cast %swap3A_1468 : vector<1x16xf32> to vector<16xf32>
      %swap3A_1470 = vector.shape_cast %mul3A_1464 : vector<16xf32> to vector<1x16xf32>
      tpu.vector_store %arg11[%swap3A_1466, %swap3A_1467], %swap3A_1470 {strides = array<i32>} : memref<16x128xf32, #tpu.memory_space<vmem>>, vector<1x16xf32>,
      %get3A_1471 = arith.constant 6 : i32
      %get3A_1472 = arith.index_cast %get3A_1471 : i32 to index
      %get3A_1473 = arith.constant 16 : index
      %get3A_1474 = tpu.vector_load %arg10[%get3A_1472, %get3A_1473] {strides = array<i32>} : memref<16x128xf32, #tpu.memory_space<vmem>>, vector<1x16xf32>,
      %get3A_1475 = vector.shape_cast %get3A_1474 : vector<1x16xf32> to vector<16xf32>
      %mul3A_1476 = arith.mulf %get3A_1475, %broadcast_in_dim3A_1458 : vector<16xf32>
      %swap3A_1477 = arith.constant 6 : i32
      %swap3A_1478 = arith.index_cast %swap3A_1477 : i32 to index
      %swap3A_1479 = arith.constant 16 : index
      %swap3A_1480 = tpu.vector_load %arg11[%swap3A_1478, %swap3A_1479] {strides = array<i32>} : memref<16x128xf32, #tpu.memory_space<vmem>>, vector<1x16xf32>,
      %swap3A_1481 = vector.shape_cast %swap3A_1480 : vector<1x16xf32> to vector<16xf32>
      %swap3A_1482 = vector.shape_cast %mul3A_1476 : vector<16xf32> to vector<1x16xf32>
      tpu.vector_store %arg11[%swap3A_1478, %swap3A_1479], %swap3A_1482 {strides = array<i32>} : memref<16x128xf32, #tpu.memory_space<vmem>>, vector<1x16xf32>,
      %get3A_1483 = arith.constant 6 : i32
      %get3A_1484 = arith.index_cast %get3A_1483 : i32 to index
      %get3A_1485 = arith.constant 32 : index
      %get3A_1486 = tpu.vector_load %arg10[%get3A_1484, %get3A_1485] {strides = array<i32>} : memref<16x128xf32, #tpu.memory_space<vmem>>, vector<1x16xf32>,
      %get3A_1487 = vector.shape_cast %get3A_1486 : vector<1x16xf32> to vector<16xf32>
      %mul3A_1488 = arith.mulf %get3A_1487, %broadcast_in_dim3A_1458 : vector<16xf32>
      %swap3A_1489 = arith.constant 6 : i32
      %swap3A_1490 = arith.index_cast %swap3A_1489 : i32 to index
      %swap3A_1491 = arith.constant 32 : index
      %swap3A_1492 = tpu.vector_load %arg11[%swap3A_1490, %swap3A_1491] {strides = array<i32>} : memref<16x128xf32, #tpu.memory_space<vmem>>, vector<1x16xf32>,
      %swap3A_1493 = vector.shape_cast %swap3A_1492 : vector<1x16xf32> to vector<16xf32>
      %swap3A_1494 = vector.shape_cast %mul3A_1488 : vector<16xf32> to vector<1x16xf32>
      tpu.vector_store %arg11[%swap3A_1490, %swap3A_1491], %swap3A_1494 {strides = array<i32>} : memref<16x128xf32, #tpu.memory_space<vmem>>, vector<1x16xf32>,
      %get3A_1495 = arith.constant 6 : i32
      %get3A_1496 = arith.index_cast %get3A_1495 : i32 to index
      %get3A_1497 = arith.constant 48 : index
      %get3A_1498 = tpu.vector_load %arg10[%get3A_1496, %get3A_1497] {strides = array<i32>} : memref<16x128xf32, #tpu.memory_space<vmem>>, vector<1x16xf32>,
      %get3A_1499 = vector.shape_cast %get3A_1498 : vector<1x16xf32> to vector<16xf32>
      %mul3A_1500 = arith.mulf %get3A_1499, %broadcast_in_dim3A_1458 : vector<16xf32>
      %swap3A_1501 = arith.constant 6 : i32
      %swap3A_1502 = arith.index_cast %swap3A_1501 : i32 to index
      %swap3A_1503 = arith.constant 48 : index
      %swap3A_1504 = tpu.vector_load %arg11[%swap3A_1502, %swap3A_1503] {strides = array<i32>} : memref<16x128xf32, #tpu.memory_space<vmem>>, vector<1x16xf32>,
      %swap3A_1505 = vector.shape_cast %swap3A_1504 : vector<1x16xf32> to vector<16xf32>
      %swap3A_1506 = vector.shape_cast %mul3A_1500 : vector<16xf32> to vector<1x16xf32>
      tpu.vector_store %arg11[%swap3A_1502, %swap3A_1503], %swap3A_1506 {strides = array<i32>} : memref<16x128xf32, #tpu.memory_space<vmem>>, vector<1x16xf32>,
      %get3A_1507 = arith.constant 6 : i32
      %get3A_1508 = arith.index_cast %get3A_1507 : i32 to index
      %get3A_1509 = arith.constant 64 : index
      %get3A_1510 = tpu.vector_load %arg10[%get3A_1508, %get3A_1509] {strides = array<i32>} : memref<16x128xf32, #tpu.memory_space<vmem>>, vector<1x16xf32>,
      %get3A_1511 = vector.shape_cast %get3A_1510 : vector<1x16xf32> to vector<16xf32>
      %mul3A_1512 = arith.mulf %get3A_1511, %broadcast_in_dim3A_1458 : vector<16xf32>
      %swap3A_1513 = arith.constant 6 : i32
      %swap3A_1514 = arith.index_cast %swap3A_1513 : i32 to index
      %swap3A_1515 = arith.constant 64 : index
      %swap3A_1516 = tpu.vector_load %arg11[%swap3A_1514, %swap3A_1515] {strides = array<i32>} : memref<16x128xf32, #tpu.memory_space<vmem>>, vector<1x16xf32>,
      %swap3A_1517 = vector.shape_cast %swap3A_1516 : vector<1x16xf32> to vector<16xf32>
      %swap3A_1518 = vector.shape_cast %mul3A_1512 : vector<16xf32> to vector<1x16xf32>
      tpu.vector_store %arg11[%swap3A_1514, %swap3A_1515], %swap3A_1518 {strides = array<i32>} : memref<16x128xf32, #tpu.memory_space<vmem>>, vector<1x16xf32>,
      %get3A_1519 = arith.constant 6 : i32
      %get3A_1520 = arith.index_cast %get3A_1519 : i32 to index
      %get3A_1521 = arith.constant 80 : index
      %get3A_1522 = tpu.vector_load %arg10[%get3A_1520, %get3A_1521] {strides = array<i32>} : memref<16x128xf32, #tpu.memory_space<vmem>>, vector<1x16xf32>,
      %get3A_1523 = vector.shape_cast %get3A_1522 : vector<1x16xf32> to vector<16xf32>
      %mul3A_1524 = arith.mulf %get3A_1523, %broadcast_in_dim3A_1458 : vector<16xf32>
      %swap3A_1525 = arith.constant 6 : i32
      %swap3A_1526 = arith.index_cast %swap3A_1525 : i32 to index
      %swap3A_1527 = arith.constant 80 : index
      %swap3A_1528 = tpu.vector_load %arg11[%swap3A_1526, %swap3A_1527] {strides = array<i32>} : memref<16x128xf32, #tpu.memory_space<vmem>>, vector<1x16xf32>,
      %swap3A_1529 = vector.shape_cast %swap3A_1528 : vector<1x16xf32> to vector<16xf32>
      %swap3A_1530 = vector.shape_cast %mul3A_1524 : vector<16xf32> to vector<1x16xf32>
      tpu.vector_store %arg11[%swap3A_1526, %swap3A_1527], %swap3A_1530 {strides = array<i32>} : memref<16x128xf32, #tpu.memory_space<vmem>>, vector<1x16xf32>,
      %get3A_1531 = arith.constant 6 : i32
      %get3A_1532 = arith.index_cast %get3A_1531 : i32 to index
      %get3A_1533 = arith.constant 96 : index
      %get3A_1534 = tpu.vector_load %arg10[%get3A_1532, %get3A_1533] {strides = array<i32>} : memref<16x128xf32, #tpu.memory_space<vmem>>, vector<1x16xf32>,
      %get3A_1535 = vector.shape_cast %get3A_1534 : vector<1x16xf32> to vector<16xf32>
      %mul3A_1536 = arith.mulf %get3A_1535, %broadcast_in_dim3A_1458 : vector<16xf32>
      %swap3A_1537 = arith.constant 6 : i32
      %swap3A_1538 = arith.index_cast %swap3A_1537 : i32 to index
      %swap3A_1539 = arith.constant 96 : index
      %swap3A_1540 = tpu.vector_load %arg11[%swap3A_1538, %swap3A_1539] {strides = array<i32>} : memref<16x128xf32, #tpu.memory_space<vmem>>, vector<1x16xf32>,
      %swap3A_1541 = vector.shape_cast %swap3A_1540 : vector<1x16xf32> to vector<16xf32>
      %swap3A_1542 = vector.shape_cast %mul3A_1536 : vector<16xf32> to vector<1x16xf32>
      tpu.vector_store %arg11[%swap3A_1538, %swap3A_1539], %swap3A_1542 {strides = array<i32>} : memref<16x128xf32, #tpu.memory_space<vmem>>, vector<1x16xf32>,
      %get3A_1543 = arith.constant 6 : i32
      %get3A_1544 = arith.index_cast %get3A_1543 : i32 to index
      %get3A_1545 = arith.constant 112 : index
      %get3A_1546 = tpu.vector_load %arg10[%get3A_1544, %get3A_1545] {strides = array<i32>} : memref<16x128xf32, #tpu.memory_space<vmem>>, vector<1x16xf32>,
      %get3A_1547 = vector.shape_cast %get3A_1546 : vector<1x16xf32> to vector<16xf32>
      %mul3A_1548 = arith.mulf %get3A_1547, %broadcast_in_dim3A_1458 : vector<16xf32>
      %swap3A_1549 = arith.constant 6 : i32
      %swap3A_1550 = arith.index_cast %swap3A_1549 : i32 to index
      %swap3A_1551 = arith.constant 112 : index
      %swap3A_1552 = tpu.vector_load %arg11[%swap3A_1550, %swap3A_1551] {strides = array<i32>} : memref<16x128xf32, #tpu.memory_space<vmem>>, vector<1x16xf32>,
      %swap3A_1553 = vector.shape_cast %swap3A_1552 : vector<1x16xf32> to vector<16xf32>
      %swap3A_1554 = vector.shape_cast %mul3A_1548 : vector<16xf32> to vector<1x16xf32>
      tpu.vector_store %arg11[%swap3A_1550, %swap3A_1551], %swap3A_1554 {strides = array<i32>} : memref<16x128xf32, #tpu.memory_space<vmem>>, vector<1x16xf32>,
      %slice3A_1555 = vector.extract_strided_slice %get3A_859 {offsets = [7], sizes = [1], strides = [1]} : vector<16xf32> to vector<1xf32>
      %squeeze3A_1556 = vector.extract %slice3A_1555[0] : f32 from vector<1xf32>
      %broadcast_in_dim3A_1557 = vector.broadcast %squeeze3A_1556 : f32 to vector<16xf32>
      %get3A_1558 = arith.constant 7 : i32
      %get3A_1559 = arith.index_cast %get3A_1558 : i32 to index
      %get3A_1560 = arith.constant 0 : index
      %get3A_1561 = tpu.vector_load %arg10[%get3A_1559, %get3A_1560] {strides = array<i32>} : memref<16x128xf32, #tpu.memory_space<vmem>>, vector<1x16xf32>,
      %get3A_1562 = vector.shape_cast %get3A_1561 : vector<1x16xf32> to vector<16xf32>
      %mul3A_1563 = arith.mulf %get3A_1562, %broadcast_in_dim3A_1557 : vector<16xf32>
      %swap3A_1564 = arith.constant 7 : i32
      %swap3A_1565 = arith.index_cast %swap3A_1564 : i32 to index
      %swap3A_1566 = arith.constant 0 : index
      %swap3A_1567 = tpu.vector_load %arg11[%swap3A_1565, %swap3A_1566] {strides = array<i32>} : memref<16x128xf32, #tpu.memory_space<vmem>>, vector<1x16xf32>,
      %swap3A_1568 = vector.shape_cast %swap3A_1567 : vector<1x16xf32> to vector<16xf32>
      %swap3A_1569 = vector.shape_cast %mul3A_1563 : vector<16xf32> to vector<1x16xf32>
      tpu.vector_store %arg11[%swap3A_1565, %swap3A_1566], %swap3A_1569 {strides = array<i32>} : memref<16x128xf32, #tpu.memory_space<vmem>>, vector<1x16xf32>,
      %get3A_1570 = arith.constant 7 : i32
      %get3A_1571 = arith.index_cast %get3A_1570 : i32 to index
      %get3A_1572 = arith.constant 16 : index
      %get3A_1573 = tpu.vector_load %arg10[%get3A_1571, %get3A_1572] {strides = array<i32>} : memref<16x128xf32, #tpu.memory_space<vmem>>, vector<1x16xf32>,
      %get3A_1574 = vector.shape_cast %get3A_1573 : vector<1x16xf32> to vector<16xf32>
      %mul3A_1575 = arith.mulf %get3A_1574, %broadcast_in_dim3A_1557 : vector<16xf32>
      %swap3A_1576 = arith.constant 7 : i32
      %swap3A_1577 = arith.index_cast %swap3A_1576 : i32 to index
      %swap3A_1578 = arith.constant 16 : index
      %swap3A_1579 = tpu.vector_load %arg11[%swap3A_1577, %swap3A_1578] {strides = array<i32>} : memref<16x128xf32, #tpu.memory_space<vmem>>, vector<1x16xf32>,
      %swap3A_1580 = vector.shape_cast %swap3A_1579 : vector<1x16xf32> to vector<16xf32>
      %swap3A_1581 = vector.shape_cast %mul3A_1575 : vector<16xf32> to vector<1x16xf32>
      tpu.vector_store %arg11[%swap3A_1577, %swap3A_1578], %swap3A_1581 {strides = array<i32>} : memref<16x128xf32, #tpu.memory_space<vmem>>, vector<1x16xf32>,
      %get3A_1582 = arith.constant 7 : i32
      %get3A_1583 = arith.index_cast %get3A_1582 : i32 to index
      %get3A_1584 = arith.constant 32 : index
      %get3A_1585 = tpu.vector_load %arg10[%get3A_1583, %get3A_1584] {strides = array<i32>} : memref<16x128xf32, #tpu.memory_space<vmem>>, vector<1x16xf32>,
      %get3A_1586 = vector.shape_cast %get3A_1585 : vector<1x16xf32> to vector<16xf32>
      %mul3A_1587 = arith.mulf %get3A_1586, %broadcast_in_dim3A_1557 : vector<16xf32>
      %swap3A_1588 = arith.constant 7 : i32
      %swap3A_1589 = arith.index_cast %swap3A_1588 : i32 to index
      %swap3A_1590 = arith.constant 32 : index
      %swap3A_1591 = tpu.vector_load %arg11[%swap3A_1589, %swap3A_1590] {strides = array<i32>} : memref<16x128xf32, #tpu.memory_space<vmem>>, vector<1x16xf32>,
      %swap3A_1592 = vector.shape_cast %swap3A_1591 : vector<1x16xf32> to vector<16xf32>
      %swap3A_1593 = vector.shape_cast %mul3A_1587 : vector<16xf32> to vector<1x16xf32>
      tpu.vector_store %arg11[%swap3A_1589, %swap3A_1590], %swap3A_1593 {strides = array<i32>} : memref<16x128xf32, #tpu.memory_space<vmem>>, vector<1x16xf32>,
      %get3A_1594 = arith.constant 7 : i32
      %get3A_1595 = arith.index_cast %get3A_1594 : i32 to index
      %get3A_1596 = arith.constant 48 : index
      %get3A_1597 = tpu.vector_load %arg10[%get3A_1595, %get3A_1596] {strides = array<i32>} : memref<16x128xf32, #tpu.memory_space<vmem>>, vector<1x16xf32>,
      %get3A_1598 = vector.shape_cast %get3A_1597 : vector<1x16xf32> to vector<16xf32>
      %mul3A_1599 = arith.mulf %get3A_1598, %broadcast_in_dim3A_1557 : vector<16xf32>
      %swap3A_1600 = arith.constant 7 : i32
      %swap3A_1601 = arith.index_cast %swap3A_1600 : i32 to index
      %swap3A_1602 = arith.constant 48 : index
      %swap3A_1603 = tpu.vector_load %arg11[%swap3A_1601, %swap3A_1602] {strides = array<i32>} : memref<16x128xf32, #tpu.memory_space<vmem>>, vector<1x16xf32>,
      %swap3A_1604 = vector.shape_cast %swap3A_1603 : vector<1x16xf32> to vector<16xf32>
      %swap3A_1605 = vector.shape_cast %mul3A_1599 : vector<16xf32> to vector<1x16xf32>
      tpu.vector_store %arg11[%swap3A_1601, %swap3A_1602], %swap3A_1605 {strides = array<i32>} : memref<16x128xf32, #tpu.memory_space<vmem>>, vector<1x16xf32>,
      %get3A_1606 = arith.constant 7 : i32
      %get3A_1607 = arith.index_cast %get3A_1606 : i32 to index
      %get3A_1608 = arith.constant 64 : index
      %get3A_1609 = tpu.vector_load %arg10[%get3A_1607, %get3A_1608] {strides = array<i32>} : memref<16x128xf32, #tpu.memory_space<vmem>>, vector<1x16xf32>,
      %get3A_1610 = vector.shape_cast %get3A_1609 : vector<1x16xf32> to vector<16xf32>
      %mul3A_1611 = arith.mulf %get3A_1610, %broadcast_in_dim3A_1557 : vector<16xf32>
      %swap3A_1612 = arith.constant 7 : i32
      %swap3A_1613 = arith.index_cast %swap3A_1612 : i32 to index
      %swap3A_1614 = arith.constant 64 : index
      %swap3A_1615 = tpu.vector_load %arg11[%swap3A_1613, %swap3A_1614] {strides = array<i32>} : memref<16x128xf32, #tpu.memory_space<vmem>>, vector<1x16xf32>,
      %swap3A_1616 = vector.shape_cast %swap3A_1615 : vector<1x16xf32> to vector<16xf32>
      %swap3A_1617 = vector.shape_cast %mul3A_1611 : vector<16xf32> to vector<1x16xf32>
      tpu.vector_store %arg11[%swap3A_1613, %swap3A_1614], %swap3A_1617 {strides = array<i32>} : memref<16x128xf32, #tpu.memory_space<vmem>>, vector<1x16xf32>,
      %get3A_1618 = arith.constant 7 : i32
      %get3A_1619 = arith.index_cast %get3A_1618 : i32 to index
      %get3A_1620 = arith.constant 80 : index
      %get3A_1621 = tpu.vector_load %arg10[%get3A_1619, %get3A_1620] {strides = array<i32>} : memref<16x128xf32, #tpu.memory_space<vmem>>, vector<1x16xf32>,
      %get3A_1622 = vector.shape_cast %get3A_1621 : vector<1x16xf32> to vector<16xf32>
      %mul3A_1623 = arith.mulf %get3A_1622, %broadcast_in_dim3A_1557 : vector<16xf32>
      %swap3A_1624 = arith.constant 7 : i32
      %swap3A_1625 = arith.index_cast %swap3A_1624 : i32 to index
      %swap3A_1626 = arith.constant 80 : index
      %swap3A_1627 = tpu.vector_load %arg11[%swap3A_1625, %swap3A_1626] {strides = array<i32>} : memref<16x128xf32, #tpu.memory_space<vmem>>, vector<1x16xf32>,
      %swap3A_1628 = vector.shape_cast %swap3A_1627 : vector<1x16xf32> to vector<16xf32>
      %swap3A_1629 = vector.shape_cast %mul3A_1623 : vector<16xf32> to vector<1x16xf32>
      tpu.vector_store %arg11[%swap3A_1625, %swap3A_1626], %swap3A_1629 {strides = array<i32>} : memref<16x128xf32, #tpu.memory_space<vmem>>, vector<1x16xf32>,
      %get3A_1630 = arith.constant 7 : i32
      %get3A_1631 = arith.index_cast %get3A_1630 : i32 to index
      %get3A_1632 = arith.constant 96 : index
      %get3A_1633 = tpu.vector_load %arg10[%get3A_1631, %get3A_1632] {strides = array<i32>} : memref<16x128xf32, #tpu.memory_space<vmem>>, vector<1x16xf32>,
      %get3A_1634 = vector.shape_cast %get3A_1633 : vector<1x16xf32> to vector<16xf32>
      %mul3A_1635 = arith.mulf %get3A_1634, %broadcast_in_dim3A_1557 : vector<16xf32>
      %swap3A_1636 = arith.constant 7 : i32
      %swap3A_1637 = arith.index_cast %swap3A_1636 : i32 to index
      %swap3A_1638 = arith.constant 96 : index
      %swap3A_1639 = tpu.vector_load %arg11[%swap3A_1637, %swap3A_1638] {strides = array<i32>} : memref<16x128xf32, #tpu.memory_space<vmem>>, vector<1x16xf32>,
      %swap3A_1640 = vector.shape_cast %swap3A_1639 : vector<1x16xf32> to vector<16xf32>
      %swap3A_1641 = vector.shape_cast %mul3A_1635 : vector<16xf32> to vector<1x16xf32>
      tpu.vector_store %arg11[%swap3A_1637, %swap3A_1638], %swap3A_1641 {strides = array<i32>} : memref<16x128xf32, #tpu.memory_space<vmem>>, vector<1x16xf32>,
      %get3A_1642 = arith.constant 7 : i32
      %get3A_1643 = arith.index_cast %get3A_1642 : i32 to index
      %get3A_1644 = arith.constant 112 : index
      %get3A_1645 = tpu.vector_load %arg10[%get3A_1643, %get3A_1644] {strides = array<i32>} : memref<16x128xf32, #tpu.memory_space<vmem>>, vector<1x16xf32>,
      %get3A_1646 = vector.shape_cast %get3A_1645 : vector<1x16xf32> to vector<16xf32>
      %mul3A_1647 = arith.mulf %get3A_1646, %broadcast_in_dim3A_1557 : vector<16xf32>
      %swap3A_1648 = arith.constant 7 : i32
      %swap3A_1649 = arith.index_cast %swap3A_1648 : i32 to index
      %swap3A_1650 = arith.constant 112 : index
      %swap3A_1651 = tpu.vector_load %arg11[%swap3A_1649, %swap3A_1650] {strides = array<i32>} : memref<16x128xf32, #tpu.memory_space<vmem>>, vector<1x16xf32>,
      %swap3A_1652 = vector.shape_cast %swap3A_1651 : vector<1x16xf32> to vector<16xf32>
      %swap3A_1653 = vector.shape_cast %mul3A_1647 : vector<16xf32> to vector<1x16xf32>
      tpu.vector_store %arg11[%swap3A_1649, %swap3A_1650], %swap3A_1653 {strides = array<i32>} : memref<16x128xf32, #tpu.memory_space<vmem>>, vector<1x16xf32>,
      %slice3A_1654 = vector.extract_strided_slice %get3A_859 {offsets = [8], sizes = [1], strides = [1]} : vector<16xf32> to vector<1xf32>
      %squeeze3A_1655 = vector.extract %slice3A_1654[0] : f32 from vector<1xf32>
      %broadcast_in_dim3A_1656 = vector.broadcast %squeeze3A_1655 : f32 to vector<16xf32>
      %get3A_1657 = arith.constant 8 : i32
      %get3A_1658 = arith.index_cast %get3A_1657 : i32 to index
      %get3A_1659 = arith.constant 0 : index
      %get3A_1660 = tpu.vector_load %arg10[%get3A_1658, %get3A_1659] {strides = array<i32>} : memref<16x128xf32, #tpu.memory_space<vmem>>, vector<1x16xf32>,
      %get3A_1661 = vector.shape_cast %get3A_1660 : vector<1x16xf32> to vector<16xf32>
      %mul3A_1662 = arith.mulf %get3A_1661, %broadcast_in_dim3A_1656 : vector<16xf32>
      %swap3A_1663 = arith.constant 8 : i32
      %swap3A_1664 = arith.index_cast %swap3A_1663 : i32 to index
      %swap3A_1665 = arith.constant 0 : index
      %swap3A_1666 = tpu.vector_load %arg11[%swap3A_1664, %swap3A_1665] {strides = array<i32>} : memref<16x128xf32, #tpu.memory_space<vmem>>, vector<1x16xf32>,
      %swap3A_1667 = vector.shape_cast %swap3A_1666 : vector<1x16xf32> to vector<16xf32>
      %swap3A_1668 = vector.shape_cast %mul3A_1662 : vector<16xf32> to vector<1x16xf32>
      tpu.vector_store %arg11[%swap3A_1664, %swap3A_1665], %swap3A_1668 {strides = array<i32>} : memref<16x128xf32, #tpu.memory_space<vmem>>, vector<1x16xf32>,
      %get3A_1669 = arith.constant 8 : i32
      %get3A_1670 = arith.index_cast %get3A_1669 : i32 to index
      %get3A_1671 = arith.constant 16 : index
      %get3A_1672 = tpu.vector_load %arg10[%get3A_1670, %get3A_1671] {strides = array<i32>} : memref<16x128xf32, #tpu.memory_space<vmem>>, vector<1x16xf32>,
      %get3A_1673 = vector.shape_cast %get3A_1672 : vector<1x16xf32> to vector<16xf32>
      %mul3A_1674 = arith.mulf %get3A_1673, %broadcast_in_dim3A_1656 : vector<16xf32>
      %swap3A_1675 = arith.constant 8 : i32
      %swap3A_1676 = arith.index_cast %swap3A_1675 : i32 to index
      %swap3A_1677 = arith.constant 16 : index
      %swap3A_1678 = tpu.vector_load %arg11[%swap3A_1676, %swap3A_1677] {strides = array<i32>} : memref<16x128xf32, #tpu.memory_space<vmem>>, vector<1x16xf32>,
      %swap3A_1679 = vector.shape_cast %swap3A_1678 : vector<1x16xf32> to vector<16xf32>
      %swap3A_1680 = vector.shape_cast %mul3A_1674 : vector<16xf32> to vector<1x16xf32>
      tpu.vector_store %arg11[%swap3A_1676, %swap3A_1677], %swap3A_1680 {strides = array<i32>} : memref<16x128xf32, #tpu.memory_space<vmem>>, vector<1x16xf32>,
      %get3A_1681 = arith.constant 8 : i32
      %get3A_1682 = arith.index_cast %get3A_1681 : i32 to index
      %get3A_1683 = arith.constant 32 : index
      %get3A_1684 = tpu.vector_load %arg10[%get3A_1682, %get3A_1683] {strides = array<i32>} : memref<16x128xf32, #tpu.memory_space<vmem>>, vector<1x16xf32>,
      %get3A_1685 = vector.shape_cast %get3A_1684 : vector<1x16xf32> to vector<16xf32>
      %mul3A_1686 = arith.mulf %get3A_1685, %broadcast_in_dim3A_1656 : vector<16xf32>
      %swap3A_1687 = arith.constant 8 : i32
      %swap3A_1688 = arith.index_cast %swap3A_1687 : i32 to index
      %swap3A_1689 = arith.constant 32 : index
      %swap3A_1690 = tpu.vector_load %arg11[%swap3A_1688, %swap3A_1689] {strides = array<i32>} : memref<16x128xf32, #tpu.memory_space<vmem>>, vector<1x16xf32>,
      %swap3A_1691 = vector.shape_cast %swap3A_1690 : vector<1x16xf32> to vector<16xf32>
      %swap3A_1692 = vector.shape_cast %mul3A_1686 : vector<16xf32> to vector<1x16xf32>
      tpu.vector_store %arg11[%swap3A_1688, %swap3A_1689], %swap3A_1692 {strides = array<i32>} : memref<16x128xf32, #tpu.memory_space<vmem>>, vector<1x16xf32>,
      %get3A_1693 = arith.constant 8 : i32
      %get3A_1694 = arith.index_cast %get3A_1693 : i32 to index
      %get3A_1695 = arith.constant 48 : index
      %get3A_1696 = tpu.vector_load %arg10[%get3A_1694, %get3A_1695] {strides = array<i32>} : memref<16x128xf32, #tpu.memory_space<vmem>>, vector<1x16xf32>,
      %get3A_1697 = vector.shape_cast %get3A_1696 : vector<1x16xf32> to vector<16xf32>
      %mul3A_1698 = arith.mulf %get3A_1697, %broadcast_in_dim3A_1656 : vector<16xf32>
      %swap3A_1699 = arith.constant 8 : i32
      %swap3A_1700 = arith.index_cast %swap3A_1699 : i32 to index
      %swap3A_1701 = arith.constant 48 : index
      %swap3A_1702 = tpu.vector_load %arg11[%swap3A_1700, %swap3A_1701] {strides = array<i32>} : memref<16x128xf32, #tpu.memory_space<vmem>>, vector<1x16xf32>,
      %swap3A_1703 = vector.shape_cast %swap3A_1702 : vector<1x16xf32> to vector<16xf32>
      %swap3A_1704 = vector.shape_cast %mul3A_1698 : vector<16xf32> to vector<1x16xf32>
      tpu.vector_store %arg11[%swap3A_1700, %swap3A_1701], %swap3A_1704 {strides = array<i32>} : memref<16x128xf32, #tpu.memory_space<vmem>>, vector<1x16xf32>,
      %get3A_1705 = arith.constant 8 : i32
      %get3A_1706 = arith.index_cast %get3A_1705 : i32 to index
      %get3A_1707 = arith.constant 64 : index
      %get3A_1708 = tpu.vector_load %arg10[%get3A_1706, %get3A_1707] {strides = array<i32>} : memref<16x128xf32, #tpu.memory_space<vmem>>, vector<1x16xf32>,
      %get3A_1709 = vector.shape_cast %get3A_1708 : vector<1x16xf32> to vector<16xf32>
      %mul3A_1710 = arith.mulf %get3A_1709, %broadcast_in_dim3A_1656 : vector<16xf32>
      %swap3A_1711 = arith.constant 8 : i32
      %swap3A_1712 = arith.index_cast %swap3A_1711 : i32 to index
      %swap3A_1713 = arith.constant 64 : index
      %swap3A_1714 = tpu.vector_load %arg11[%swap3A_1712, %swap3A_1713] {strides = array<i32>} : memref<16x128xf32, #tpu.memory_space<vmem>>, vector<1x16xf32>,
      %swap3A_1715 = vector.shape_cast %swap3A_1714 : vector<1x16xf32> to vector<16xf32>
      %swap3A_1716 = vector.shape_cast %mul3A_1710 : vector<16xf32> to vector<1x16xf32>
      tpu.vector_store %arg11[%swap3A_1712, %swap3A_1713], %swap3A_1716 {strides = array<i32>} : memref<16x128xf32, #tpu.memory_space<vmem>>, vector<1x16xf32>,
      %get3A_1717 = arith.constant 8 : i32
      %get3A_1718 = arith.index_cast %get3A_1717 : i32 to index
      %get3A_1719 = arith.constant 80 : index
      %get3A_1720 = tpu.vector_load %arg10[%get3A_1718, %get3A_1719] {strides = array<i32>} : memref<16x128xf32, #tpu.memory_space<vmem>>, vector<1x16xf32>,
      %get3A_1721 = vector.shape_cast %get3A_1720 : vector<1x16xf32> to vector<16xf32>
      %mul3A_1722 = arith.mulf %get3A_1721, %broadcast_in_dim3A_1656 : vector<16xf32>
      %swap3A_1723 = arith.constant 8 : i32
      %swap3A_1724 = arith.index_cast %swap3A_1723 : i32 to index
      %swap3A_1725 = arith.constant 80 : index
      %swap3A_1726 = tpu.vector_load %arg11[%swap3A_1724, %swap3A_1725] {strides = array<i32>} : memref<16x128xf32, #tpu.memory_space<vmem>>, vector<1x16xf32>,
      %swap3A_1727 = vector.shape_cast %swap3A_1726 : vector<1x16xf32> to vector<16xf32>
      %swap3A_1728 = vector.shape_cast %mul3A_1722 : vector<16xf32> to vector<1x16xf32>
      tpu.vector_store %arg11[%swap3A_1724, %swap3A_1725], %swap3A_1728 {strides = array<i32>} : memref<16x128xf32, #tpu.memory_space<vmem>>, vector<1x16xf32>,
      %get3A_1729 = arith.constant 8 : i32
      %get3A_1730 = arith.index_cast %get3A_1729 : i32 to index
      %get3A_1731 = arith.constant 96 : index
      %get3A_1732 = tpu.vector_load %arg10[%get3A_1730, %get3A_1731] {strides = array<i32>} : memref<16x128xf32, #tpu.memory_space<vmem>>, vector<1x16xf32>,
      %get3A_1733 = vector.shape_cast %get3A_1732 : vector<1x16xf32> to vector<16xf32>
      %mul3A_1734 = arith.mulf %get3A_1733, %broadcast_in_dim3A_1656 : vector<16xf32>
      %swap3A_1735 = arith.constant 8 : i32
      %swap3A_1736 = arith.index_cast %swap3A_1735 : i32 to index
      %swap3A_1737 = arith.constant 96 : index
      %swap3A_1738 = tpu.vector_load %arg11[%swap3A_1736, %swap3A_1737] {strides = array<i32>} : memref<16x128xf32, #tpu.memory_space<vmem>>, vector<1x16xf32>,
      %swap3A_1739 = vector.shape_cast %swap3A_1738 : vector<1x16xf32> to vector<16xf32>
      %swap3A_1740 = vector.shape_cast %mul3A_1734 : vector<16xf32> to vector<1x16xf32>
      tpu.vector_store %arg11[%swap3A_1736, %swap3A_1737], %swap3A_1740 {strides = array<i32>} : memref<16x128xf32, #tpu.memory_space<vmem>>, vector<1x16xf32>,
      %get3A_1741 = arith.constant 8 : i32
      %get3A_1742 = arith.index_cast %get3A_1741 : i32 to index
      %get3A_1743 = arith.constant 112 : index
      %get3A_1744 = tpu.vector_load %arg10[%get3A_1742, %get3A_1743] {strides = array<i32>} : memref<16x128xf32, #tpu.memory_space<vmem>>, vector<1x16xf32>,
      %get3A_1745 = vector.shape_cast %get3A_1744 : vector<1x16xf32> to vector<16xf32>
      %mul3A_1746 = arith.mulf %get3A_1745, %broadcast_in_dim3A_1656 : vector<16xf32>
      %swap3A_1747 = arith.constant 8 : i32
      %swap3A_1748 = arith.index_cast %swap3A_1747 : i32 to index
      %swap3A_1749 = arith.constant 112 : index
      %swap3A_1750 = tpu.vector_load %arg11[%swap3A_1748, %swap3A_1749] {strides = array<i32>} : memref<16x128xf32, #tpu.memory_space<vmem>>, vector<1x16xf32>,
      %swap3A_1751 = vector.shape_cast %swap3A_1750 : vector<1x16xf32> to vector<16xf32>
      %swap3A_1752 = vector.shape_cast %mul3A_1746 : vector<16xf32> to vector<1x16xf32>
      tpu.vector_store %arg11[%swap3A_1748, %swap3A_1749], %swap3A_1752 {strides = array<i32>} : memref<16x128xf32, #tpu.memory_space<vmem>>, vector<1x16xf32>,
      %slice3A_1753 = vector.extract_strided_slice %get3A_859 {offsets = [9], sizes = [1], strides = [1]} : vector<16xf32> to vector<1xf32>
      %squeeze3A_1754 = vector.extract %slice3A_1753[0] : f32 from vector<1xf32>
      %broadcast_in_dim3A_1755 = vector.broadcast %squeeze3A_1754 : f32 to vector<16xf32>
      %get3A_1756 = arith.constant 9 : i32
      %get3A_1757 = arith.index_cast %get3A_1756 : i32 to index
      %get3A_1758 = arith.constant 0 : index
      %get3A_1759 = tpu.vector_load %arg10[%get3A_1757, %get3A_1758] {strides = array<i32>} : memref<16x128xf32, #tpu.memory_space<vmem>>, vector<1x16xf32>,
      %get3A_1760 = vector.shape_cast %get3A_1759 : vector<1x16xf32> to vector<16xf32>
      %mul3A_1761 = arith.mulf %get3A_1760, %broadcast_in_dim3A_1755 : vector<16xf32>
      %swap3A_1762 = arith.constant 9 : i32
      %swap3A_1763 = arith.index_cast %swap3A_1762 : i32 to index
      %swap3A_1764 = arith.constant 0 : index
      %swap3A_1765 = tpu.vector_load %arg11[%swap3A_1763, %swap3A_1764] {strides = array<i32>} : memref<16x128xf32, #tpu.memory_space<vmem>>, vector<1x16xf32>,
      %swap3A_1766 = vector.shape_cast %swap3A_1765 : vector<1x16xf32> to vector<16xf32>
      %swap3A_1767 = vector.shape_cast %mul3A_1761 : vector<16xf32> to vector<1x16xf32>
      tpu.vector_store %arg11[%swap3A_1763, %swap3A_1764], %swap3A_1767 {strides = array<i32>} : memref<16x128xf32, #tpu.memory_space<vmem>>, vector<1x16xf32>,
      %get3A_1768 = arith.constant 9 : i32
      %get3A_1769 = arith.index_cast %get3A_1768 : i32 to index
      %get3A_1770 = arith.constant 16 : index
      %get3A_1771 = tpu.vector_load %arg10[%get3A_1769, %get3A_1770] {strides = array<i32>} : memref<16x128xf32, #tpu.memory_space<vmem>>, vector<1x16xf32>,
      %get3A_1772 = vector.shape_cast %get3A_1771 : vector<1x16xf32> to vector<16xf32>
      %mul3A_1773 = arith.mulf %get3A_1772, %broadcast_in_dim3A_1755 : vector<16xf32>
      %swap3A_1774 = arith.constant 9 : i32
      %swap3A_1775 = arith.index_cast %swap3A_1774 : i32 to index
      %swap3A_1776 = arith.constant 16 : index
      %swap3A_1777 = tpu.vector_load %arg11[%swap3A_1775, %swap3A_1776] {strides = array<i32>} : memref<16x128xf32, #tpu.memory_space<vmem>>, vector<1x16xf32>,
      %swap3A_1778 = vector.shape_cast %swap3A_1777 : vector<1x16xf32> to vector<16xf32>
      %swap3A_1779 = vector.shape_cast %mul3A_1773 : vector<16xf32> to vector<1x16xf32>
      tpu.vector_store %arg11[%swap3A_1775, %swap3A_1776], %swap3A_1779 {strides = array<i32>} : memref<16x128xf32, #tpu.memory_space<vmem>>, vector<1x16xf32>,
      %get3A_1780 = arith.constant 9 : i32
      %get3A_1781 = arith.index_cast %get3A_1780 : i32 to index
      %get3A_1782 = arith.constant 32 : index
      %get3A_1783 = tpu.vector_load %arg10[%get3A_1781, %get3A_1782] {strides = array<i32>} : memref<16x128xf32, #tpu.memory_space<vmem>>, vector<1x16xf32>,
      %get3A_1784 = vector.shape_cast %get3A_1783 : vector<1x16xf32> to vector<16xf32>
      %mul3A_1785 = arith.mulf %get3A_1784, %broadcast_in_dim3A_1755 : vector<16xf32>
      %swap3A_1786 = arith.constant 9 : i32
      %swap3A_1787 = arith.index_cast %swap3A_1786 : i32 to index
      %swap3A_1788 = arith.constant 32 : index
      %swap3A_1789 = tpu.vector_load %arg11[%swap3A_1787, %swap3A_1788] {strides = array<i32>} : memref<16x128xf32, #tpu.memory_space<vmem>>, vector<1x16xf32>,
      %swap3A_1790 = vector.shape_cast %swap3A_1789 : vector<1x16xf32> to vector<16xf32>
      %swap3A_1791 = vector.shape_cast %mul3A_1785 : vector<16xf32> to vector<1x16xf32>
      tpu.vector_store %arg11[%swap3A_1787, %swap3A_1788], %swap3A_1791 {strides = array<i32>} : memref<16x128xf32, #tpu.memory_space<vmem>>, vector<1x16xf32>,
      %get3A_1792 = arith.constant 9 : i32
      %get3A_1793 = arith.index_cast %get3A_1792 : i32 to index
      %get3A_1794 = arith.constant 48 : index
      %get3A_1795 = tpu.vector_load %arg10[%get3A_1793, %get3A_1794] {strides = array<i32>} : memref<16x128xf32, #tpu.memory_space<vmem>>, vector<1x16xf32>,
      %get3A_1796 = vector.shape_cast %get3A_1795 : vector<1x16xf32> to vector<16xf32>
      %mul3A_1797 = arith.mulf %get3A_1796, %broadcast_in_dim3A_1755 : vector<16xf32>
      %swap3A_1798 = arith.constant 9 : i32
      %swap3A_1799 = arith.index_cast %swap3A_1798 : i32 to index
      %swap3A_1800 = arith.constant 48 : index
      %swap3A_1801 = tpu.vector_load %arg11[%swap3A_1799, %swap3A_1800] {strides = array<i32>} : memref<16x128xf32, #tpu.memory_space<vmem>>, vector<1x16xf32>,
      %swap3A_1802 = vector.shape_cast %swap3A_1801 : vector<1x16xf32> to vector<16xf32>
      %swap3A_1803 = vector.shape_cast %mul3A_1797 : vector<16xf32> to vector<1x16xf32>
      tpu.vector_store %arg11[%swap3A_1799, %swap3A_1800], %swap3A_1803 {strides = array<i32>} : memref<16x128xf32, #tpu.memory_space<vmem>>, vector<1x16xf32>,
      %get3A_1804 = arith.constant 9 : i32
      %get3A_1805 = arith.index_cast %get3A_1804 : i32 to index
      %get3A_1806 = arith.constant 64 : index
      %get3A_1807 = tpu.vector_load %arg10[%get3A_1805, %get3A_1806] {strides = array<i32>} : memref<16x128xf32, #tpu.memory_space<vmem>>, vector<1x16xf32>,
      %get3A_1808 = vector.shape_cast %get3A_1807 : vector<1x16xf32> to vector<16xf32>
      %mul3A_1809 = arith.mulf %get3A_1808, %broadcast_in_dim3A_1755 : vector<16xf32>
      %swap3A_1810 = arith.constant 9 : i32
      %swap3A_1811 = arith.index_cast %swap3A_1810 : i32 to index
      %swap3A_1812 = arith.constant 64 : index
      %swap3A_1813 = tpu.vector_load %arg11[%swap3A_1811, %swap3A_1812] {strides = array<i32>} : memref<16x128xf32, #tpu.memory_space<vmem>>, vector<1x16xf32>,
      %swap3A_1814 = vector.shape_cast %swap3A_1813 : vector<1x16xf32> to vector<16xf32>
      %swap3A_1815 = vector.shape_cast %mul3A_1809 : vector<16xf32> to vector<1x16xf32>
      tpu.vector_store %arg11[%swap3A_1811, %swap3A_1812], %swap3A_1815 {strides = array<i32>} : memref<16x128xf32, #tpu.memory_space<vmem>>, vector<1x16xf32>,
      %get3A_1816 = arith.constant 9 : i32
      %get3A_1817 = arith.index_cast %get3A_1816 : i32 to index
      %get3A_1818 = arith.constant 80 : index
      %get3A_1819 = tpu.vector_load %arg10[%get3A_1817, %get3A_1818] {strides = array<i32>} : memref<16x128xf32, #tpu.memory_space<vmem>>, vector<1x16xf32>,
      %get3A_1820 = vector.shape_cast %get3A_1819 : vector<1x16xf32> to vector<16xf32>
      %mul3A_1821 = arith.mulf %get3A_1820, %broadcast_in_dim3A_1755 : vector<16xf32>
      %swap3A_1822 = arith.constant 9 : i32
      %swap3A_1823 = arith.index_cast %swap3A_1822 : i32 to index
      %swap3A_1824 = arith.constant 80 : index
      %swap3A_1825 = tpu.vector_load %arg11[%swap3A_1823, %swap3A_1824] {strides = array<i32>} : memref<16x128xf32, #tpu.memory_space<vmem>>, vector<1x16xf32>,
      %swap3A_1826 = vector.shape_cast %swap3A_1825 : vector<1x16xf32> to vector<16xf32>
      %swap3A_1827 = vector.shape_cast %mul3A_1821 : vector<16xf32> to vector<1x16xf32>
      tpu.vector_store %arg11[%swap3A_1823, %swap3A_1824], %swap3A_1827 {strides = array<i32>} : memref<16x128xf32, #tpu.memory_space<vmem>>, vector<1x16xf32>,
      %get3A_1828 = arith.constant 9 : i32
      %get3A_1829 = arith.index_cast %get3A_1828 : i32 to index
      %get3A_1830 = arith.constant 96 : index
      %get3A_1831 = tpu.vector_load %arg10[%get3A_1829, %get3A_1830] {strides = array<i32>} : memref<16x128xf32, #tpu.memory_space<vmem>>, vector<1x16xf32>,
      %get3A_1832 = vector.shape_cast %get3A_1831 : vector<1x16xf32> to vector<16xf32>
      %mul3A_1833 = arith.mulf %get3A_1832, %broadcast_in_dim3A_1755 : vector<16xf32>
      %swap3A_1834 = arith.constant 9 : i32
      %swap3A_1835 = arith.index_cast %swap3A_1834 : i32 to index
      %swap3A_1836 = arith.constant 96 : index
      %swap3A_1837 = tpu.vector_load %arg11[%swap3A_1835, %swap3A_1836] {strides = array<i32>} : memref<16x128xf32, #tpu.memory_space<vmem>>, vector<1x16xf32>,
      %swap3A_1838 = vector.shape_cast %swap3A_1837 : vector<1x16xf32> to vector<16xf32>
      %swap3A_1839 = vector.shape_cast %mul3A_1833 : vector<16xf32> to vector<1x16xf32>
      tpu.vector_store %arg11[%swap3A_1835, %swap3A_1836], %swap3A_1839 {strides = array<i32>} : memref<16x128xf32, #tpu.memory_space<vmem>>, vector<1x16xf32>,
      %get3A_1840 = arith.constant 9 : i32
      %get3A_1841 = arith.index_cast %get3A_1840 : i32 to index
      %get3A_1842 = arith.constant 112 : index
      %get3A_1843 = tpu.vector_load %arg10[%get3A_1841, %get3A_1842] {strides = array<i32>} : memref<16x128xf32, #tpu.memory_space<vmem>>, vector<1x16xf32>,
      %get3A_1844 = vector.shape_cast %get3A_1843 : vector<1x16xf32> to vector<16xf32>
      %mul3A_1845 = arith.mulf %get3A_1844, %broadcast_in_dim3A_1755 : vector<16xf32>
      %swap3A_1846 = arith.constant 9 : i32
      %swap3A_1847 = arith.index_cast %swap3A_1846 : i32 to index
      %swap3A_1848 = arith.constant 112 : index
      %swap3A_1849 = tpu.vector_load %arg11[%swap3A_1847, %swap3A_1848] {strides = array<i32>} : memref<16x128xf32, #tpu.memory_space<vmem>>, vector<1x16xf32>,
      %swap3A_1850 = vector.shape_cast %swap3A_1849 : vector<1x16xf32> to vector<16xf32>
      %swap3A_1851 = vector.shape_cast %mul3A_1845 : vector<16xf32> to vector<1x16xf32>
      tpu.vector_store %arg11[%swap3A_1847, %swap3A_1848], %swap3A_1851 {strides = array<i32>} : memref<16x128xf32, #tpu.memory_space<vmem>>, vector<1x16xf32>,
      %slice3A_1852 = vector.extract_strided_slice %get3A_859 {offsets = [10], sizes = [1], strides = [1]} : vector<16xf32> to vector<1xf32>
      %squeeze3A_1853 = vector.extract %slice3A_1852[0] : f32 from vector<1xf32>
      %broadcast_in_dim3A_1854 = vector.broadcast %squeeze3A_1853 : f32 to vector<16xf32>
      %get3A_1855 = arith.constant 10 : i32
      %get3A_1856 = arith.index_cast %get3A_1855 : i32 to index
      %get3A_1857 = arith.constant 0 : index
      %get3A_1858 = tpu.vector_load %arg10[%get3A_1856, %get3A_1857] {strides = array<i32>} : memref<16x128xf32, #tpu.memory_space<vmem>>, vector<1x16xf32>,
      %get3A_1859 = vector.shape_cast %get3A_1858 : vector<1x16xf32> to vector<16xf32>
      %mul3A_1860 = arith.mulf %get3A_1859, %broadcast_in_dim3A_1854 : vector<16xf32>
      %swap3A_1861 = arith.constant 10 : i32
      %swap3A_1862 = arith.index_cast %swap3A_1861 : i32 to index
      %swap3A_1863 = arith.constant 0 : index
      %swap3A_1864 = tpu.vector_load %arg11[%swap3A_1862, %swap3A_1863] {strides = array<i32>} : memref<16x128xf32, #tpu.memory_space<vmem>>, vector<1x16xf32>,
      %swap3A_1865 = vector.shape_cast %swap3A_1864 : vector<1x16xf32> to vector<16xf32>
      %swap3A_1866 = vector.shape_cast %mul3A_1860 : vector<16xf32> to vector<1x16xf32>
      tpu.vector_store %arg11[%swap3A_1862, %swap3A_1863], %swap3A_1866 {strides = array<i32>} : memref<16x128xf32, #tpu.memory_space<vmem>>, vector<1x16xf32>,
      %get3A_1867 = arith.constant 10 : i32
      %get3A_1868 = arith.index_cast %get3A_1867 : i32 to index
      %get3A_1869 = arith.constant 16 : index
      %get3A_1870 = tpu.vector_load %arg10[%get3A_1868, %get3A_1869] {strides = array<i32>} : memref<16x128xf32, #tpu.memory_space<vmem>>, vector<1x16xf32>,
      %get3A_1871 = vector.shape_cast %get3A_1870 : vector<1x16xf32> to vector<16xf32>
      %mul3A_1872 = arith.mulf %get3A_1871, %broadcast_in_dim3A_1854 : vector<16xf32>
      %swap3A_1873 = arith.constant 10 : i32
      %swap3A_1874 = arith.index_cast %swap3A_1873 : i32 to index
      %swap3A_1875 = arith.constant 16 : index
      %swap3A_1876 = tpu.vector_load %arg11[%swap3A_1874, %swap3A_1875] {strides = array<i32>} : memref<16x128xf32, #tpu.memory_space<vmem>>, vector<1x16xf32>,
      %swap3A_1877 = vector.shape_cast %swap3A_1876 : vector<1x16xf32> to vector<16xf32>
      %swap3A_1878 = vector.shape_cast %mul3A_1872 : vector<16xf32> to vector<1x16xf32>
      tpu.vector_store %arg11[%swap3A_1874, %swap3A_1875], %swap3A_1878 {strides = array<i32>} : memref<16x128xf32, #tpu.memory_space<vmem>>, vector<1x16xf32>,
      %get3A_1879 = arith.constant 10 : i32
      %get3A_1880 = arith.index_cast %get3A_1879 : i32 to index
      %get3A_1881 = arith.constant 32 : index
      %get3A_1882 = tpu.vector_load %arg10[%get3A_1880, %get3A_1881] {strides = array<i32>} : memref<16x128xf32, #tpu.memory_space<vmem>>, vector<1x16xf32>,
      %get3A_1883 = vector.shape_cast %get3A_1882 : vector<1x16xf32> to vector<16xf32>
      %mul3A_1884 = arith.mulf %get3A_1883, %broadcast_in_dim3A_1854 : vector<16xf32>
      %swap3A_1885 = arith.constant 10 : i32
      %swap3A_1886 = arith.index_cast %swap3A_1885 : i32 to index
      %swap3A_1887 = arith.constant 32 : index
      %swap3A_1888 = tpu.vector_load %arg11[%swap3A_1886, %swap3A_1887] {strides = array<i32>} : memref<16x128xf32, #tpu.memory_space<vmem>>, vector<1x16xf32>,
      %swap3A_1889 = vector.shape_cast %swap3A_1888 : vector<1x16xf32> to vector<16xf32>
      %swap3A_1890 = vector.shape_cast %mul3A_1884 : vector<16xf32> to vector<1x16xf32>
      tpu.vector_store %arg11[%swap3A_1886, %swap3A_1887], %swap3A_1890 {strides = array<i32>} : memref<16x128xf32, #tpu.memory_space<vmem>>, vector<1x16xf32>,
      %get3A_1891 = arith.constant 10 : i32
      %get3A_1892 = arith.index_cast %get3A_1891 : i32 to index
      %get3A_1893 = arith.constant 48 : index
      %get3A_1894 = tpu.vector_load %arg10[%get3A_1892, %get3A_1893] {strides = array<i32>} : memref<16x128xf32, #tpu.memory_space<vmem>>, vector<1x16xf32>,
      %get3A_1895 = vector.shape_cast %get3A_1894 : vector<1x16xf32> to vector<16xf32>
      %mul3A_1896 = arith.mulf %get3A_1895, %broadcast_in_dim3A_1854 : vector<16xf32>
      %swap3A_1897 = arith.constant 10 : i32
      %swap3A_1898 = arith.index_cast %swap3A_1897 : i32 to index
      %swap3A_1899 = arith.constant 48 : index
      %swap3A_1900 = tpu.vector_load %arg11[%swap3A_1898, %swap3A_1899] {strides = array<i32>} : memref<16x128xf32, #tpu.memory_space<vmem>>, vector<1x16xf32>,
      %swap3A_1901 = vector.shape_cast %swap3A_1900 : vector<1x16xf32> to vector<16xf32>
      %swap3A_1902 = vector.shape_cast %mul3A_1896 : vector<16xf32> to vector<1x16xf32>
      tpu.vector_store %arg11[%swap3A_1898, %swap3A_1899], %swap3A_1902 {strides = array<i32>} : memref<16x128xf32, #tpu.memory_space<vmem>>, vector<1x16xf32>,
      %get3A_1903 = arith.constant 10 : i32
      %get3A_1904 = arith.index_cast %get3A_1903 : i32 to index
      %get3A_1905 = arith.constant 64 : index
      %get3A_1906 = tpu.vector_load %arg10[%get3A_1904, %get3A_1905] {strides = array<i32>} : memref<16x128xf32, #tpu.memory_space<vmem>>, vector<1x16xf32>,
      %get3A_1907 = vector.shape_cast %get3A_1906 : vector<1x16xf32> to vector<16xf32>
      %mul3A_1908 = arith.mulf %get3A_1907, %broadcast_in_dim3A_1854 : vector<16xf32>
      %swap3A_1909 = arith.constant 10 : i32
      %swap3A_1910 = arith.index_cast %swap3A_1909 : i32 to index
      %swap3A_1911 = arith.constant 64 : index
      %swap3A_1912 = tpu.vector_load %arg11[%swap3A_1910, %swap3A_1911] {strides = array<i32>} : memref<16x128xf32, #tpu.memory_space<vmem>>, vector<1x16xf32>,
      %swap3A_1913 = vector.shape_cast %swap3A_1912 : vector<1x16xf32> to vector<16xf32>
      %swap3A_1914 = vector.shape_cast %mul3A_1908 : vector<16xf32> to vector<1x16xf32>
      tpu.vector_store %arg11[%swap3A_1910, %swap3A_1911], %swap3A_1914 {strides = array<i32>} : memref<16x128xf32, #tpu.memory_space<vmem>>, vector<1x16xf32>,
      %get3A_1915 = arith.constant 10 : i32
      %get3A_1916 = arith.index_cast %get3A_1915 : i32 to index
      %get3A_1917 = arith.constant 80 : index
      %get3A_1918 = tpu.vector_load %arg10[%get3A_1916, %get3A_1917] {strides = array<i32>} : memref<16x128xf32, #tpu.memory_space<vmem>>, vector<1x16xf32>,
      %get3A_1919 = vector.shape_cast %get3A_1918 : vector<1x16xf32> to vector<16xf32>
      %mul3A_1920 = arith.mulf %get3A_1919, %broadcast_in_dim3A_1854 : vector<16xf32>
      %swap3A_1921 = arith.constant 10 : i32
      %swap3A_1922 = arith.index_cast %swap3A_1921 : i32 to index
      %swap3A_1923 = arith.constant 80 : index
      %swap3A_1924 = tpu.vector_load %arg11[%swap3A_1922, %swap3A_1923] {strides = array<i32>} : memref<16x128xf32, #tpu.memory_space<vmem>>, vector<1x16xf32>,
      %swap3A_1925 = vector.shape_cast %swap3A_1924 : vector<1x16xf32> to vector<16xf32>
      %swap3A_1926 = vector.shape_cast %mul3A_1920 : vector<16xf32> to vector<1x16xf32>
      tpu.vector_store %arg11[%swap3A_1922, %swap3A_1923], %swap3A_1926 {strides = array<i32>} : memref<16x128xf32, #tpu.memory_space<vmem>>, vector<1x16xf32>,
      %get3A_1927 = arith.constant 10 : i32
      %get3A_1928 = arith.index_cast %get3A_1927 : i32 to index
      %get3A_1929 = arith.constant 96 : index
      %get3A_1930 = tpu.vector_load %arg10[%get3A_1928, %get3A_1929] {strides = array<i32>} : memref<16x128xf32, #tpu.memory_space<vmem>>, vector<1x16xf32>,
      %get3A_1931 = vector.shape_cast %get3A_1930 : vector<1x16xf32> to vector<16xf32>
      %mul3A_1932 = arith.mulf %get3A_1931, %broadcast_in_dim3A_1854 : vector<16xf32>
      %swap3A_1933 = arith.constant 10 : i32
      %swap3A_1934 = arith.index_cast %swap3A_1933 : i32 to index
      %swap3A_1935 = arith.constant 96 : index
      %swap3A_1936 = tpu.vector_load %arg11[%swap3A_1934, %swap3A_1935] {strides = array<i32>} : memref<16x128xf32, #tpu.memory_space<vmem>>, vector<1x16xf32>,
      %swap3A_1937 = vector.shape_cast %swap3A_1936 : vector<1x16xf32> to vector<16xf32>
      %swap3A_1938 = vector.shape_cast %mul3A_1932 : vector<16xf32> to vector<1x16xf32>
      tpu.vector_store %arg11[%swap3A_1934, %swap3A_1935], %swap3A_1938 {strides = array<i32>} : memref<16x128xf32, #tpu.memory_space<vmem>>, vector<1x16xf32>,
      %get3A_1939 = arith.constant 10 : i32
      %get3A_1940 = arith.index_cast %get3A_1939 : i32 to index
      %get3A_1941 = arith.constant 112 : index
      %get3A_1942 = tpu.vector_load %arg10[%get3A_1940, %get3A_1941] {strides = array<i32>} : memref<16x128xf32, #tpu.memory_space<vmem>>, vector<1x16xf32>,
      %get3A_1943 = vector.shape_cast %get3A_1942 : vector<1x16xf32> to vector<16xf32>
      %mul3A_1944 = arith.mulf %get3A_1943, %broadcast_in_dim3A_1854 : vector<16xf32>
      %swap3A_1945 = arith.constant 10 : i32
      %swap3A_1946 = arith.index_cast %swap3A_1945 : i32 to index
      %swap3A_1947 = arith.constant 112 : index
      %swap3A_1948 = tpu.vector_load %arg11[%swap3A_1946, %swap3A_1947] {strides = array<i32>} : memref<16x128xf32, #tpu.memory_space<vmem>>, vector<1x16xf32>,
      %swap3A_1949 = vector.shape_cast %swap3A_1948 : vector<1x16xf32> to vector<16xf32>
      %swap3A_1950 = vector.shape_cast %mul3A_1944 : vector<16xf32> to vector<1x16xf32>
      tpu.vector_store %arg11[%swap3A_1946, %swap3A_1947], %swap3A_1950 {strides = array<i32>} : memref<16x128xf32, #tpu.memory_space<vmem>>, vector<1x16xf32>,
      %slice3A_1951 = vector.extract_strided_slice %get3A_859 {offsets = [11], sizes = [1], strides = [1]} : vector<16xf32> to vector<1xf32>
      %squeeze3A_1952 = vector.extract %slice3A_1951[0] : f32 from vector<1xf32>
      %broadcast_in_dim3A_1953 = vector.broadcast %squeeze3A_1952 : f32 to vector<16xf32>
      %get3A_1954 = arith.constant 11 : i32
      %get3A_1955 = arith.index_cast %get3A_1954 : i32 to index
      %get3A_1956 = arith.constant 0 : index
      %get3A_1957 = tpu.vector_load %arg10[%get3A_1955, %get3A_1956] {strides = array<i32>} : memref<16x128xf32, #tpu.memory_space<vmem>>, vector<1x16xf32>,
      %get3A_1958 = vector.shape_cast %get3A_1957 : vector<1x16xf32> to vector<16xf32>
      %mul3A_1959 = arith.mulf %get3A_1958, %broadcast_in_dim3A_1953 : vector<16xf32>
      %swap3A_1960 = arith.constant 11 : i32
      %swap3A_1961 = arith.index_cast %swap3A_1960 : i32 to index
      %swap3A_1962 = arith.constant 0 : index
      %swap3A_1963 = tpu.vector_load %arg11[%swap3A_1961, %swap3A_1962] {strides = array<i32>} : memref<16x128xf32, #tpu.memory_space<vmem>>, vector<1x16xf32>,
      %swap3A_1964 = vector.shape_cast %swap3A_1963 : vector<1x16xf32> to vector<16xf32>
      %swap3A_1965 = vector.shape_cast %mul3A_1959 : vector<16xf32> to vector<1x16xf32>
      tpu.vector_store %arg11[%swap3A_1961, %swap3A_1962], %swap3A_1965 {strides = array<i32>} : memref<16x128xf32, #tpu.memory_space<vmem>>, vector<1x16xf32>,
      %get3A_1966 = arith.constant 11 : i32
      %get3A_1967 = arith.index_cast %get3A_1966 : i32 to index
      %get3A_1968 = arith.constant 16 : index
      %get3A_1969 = tpu.vector_load %arg10[%get3A_1967, %get3A_1968] {strides = array<i32>} : memref<16x128xf32, #tpu.memory_space<vmem>>, vector<1x16xf32>,
      %get3A_1970 = vector.shape_cast %get3A_1969 : vector<1x16xf32> to vector<16xf32>
      %mul3A_1971 = arith.mulf %get3A_1970, %broadcast_in_dim3A_1953 : vector<16xf32>
      %swap3A_1972 = arith.constant 11 : i32
      %swap3A_1973 = arith.index_cast %swap3A_1972 : i32 to index
      %swap3A_1974 = arith.constant 16 : index
      %swap3A_1975 = tpu.vector_load %arg11[%swap3A_1973, %swap3A_1974] {strides = array<i32>} : memref<16x128xf32, #tpu.memory_space<vmem>>, vector<1x16xf32>,
      %swap3A_1976 = vector.shape_cast %swap3A_1975 : vector<1x16xf32> to vector<16xf32>
      %swap3A_1977 = vector.shape_cast %mul3A_1971 : vector<16xf32> to vector<1x16xf32>
      tpu.vector_store %arg11[%swap3A_1973, %swap3A_1974], %swap3A_1977 {strides = array<i32>} : memref<16x128xf32, #tpu.memory_space<vmem>>, vector<1x16xf32>,
      %get3A_1978 = arith.constant 11 : i32
      %get3A_1979 = arith.index_cast %get3A_1978 : i32 to index
      %get3A_1980 = arith.constant 32 : index
      %get3A_1981 = tpu.vector_load %arg10[%get3A_1979, %get3A_1980] {strides = array<i32>} : memref<16x128xf32, #tpu.memory_space<vmem>>, vector<1x16xf32>,
      %get3A_1982 = vector.shape_cast %get3A_1981 : vector<1x16xf32> to vector<16xf32>
      %mul3A_1983 = arith.mulf %get3A_1982, %broadcast_in_dim3A_1953 : vector<16xf32>
      %swap3A_1984 = arith.constant 11 : i32
      %swap3A_1985 = arith.index_cast %swap3A_1984 : i32 to index
      %swap3A_1986 = arith.constant 32 : index
      %swap3A_1987 = tpu.vector_load %arg11[%swap3A_1985, %swap3A_1986] {strides = array<i32>} : memref<16x128xf32, #tpu.memory_space<vmem>>, vector<1x16xf32>,
      %swap3A_1988 = vector.shape_cast %swap3A_1987 : vector<1x16xf32> to vector<16xf32>
      %swap3A_1989 = vector.shape_cast %mul3A_1983 : vector<16xf32> to vector<1x16xf32>
      tpu.vector_store %arg11[%swap3A_1985, %swap3A_1986], %swap3A_1989 {strides = array<i32>} : memref<16x128xf32, #tpu.memory_space<vmem>>, vector<1x16xf32>,
      %get3A_1990 = arith.constant 11 : i32
      %get3A_1991 = arith.index_cast %get3A_1990 : i32 to index
      %get3A_1992 = arith.constant 48 : index
      %get3A_1993 = tpu.vector_load %arg10[%get3A_1991, %get3A_1992] {strides = array<i32>} : memref<16x128xf32, #tpu.memory_space<vmem>>, vector<1x16xf32>,
      %get3A_1994 = vector.shape_cast %get3A_1993 : vector<1x16xf32> to vector<16xf32>
      %mul3A_1995 = arith.mulf %get3A_1994, %broadcast_in_dim3A_1953 : vector<16xf32>
      %swap3A_1996 = arith.constant 11 : i32
      %swap3A_1997 = arith.index_cast %swap3A_1996 : i32 to index
      %swap3A_1998 = arith.constant 48 : index
      %swap3A_1999 = tpu.vector_load %arg11[%swap3A_1997, %swap3A_1998] {strides = array<i32>} : memref<16x128xf32, #tpu.memory_space<vmem>>, vector<1x16xf32>,
      %swap3A_2000 = vector.shape_cast %swap3A_1999 : vector<1x16xf32> to vector<16xf32>
      %swap3A_2001 = vector.shape_cast %mul3A_1995 : vector<16xf32> to vector<1x16xf32>
      tpu.vector_store %arg11[%swap3A_1997, %swap3A_1998], %swap3A_2001 {strides = array<i32>} : memref<16x128xf32, #tpu.memory_space<vmem>>, vector<1x16xf32>,
      %get3A_2002 = arith.constant 11 : i32
      %get3A_2003 = arith.index_cast %get3A_2002 : i32 to index
      %get3A_2004 = arith.constant 64 : index
      %get3A_2005 = tpu.vector_load %arg10[%get3A_2003, %get3A_2004] {strides = array<i32>} : memref<16x128xf32, #tpu.memory_space<vmem>>, vector<1x16xf32>,
      %get3A_2006 = vector.shape_cast %get3A_2005 : vector<1x16xf32> to vector<16xf32>
      %mul3A_2007 = arith.mulf %get3A_2006, %broadcast_in_dim3A_1953 : vector<16xf32>
      %swap3A_2008 = arith.constant 11 : i32
      %swap3A_2009 = arith.index_cast %swap3A_2008 : i32 to index
      %swap3A_2010 = arith.constant 64 : index
      %swap3A_2011 = tpu.vector_load %arg11[%swap3A_2009, %swap3A_2010] {strides = array<i32>} : memref<16x128xf32, #tpu.memory_space<vmem>>, vector<1x16xf32>,
      %swap3A_2012 = vector.shape_cast %swap3A_2011 : vector<1x16xf32> to vector<16xf32>
      %swap3A_2013 = vector.shape_cast %mul3A_2007 : vector<16xf32> to vector<1x16xf32>
      tpu.vector_store %arg11[%swap3A_2009, %swap3A_2010], %swap3A_2013 {strides = array<i32>} : memref<16x128xf32, #tpu.memory_space<vmem>>, vector<1x16xf32>,
      %get3A_2014 = arith.constant 11 : i32
      %get3A_2015 = arith.index_cast %get3A_2014 : i32 to index
      %get3A_2016 = arith.constant 80 : index
      %get3A_2017 = tpu.vector_load %arg10[%get3A_2015, %get3A_2016] {strides = array<i32>} : memref<16x128xf32, #tpu.memory_space<vmem>>, vector<1x16xf32>,
      %get3A_2018 = vector.shape_cast %get3A_2017 : vector<1x16xf32> to vector<16xf32>
      %mul3A_2019 = arith.mulf %get3A_2018, %broadcast_in_dim3A_1953 : vector<16xf32>
      %swap3A_2020 = arith.constant 11 : i32
      %swap3A_2021 = arith.index_cast %swap3A_2020 : i32 to index
      %swap3A_2022 = arith.constant 80 : index
      %swap3A_2023 = tpu.vector_load %arg11[%swap3A_2021, %swap3A_2022] {strides = array<i32>} : memref<16x128xf32, #tpu.memory_space<vmem>>, vector<1x16xf32>,
      %swap3A_2024 = vector.shape_cast %swap3A_2023 : vector<1x16xf32> to vector<16xf32>
      %swap3A_2025 = vector.shape_cast %mul3A_2019 : vector<16xf32> to vector<1x16xf32>
      tpu.vector_store %arg11[%swap3A_2021, %swap3A_2022], %swap3A_2025 {strides = array<i32>} : memref<16x128xf32, #tpu.memory_space<vmem>>, vector<1x16xf32>,
      %get3A_2026 = arith.constant 11 : i32
      %get3A_2027 = arith.index_cast %get3A_2026 : i32 to index
      %get3A_2028 = arith.constant 96 : index
      %get3A_2029 = tpu.vector_load %arg10[%get3A_2027, %get3A_2028] {strides = array<i32>} : memref<16x128xf32, #tpu.memory_space<vmem>>, vector<1x16xf32>,
      %get3A_2030 = vector.shape_cast %get3A_2029 : vector<1x16xf32> to vector<16xf32>
      %mul3A_2031 = arith.mulf %get3A_2030, %broadcast_in_dim3A_1953 : vector<16xf32>
      %swap3A_2032 = arith.constant 11 : i32
      %swap3A_2033 = arith.index_cast %swap3A_2032 : i32 to index
      %swap3A_2034 = arith.constant 96 : index
      %swap3A_2035 = tpu.vector_load %arg11[%swap3A_2033, %swap3A_2034] {strides = array<i32>} : memref<16x128xf32, #tpu.memory_space<vmem>>, vector<1x16xf32>,
      %swap3A_2036 = vector.shape_cast %swap3A_2035 : vector<1x16xf32> to vector<16xf32>
      %swap3A_2037 = vector.shape_cast %mul3A_2031 : vector<16xf32> to vector<1x16xf32>
      tpu.vector_store %arg11[%swap3A_2033, %swap3A_2034], %swap3A_2037 {strides = array<i32>} : memref<16x128xf32, #tpu.memory_space<vmem>>, vector<1x16xf32>,
      %get3A_2038 = arith.constant 11 : i32
      %get3A_2039 = arith.index_cast %get3A_2038 : i32 to index
      %get3A_2040 = arith.constant 112 : index
      %get3A_2041 = tpu.vector_load %arg10[%get3A_2039, %get3A_2040] {strides = array<i32>} : memref<16x128xf32, #tpu.memory_space<vmem>>, vector<1x16xf32>,
      %get3A_2042 = vector.shape_cast %get3A_2041 : vector<1x16xf32> to vector<16xf32>
      %mul3A_2043 = arith.mulf %get3A_2042, %broadcast_in_dim3A_1953 : vector<16xf32>
      %swap3A_2044 = arith.constant 11 : i32
      %swap3A_2045 = arith.index_cast %swap3A_2044 : i32 to index
      %swap3A_2046 = arith.constant 112 : index
      %swap3A_2047 = tpu.vector_load %arg11[%swap3A_2045, %swap3A_2046] {strides = array<i32>} : memref<16x128xf32, #tpu.memory_space<vmem>>, vector<1x16xf32>,
      %swap3A_2048 = vector.shape_cast %swap3A_2047 : vector<1x16xf32> to vector<16xf32>
      %swap3A_2049 = vector.shape_cast %mul3A_2043 : vector<16xf32> to vector<1x16xf32>
      tpu.vector_store %arg11[%swap3A_2045, %swap3A_2046], %swap3A_2049 {strides = array<i32>} : memref<16x128xf32, #tpu.memory_space<vmem>>, vector<1x16xf32>,
      %slice3A_2050 = vector.extract_strided_slice %get3A_859 {offsets = [12], sizes = [1], strides = [1]} : vector<16xf32> to vector<1xf32>
      %squeeze3A_2051 = vector.extract %slice3A_2050[0] : f32 from vector<1xf32>
      %broadcast_in_dim3A_2052 = vector.broadcast %squeeze3A_2051 : f32 to vector<16xf32>
      %get3A_2053 = arith.constant 12 : i32
      %get3A_2054 = arith.index_cast %get3A_2053 : i32 to index
      %get3A_2055 = arith.constant 0 : index
      %get3A_2056 = tpu.vector_load %arg10[%get3A_2054, %get3A_2055] {strides = array<i32>} : memref<16x128xf32, #tpu.memory_space<vmem>>, vector<1x16xf32>,
      %get3A_2057 = vector.shape_cast %get3A_2056 : vector<1x16xf32> to vector<16xf32>
      %mul3A_2058 = arith.mulf %get3A_2057, %broadcast_in_dim3A_2052 : vector<16xf32>
      %swap3A_2059 = arith.constant 12 : i32
      %swap3A_2060 = arith.index_cast %swap3A_2059 : i32 to index
      %swap3A_2061 = arith.constant 0 : index
      %swap3A_2062 = tpu.vector_load %arg11[%swap3A_2060, %swap3A_2061] {strides = array<i32>} : memref<16x128xf32, #tpu.memory_space<vmem>>, vector<1x16xf32>,
      %swap3A_2063 = vector.shape_cast %swap3A_2062 : vector<1x16xf32> to vector<16xf32>
      %swap3A_2064 = vector.shape_cast %mul3A_2058 : vector<16xf32> to vector<1x16xf32>
      tpu.vector_store %arg11[%swap3A_2060, %swap3A_2061], %swap3A_2064 {strides = array<i32>} : memref<16x128xf32, #tpu.memory_space<vmem>>, vector<1x16xf32>,
      %get3A_2065 = arith.constant 12 : i32
      %get3A_2066 = arith.index_cast %get3A_2065 : i32 to index
      %get3A_2067 = arith.constant 16 : index
      %get3A_2068 = tpu.vector_load %arg10[%get3A_2066, %get3A_2067] {strides = array<i32>} : memref<16x128xf32, #tpu.memory_space<vmem>>, vector<1x16xf32>,
      %get3A_2069 = vector.shape_cast %get3A_2068 : vector<1x16xf32> to vector<16xf32>
      %mul3A_2070 = arith.mulf %get3A_2069, %broadcast_in_dim3A_2052 : vector<16xf32>
      %swap3A_2071 = arith.constant 12 : i32
      %swap3A_2072 = arith.index_cast %swap3A_2071 : i32 to index
      %swap3A_2073 = arith.constant 16 : index
      %swap3A_2074 = tpu.vector_load %arg11[%swap3A_2072, %swap3A_2073] {strides = array<i32>} : memref<16x128xf32, #tpu.memory_space<vmem>>, vector<1x16xf32>,
      %swap3A_2075 = vector.shape_cast %swap3A_2074 : vector<1x16xf32> to vector<16xf32>
      %swap3A_2076 = vector.shape_cast %mul3A_2070 : vector<16xf32> to vector<1x16xf32>
      tpu.vector_store %arg11[%swap3A_2072, %swap3A_2073], %swap3A_2076 {strides = array<i32>} : memref<16x128xf32, #tpu.memory_space<vmem>>, vector<1x16xf32>,
      %get3A_2077 = arith.constant 12 : i32
      %get3A_2078 = arith.index_cast %get3A_2077 : i32 to index
      %get3A_2079 = arith.constant 32 : index
      %get3A_2080 = tpu.vector_load %arg10[%get3A_2078, %get3A_2079] {strides = array<i32>} : memref<16x128xf32, #tpu.memory_space<vmem>>, vector<1x16xf32>,
      %get3A_2081 = vector.shape_cast %get3A_2080 : vector<1x16xf32> to vector<16xf32>
      %mul3A_2082 = arith.mulf %get3A_2081, %broadcast_in_dim3A_2052 : vector<16xf32>
      %swap3A_2083 = arith.constant 12 : i32
      %swap3A_2084 = arith.index_cast %swap3A_2083 : i32 to index
      %swap3A_2085 = arith.constant 32 : index
      %swap3A_2086 = tpu.vector_load %arg11[%swap3A_2084, %swap3A_2085] {strides = array<i32>} : memref<16x128xf32, #tpu.memory_space<vmem>>, vector<1x16xf32>,
      %swap3A_2087 = vector.shape_cast %swap3A_2086 : vector<1x16xf32> to vector<16xf32>
      %swap3A_2088 = vector.shape_cast %mul3A_2082 : vector<16xf32> to vector<1x16xf32>
      tpu.vector_store %arg11[%swap3A_2084, %swap3A_2085], %swap3A_2088 {strides = array<i32>} : memref<16x128xf32, #tpu.memory_space<vmem>>, vector<1x16xf32>,
      %get3A_2089 = arith.constant 12 : i32
      %get3A_2090 = arith.index_cast %get3A_2089 : i32 to index
      %get3A_2091 = arith.constant 48 : index
      %get3A_2092 = tpu.vector_load %arg10[%get3A_2090, %get3A_2091] {strides = array<i32>} : memref<16x128xf32, #tpu.memory_space<vmem>>, vector<1x16xf32>,
      %get3A_2093 = vector.shape_cast %get3A_2092 : vector<1x16xf32> to vector<16xf32>
      %mul3A_2094 = arith.mulf %get3A_2093, %broadcast_in_dim3A_2052 : vector<16xf32>
      %swap3A_2095 = arith.constant 12 : i32
      %swap3A_2096 = arith.index_cast %swap3A_2095 : i32 to index
      %swap3A_2097 = arith.constant 48 : index
      %swap3A_2098 = tpu.vector_load %arg11[%swap3A_2096, %swap3A_2097] {strides = array<i32>} : memref<16x128xf32, #tpu.memory_space<vmem>>, vector<1x16xf32>,
      %swap3A_2099 = vector.shape_cast %swap3A_2098 : vector<1x16xf32> to vector<16xf32>
      %swap3A_2100 = vector.shape_cast %mul3A_2094 : vector<16xf32> to vector<1x16xf32>
      tpu.vector_store %arg11[%swap3A_2096, %swap3A_2097], %swap3A_2100 {strides = array<i32>} : memref<16x128xf32, #tpu.memory_space<vmem>>, vector<1x16xf32>,
      %get3A_2101 = arith.constant 12 : i32
      %get3A_2102 = arith.index_cast %get3A_2101 : i32 to index
      %get3A_2103 = arith.constant 64 : index
      %get3A_2104 = tpu.vector_load %arg10[%get3A_2102, %get3A_2103] {strides = array<i32>} : memref<16x128xf32, #tpu.memory_space<vmem>>, vector<1x16xf32>,
      %get3A_2105 = vector.shape_cast %get3A_2104 : vector<1x16xf32> to vector<16xf32>
      %mul3A_2106 = arith.mulf %get3A_2105, %broadcast_in_dim3A_2052 : vector<16xf32>
      %swap3A_2107 = arith.constant 12 : i32
      %swap3A_2108 = arith.index_cast %swap3A_2107 : i32 to index
      %swap3A_2109 = arith.constant 64 : index
      %swap3A_2110 = tpu.vector_load %arg11[%swap3A_2108, %swap3A_2109] {strides = array<i32>} : memref<16x128xf32, #tpu.memory_space<vmem>>, vector<1x16xf32>,
      %swap3A_2111 = vector.shape_cast %swap3A_2110 : vector<1x16xf32> to vector<16xf32>
      %swap3A_2112 = vector.shape_cast %mul3A_2106 : vector<16xf32> to vector<1x16xf32>
      tpu.vector_store %arg11[%swap3A_2108, %swap3A_2109], %swap3A_2112 {strides = array<i32>} : memref<16x128xf32, #tpu.memory_space<vmem>>, vector<1x16xf32>,
      %get3A_2113 = arith.constant 12 : i32
      %get3A_2114 = arith.index_cast %get3A_2113 : i32 to index
      %get3A_2115 = arith.constant 80 : index
      %get3A_2116 = tpu.vector_load %arg10[%get3A_2114, %get3A_2115] {strides = array<i32>} : memref<16x128xf32, #tpu.memory_space<vmem>>, vector<1x16xf32>,
      %get3A_2117 = vector.shape_cast %get3A_2116 : vector<1x16xf32> to vector<16xf32>
      %mul3A_2118 = arith.mulf %get3A_2117, %broadcast_in_dim3A_2052 : vector<16xf32>
      %swap3A_2119 = arith.constant 12 : i32
      %swap3A_2120 = arith.index_cast %swap3A_2119 : i32 to index
      %swap3A_2121 = arith.constant 80 : index
      %swap3A_2122 = tpu.vector_load %arg11[%swap3A_2120, %swap3A_2121] {strides = array<i32>} : memref<16x128xf32, #tpu.memory_space<vmem>>, vector<1x16xf32>,
      %swap3A_2123 = vector.shape_cast %swap3A_2122 : vector<1x16xf32> to vector<16xf32>
      %swap3A_2124 = vector.shape_cast %mul3A_2118 : vector<16xf32> to vector<1x16xf32>
      tpu.vector_store %arg11[%swap3A_2120, %swap3A_2121], %swap3A_2124 {strides = array<i32>} : memref<16x128xf32, #tpu.memory_space<vmem>>, vector<1x16xf32>,
      %get3A_2125 = arith.constant 12 : i32
      %get3A_2126 = arith.index_cast %get3A_2125 : i32 to index
      %get3A_2127 = arith.constant 96 : index
      %get3A_2128 = tpu.vector_load %arg10[%get3A_2126, %get3A_2127] {strides = array<i32>} : memref<16x128xf32, #tpu.memory_space<vmem>>, vector<1x16xf32>,
      %get3A_2129 = vector.shape_cast %get3A_2128 : vector<1x16xf32> to vector<16xf32>
      %mul3A_2130 = arith.mulf %get3A_2129, %broadcast_in_dim3A_2052 : vector<16xf32>
      %swap3A_2131 = arith.constant 12 : i32
      %swap3A_2132 = arith.index_cast %swap3A_2131 : i32 to index
      %swap3A_2133 = arith.constant 96 : index
      %swap3A_2134 = tpu.vector_load %arg11[%swap3A_2132, %swap3A_2133] {strides = array<i32>} : memref<16x128xf32, #tpu.memory_space<vmem>>, vector<1x16xf32>,
      %swap3A_2135 = vector.shape_cast %swap3A_2134 : vector<1x16xf32> to vector<16xf32>
      %swap3A_2136 = vector.shape_cast %mul3A_2130 : vector<16xf32> to vector<1x16xf32>
      tpu.vector_store %arg11[%swap3A_2132, %swap3A_2133], %swap3A_2136 {strides = array<i32>} : memref<16x128xf32, #tpu.memory_space<vmem>>, vector<1x16xf32>,
      %get3A_2137 = arith.constant 12 : i32
      %get3A_2138 = arith.index_cast %get3A_2137 : i32 to index
      %get3A_2139 = arith.constant 112 : index
      %get3A_2140 = tpu.vector_load %arg10[%get3A_2138, %get3A_2139] {strides = array<i32>} : memref<16x128xf32, #tpu.memory_space<vmem>>, vector<1x16xf32>,
      %get3A_2141 = vector.shape_cast %get3A_2140 : vector<1x16xf32> to vector<16xf32>
      %mul3A_2142 = arith.mulf %get3A_2141, %broadcast_in_dim3A_2052 : vector<16xf32>
      %swap3A_2143 = arith.constant 12 : i32
      %swap3A_2144 = arith.index_cast %swap3A_2143 : i32 to index
      %swap3A_2145 = arith.constant 112 : index
      %swap3A_2146 = tpu.vector_load %arg11[%swap3A_2144, %swap3A_2145] {strides = array<i32>} : memref<16x128xf32, #tpu.memory_space<vmem>>, vector<1x16xf32>,
      %swap3A_2147 = vector.shape_cast %swap3A_2146 : vector<1x16xf32> to vector<16xf32>
      %swap3A_2148 = vector.shape_cast %mul3A_2142 : vector<16xf32> to vector<1x16xf32>
      tpu.vector_store %arg11[%swap3A_2144, %swap3A_2145], %swap3A_2148 {strides = array<i32>} : memref<16x128xf32, #tpu.memory_space<vmem>>, vector<1x16xf32>,
      %slice3A_2149 = vector.extract_strided_slice %get3A_859 {offsets = [13], sizes = [1], strides = [1]} : vector<16xf32> to vector<1xf32>
      %squeeze3A_2150 = vector.extract %slice3A_2149[0] : f32 from vector<1xf32>
      %broadcast_in_dim3A_2151 = vector.broadcast %squeeze3A_2150 : f32 to vector<16xf32>
      %get3A_2152 = arith.constant 13 : i32
      %get3A_2153 = arith.index_cast %get3A_2152 : i32 to index
      %get3A_2154 = arith.constant 0 : index
      %get3A_2155 = tpu.vector_load %arg10[%get3A_2153, %get3A_2154] {strides = array<i32>} : memref<16x128xf32, #tpu.memory_space<vmem>>, vector<1x16xf32>,
      %get3A_2156 = vector.shape_cast %get3A_2155 : vector<1x16xf32> to vector<16xf32>
      %mul3A_2157 = arith.mulf %get3A_2156, %broadcast_in_dim3A_2151 : vector<16xf32>
      %swap3A_2158 = arith.constant 13 : i32
      %swap3A_2159 = arith.index_cast %swap3A_2158 : i32 to index
      %swap3A_2160 = arith.constant 0 : index
      %swap3A_2161 = tpu.vector_load %arg11[%swap3A_2159, %swap3A_2160] {strides = array<i32>} : memref<16x128xf32, #tpu.memory_space<vmem>>, vector<1x16xf32>,
      %swap3A_2162 = vector.shape_cast %swap3A_2161 : vector<1x16xf32> to vector<16xf32>
      %swap3A_2163 = vector.shape_cast %mul3A_2157 : vector<16xf32> to vector<1x16xf32>
      tpu.vector_store %arg11[%swap3A_2159, %swap3A_2160], %swap3A_2163 {strides = array<i32>} : memref<16x128xf32, #tpu.memory_space<vmem>>, vector<1x16xf32>,
      %get3A_2164 = arith.constant 13 : i32
      %get3A_2165 = arith.index_cast %get3A_2164 : i32 to index
      %get3A_2166 = arith.constant 16 : index
      %get3A_2167 = tpu.vector_load %arg10[%get3A_2165, %get3A_2166] {strides = array<i32>} : memref<16x128xf32, #tpu.memory_space<vmem>>, vector<1x16xf32>,
      %get3A_2168 = vector.shape_cast %get3A_2167 : vector<1x16xf32> to vector<16xf32>
      %mul3A_2169 = arith.mulf %get3A_2168, %broadcast_in_dim3A_2151 : vector<16xf32>
      %swap3A_2170 = arith.constant 13 : i32
      %swap3A_2171 = arith.index_cast %swap3A_2170 : i32 to index
      %swap3A_2172 = arith.constant 16 : index
      %swap3A_2173 = tpu.vector_load %arg11[%swap3A_2171, %swap3A_2172] {strides = array<i32>} : memref<16x128xf32, #tpu.memory_space<vmem>>, vector<1x16xf32>,
      %swap3A_2174 = vector.shape_cast %swap3A_2173 : vector<1x16xf32> to vector<16xf32>
      %swap3A_2175 = vector.shape_cast %mul3A_2169 : vector<16xf32> to vector<1x16xf32>
      tpu.vector_store %arg11[%swap3A_2171, %swap3A_2172], %swap3A_2175 {strides = array<i32>} : memref<16x128xf32, #tpu.memory_space<vmem>>, vector<1x16xf32>,
      %get3A_2176 = arith.constant 13 : i32
      %get3A_2177 = arith.index_cast %get3A_2176 : i32 to index
      %get3A_2178 = arith.constant 32 : index
      %get3A_2179 = tpu.vector_load %arg10[%get3A_2177, %get3A_2178] {strides = array<i32>} : memref<16x128xf32, #tpu.memory_space<vmem>>, vector<1x16xf32>,
      %get3A_2180 = vector.shape_cast %get3A_2179 : vector<1x16xf32> to vector<16xf32>
      %mul3A_2181 = arith.mulf %get3A_2180, %broadcast_in_dim3A_2151 : vector<16xf32>
      %swap3A_2182 = arith.constant 13 : i32
      %swap3A_2183 = arith.index_cast %swap3A_2182 : i32 to index
      %swap3A_2184 = arith.constant 32 : index
      %swap3A_2185 = tpu.vector_load %arg11[%swap3A_2183, %swap3A_2184] {strides = array<i32>} : memref<16x128xf32, #tpu.memory_space<vmem>>, vector<1x16xf32>,
      %swap3A_2186 = vector.shape_cast %swap3A_2185 : vector<1x16xf32> to vector<16xf32>
      %swap3A_2187 = vector.shape_cast %mul3A_2181 : vector<16xf32> to vector<1x16xf32>
      tpu.vector_store %arg11[%swap3A_2183, %swap3A_2184], %swap3A_2187 {strides = array<i32>} : memref<16x128xf32, #tpu.memory_space<vmem>>, vector<1x16xf32>,
      %get3A_2188 = arith.constant 13 : i32
      %get3A_2189 = arith.index_cast %get3A_2188 : i32 to index
      %get3A_2190 = arith.constant 48 : index
      %get3A_2191 = tpu.vector_load %arg10[%get3A_2189, %get3A_2190] {strides = array<i32>} : memref<16x128xf32, #tpu.memory_space<vmem>>, vector<1x16xf32>,
      %get3A_2192 = vector.shape_cast %get3A_2191 : vector<1x16xf32> to vector<16xf32>
      %mul3A_2193 = arith.mulf %get3A_2192, %broadcast_in_dim3A_2151 : vector<16xf32>
      %swap3A_2194 = arith.constant 13 : i32
      %swap3A_2195 = arith.index_cast %swap3A_2194 : i32 to index
      %swap3A_2196 = arith.constant 48 : index
      %swap3A_2197 = tpu.vector_load %arg11[%swap3A_2195, %swap3A_2196] {strides = array<i32>} : memref<16x128xf32, #tpu.memory_space<vmem>>, vector<1x16xf32>,
      %swap3A_2198 = vector.shape_cast %swap3A_2197 : vector<1x16xf32> to vector<16xf32>
      %swap3A_2199 = vector.shape_cast %mul3A_2193 : vector<16xf32> to vector<1x16xf32>
      tpu.vector_store %arg11[%swap3A_2195, %swap3A_2196], %swap3A_2199 {strides = array<i32>} : memref<16x128xf32, #tpu.memory_space<vmem>>, vector<1x16xf32>,
      %get3A_2200 = arith.constant 13 : i32
      %get3A_2201 = arith.index_cast %get3A_2200 : i32 to index
      %get3A_2202 = arith.constant 64 : index
      %get3A_2203 = tpu.vector_load %arg10[%get3A_2201, %get3A_2202] {strides = array<i32>} : memref<16x128xf32, #tpu.memory_space<vmem>>, vector<1x16xf32>,
      %get3A_2204 = vector.shape_cast %get3A_2203 : vector<1x16xf32> to vector<16xf32>
      %mul3A_2205 = arith.mulf %get3A_2204, %broadcast_in_dim3A_2151 : vector<16xf32>
      %swap3A_2206 = arith.constant 13 : i32
      %swap3A_2207 = arith.index_cast %swap3A_2206 : i32 to index
      %swap3A_2208 = arith.constant 64 : index
      %swap3A_2209 = tpu.vector_load %arg11[%swap3A_2207, %swap3A_2208] {strides = array<i32>} : memref<16x128xf32, #tpu.memory_space<vmem>>, vector<1x16xf32>,
      %swap3A_2210 = vector.shape_cast %swap3A_2209 : vector<1x16xf32> to vector<16xf32>
      %swap3A_2211 = vector.shape_cast %mul3A_2205 : vector<16xf32> to vector<1x16xf32>
      tpu.vector_store %arg11[%swap3A_2207, %swap3A_2208], %swap3A_2211 {strides = array<i32>} : memref<16x128xf32, #tpu.memory_space<vmem>>, vector<1x16xf32>,
      %get3A_2212 = arith.constant 13 : i32
      %get3A_2213 = arith.index_cast %get3A_2212 : i32 to index
      %get3A_2214 = arith.constant 80 : index
      %get3A_2215 = tpu.vector_load %arg10[%get3A_2213, %get3A_2214] {strides = array<i32>} : memref<16x128xf32, #tpu.memory_space<vmem>>, vector<1x16xf32>,
      %get3A_2216 = vector.shape_cast %get3A_2215 : vector<1x16xf32> to vector<16xf32>
      %mul3A_2217 = arith.mulf %get3A_2216, %broadcast_in_dim3A_2151 : vector<16xf32>
      %swap3A_2218 = arith.constant 13 : i32
      %swap3A_2219 = arith.index_cast %swap3A_2218 : i32 to index
      %swap3A_2220 = arith.constant 80 : index
      %swap3A_2221 = tpu.vector_load %arg11[%swap3A_2219, %swap3A_2220] {strides = array<i32>} : memref<16x128xf32, #tpu.memory_space<vmem>>, vector<1x16xf32>,
      %swap3A_2222 = vector.shape_cast %swap3A_2221 : vector<1x16xf32> to vector<16xf32>
      %swap3A_2223 = vector.shape_cast %mul3A_2217 : vector<16xf32> to vector<1x16xf32>
      tpu.vector_store %arg11[%swap3A_2219, %swap3A_2220], %swap3A_2223 {strides = array<i32>} : memref<16x128xf32, #tpu.memory_space<vmem>>, vector<1x16xf32>,
      %get3A_2224 = arith.constant 13 : i32
      %get3A_2225 = arith.index_cast %get3A_2224 : i32 to index
      %get3A_2226 = arith.constant 96 : index
      %get3A_2227 = tpu.vector_load %arg10[%get3A_2225, %get3A_2226] {strides = array<i32>} : memref<16x128xf32, #tpu.memory_space<vmem>>, vector<1x16xf32>,
      %get3A_2228 = vector.shape_cast %get3A_2227 : vector<1x16xf32> to vector<16xf32>
      %mul3A_2229 = arith.mulf %get3A_2228, %broadcast_in_dim3A_2151 : vector<16xf32>
      %swap3A_2230 = arith.constant 13 : i32
      %swap3A_2231 = arith.index_cast %swap3A_2230 : i32 to index
      %swap3A_2232 = arith.constant 96 : index
      %swap3A_2233 = tpu.vector_load %arg11[%swap3A_2231, %swap3A_2232] {strides = array<i32>} : memref<16x128xf32, #tpu.memory_space<vmem>>, vector<1x16xf32>,
      %swap3A_2234 = vector.shape_cast %swap3A_2233 : vector<1x16xf32> to vector<16xf32>
      %swap3A_2235 = vector.shape_cast %mul3A_2229 : vector<16xf32> to vector<1x16xf32>
      tpu.vector_store %arg11[%swap3A_2231, %swap3A_2232], %swap3A_2235 {strides = array<i32>} : memref<16x128xf32, #tpu.memory_space<vmem>>, vector<1x16xf32>,
      %get3A_2236 = arith.constant 13 : i32
      %get3A_2237 = arith.index_cast %get3A_2236 : i32 to index
      %get3A_2238 = arith.constant 112 : index
      %get3A_2239 = tpu.vector_load %arg10[%get3A_2237, %get3A_2238] {strides = array<i32>} : memref<16x128xf32, #tpu.memory_space<vmem>>, vector<1x16xf32>,
      %get3A_2240 = vector.shape_cast %get3A_2239 : vector<1x16xf32> to vector<16xf32>
      %mul3A_2241 = arith.mulf %get3A_2240, %broadcast_in_dim3A_2151 : vector<16xf32>
      %swap3A_2242 = arith.constant 13 : i32
      %swap3A_2243 = arith.index_cast %swap3A_2242 : i32 to index
      %swap3A_2244 = arith.constant 112 : index
      %swap3A_2245 = tpu.vector_load %arg11[%swap3A_2243, %swap3A_2244] {strides = array<i32>} : memref<16x128xf32, #tpu.memory_space<vmem>>, vector<1x16xf32>,
      %swap3A_2246 = vector.shape_cast %swap3A_2245 : vector<1x16xf32> to vector<16xf32>
      %swap3A_2247 = vector.shape_cast %mul3A_2241 : vector<16xf32> to vector<1x16xf32>
      tpu.vector_store %arg11[%swap3A_2243, %swap3A_2244], %swap3A_2247 {strides = array<i32>} : memref<16x128xf32, #tpu.memory_space<vmem>>, vector<1x16xf32>,
      %slice3A_2248 = vector.extract_strided_slice %get3A_859 {offsets = [14], sizes = [1], strides = [1]} : vector<16xf32> to vector<1xf32>
      %squeeze3A_2249 = vector.extract %slice3A_2248[0] : f32 from vector<1xf32>
      %broadcast_in_dim3A_2250 = vector.broadcast %squeeze3A_2249 : f32 to vector<16xf32>
      %get3A_2251 = arith.constant 14 : i32
      %get3A_2252 = arith.index_cast %get3A_2251 : i32 to index
      %get3A_2253 = arith.constant 0 : index
      %get3A_2254 = tpu.vector_load %arg10[%get3A_2252, %get3A_2253] {strides = array<i32>} : memref<16x128xf32, #tpu.memory_space<vmem>>, vector<1x16xf32>,
      %get3A_2255 = vector.shape_cast %get3A_2254 : vector<1x16xf32> to vector<16xf32>
      %mul3A_2256 = arith.mulf %get3A_2255, %broadcast_in_dim3A_2250 : vector<16xf32>
      %swap3A_2257 = arith.constant 14 : i32
      %swap3A_2258 = arith.index_cast %swap3A_2257 : i32 to index
      %swap3A_2259 = arith.constant 0 : index
      %swap3A_2260 = tpu.vector_load %arg11[%swap3A_2258, %swap3A_2259] {strides = array<i32>} : memref<16x128xf32, #tpu.memory_space<vmem>>, vector<1x16xf32>,
      %swap3A_2261 = vector.shape_cast %swap3A_2260 : vector<1x16xf32> to vector<16xf32>
      %swap3A_2262 = vector.shape_cast %mul3A_2256 : vector<16xf32> to vector<1x16xf32>
      tpu.vector_store %arg11[%swap3A_2258, %swap3A_2259], %swap3A_2262 {strides = array<i32>} : memref<16x128xf32, #tpu.memory_space<vmem>>, vector<1x16xf32>,
      %get3A_2263 = arith.constant 14 : i32
      %get3A_2264 = arith.index_cast %get3A_2263 : i32 to index
      %get3A_2265 = arith.constant 16 : index
      %get3A_2266 = tpu.vector_load %arg10[%get3A_2264, %get3A_2265] {strides = array<i32>} : memref<16x128xf32, #tpu.memory_space<vmem>>, vector<1x16xf32>,
      %get3A_2267 = vector.shape_cast %get3A_2266 : vector<1x16xf32> to vector<16xf32>
      %mul3A_2268 = arith.mulf %get3A_2267, %broadcast_in_dim3A_2250 : vector<16xf32>
      %swap3A_2269 = arith.constant 14 : i32
      %swap3A_2270 = arith.index_cast %swap3A_2269 : i32 to index
      %swap3A_2271 = arith.constant 16 : index
      %swap3A_2272 = tpu.vector_load %arg11[%swap3A_2270, %swap3A_2271] {strides = array<i32>} : memref<16x128xf32, #tpu.memory_space<vmem>>, vector<1x16xf32>,
      %swap3A_2273 = vector.shape_cast %swap3A_2272 : vector<1x16xf32> to vector<16xf32>
      %swap3A_2274 = vector.shape_cast %mul3A_2268 : vector<16xf32> to vector<1x16xf32>
      tpu.vector_store %arg11[%swap3A_2270, %swap3A_2271], %swap3A_2274 {strides = array<i32>} : memref<16x128xf32, #tpu.memory_space<vmem>>, vector<1x16xf32>,
      %get3A_2275 = arith.constant 14 : i32
      %get3A_2276 = arith.index_cast %get3A_2275 : i32 to index
      %get3A_2277 = arith.constant 32 : index
      %get3A_2278 = tpu.vector_load %arg10[%get3A_2276, %get3A_2277] {strides = array<i32>} : memref<16x128xf32, #tpu.memory_space<vmem>>, vector<1x16xf32>,
      %get3A_2279 = vector.shape_cast %get3A_2278 : vector<1x16xf32> to vector<16xf32>
      %mul3A_2280 = arith.mulf %get3A_2279, %broadcast_in_dim3A_2250 : vector<16xf32>
      %swap3A_2281 = arith.constant 14 : i32
      %swap3A_2282 = arith.index_cast %swap3A_2281 : i32 to index
      %swap3A_2283 = arith.constant 32 : index
      %swap3A_2284 = tpu.vector_load %arg11[%swap3A_2282, %swap3A_2283] {strides = array<i32>} : memref<16x128xf32, #tpu.memory_space<vmem>>, vector<1x16xf32>,
      %swap3A_2285 = vector.shape_cast %swap3A_2284 : vector<1x16xf32> to vector<16xf32>
      %swap3A_2286 = vector.shape_cast %mul3A_2280 : vector<16xf32> to vector<1x16xf32>
      tpu.vector_store %arg11[%swap3A_2282, %swap3A_2283], %swap3A_2286 {strides = array<i32>} : memref<16x128xf32, #tpu.memory_space<vmem>>, vector<1x16xf32>,
      %get3A_2287 = arith.constant 14 : i32
      %get3A_2288 = arith.index_cast %get3A_2287 : i32 to index
      %get3A_2289 = arith.constant 48 : index
      %get3A_2290 = tpu.vector_load %arg10[%get3A_2288, %get3A_2289] {strides = array<i32>} : memref<16x128xf32, #tpu.memory_space<vmem>>, vector<1x16xf32>,
      %get3A_2291 = vector.shape_cast %get3A_2290 : vector<1x16xf32> to vector<16xf32>
      %mul3A_2292 = arith.mulf %get3A_2291, %broadcast_in_dim3A_2250 : vector<16xf32>
      %swap3A_2293 = arith.constant 14 : i32
      %swap3A_2294 = arith.index_cast %swap3A_2293 : i32 to index
      %swap3A_2295 = arith.constant 48 : index
      %swap3A_2296 = tpu.vector_load %arg11[%swap3A_2294, %swap3A_2295] {strides = array<i32>} : memref<16x128xf32, #tpu.memory_space<vmem>>, vector<1x16xf32>,
      %swap3A_2297 = vector.shape_cast %swap3A_2296 : vector<1x16xf32> to vector<16xf32>
      %swap3A_2298 = vector.shape_cast %mul3A_2292 : vector<16xf32> to vector<1x16xf32>
      tpu.vector_store %arg11[%swap3A_2294, %swap3A_2295], %swap3A_2298 {strides = array<i32>} : memref<16x128xf32, #tpu.memory_space<vmem>>, vector<1x16xf32>,
      %get3A_2299 = arith.constant 14 : i32
      %get3A_2300 = arith.index_cast %get3A_2299 : i32 to index
      %get3A_2301 = arith.constant 64 : index
      %get3A_2302 = tpu.vector_load %arg10[%get3A_2300, %get3A_2301] {strides = array<i32>} : memref<16x128xf32, #tpu.memory_space<vmem>>, vector<1x16xf32>,
      %get3A_2303 = vector.shape_cast %get3A_2302 : vector<1x16xf32> to vector<16xf32>
      %mul3A_2304 = arith.mulf %get3A_2303, %broadcast_in_dim3A_2250 : vector<16xf32>
      %swap3A_2305 = arith.constant 14 : i32
      %swap3A_2306 = arith.index_cast %swap3A_2305 : i32 to index
      %swap3A_2307 = arith.constant 64 : index
      %swap3A_2308 = tpu.vector_load %arg11[%swap3A_2306, %swap3A_2307] {strides = array<i32>} : memref<16x128xf32, #tpu.memory_space<vmem>>, vector<1x16xf32>,
      %swap3A_2309 = vector.shape_cast %swap3A_2308 : vector<1x16xf32> to vector<16xf32>
      %swap3A_2310 = vector.shape_cast %mul3A_2304 : vector<16xf32> to vector<1x16xf32>
      tpu.vector_store %arg11[%swap3A_2306, %swap3A_2307], %swap3A_2310 {strides = array<i32>} : memref<16x128xf32, #tpu.memory_space<vmem>>, vector<1x16xf32>,
      %get3A_2311 = arith.constant 14 : i32
      %get3A_2312 = arith.index_cast %get3A_2311 : i32 to index
      %get3A_2313 = arith.constant 80 : index
      %get3A_2314 = tpu.vector_load %arg10[%get3A_2312, %get3A_2313] {strides = array<i32>} : memref<16x128xf32, #tpu.memory_space<vmem>>, vector<1x16xf32>,
      %get3A_2315 = vector.shape_cast %get3A_2314 : vector<1x16xf32> to vector<16xf32>
      %mul3A_2316 = arith.mulf %get3A_2315, %broadcast_in_dim3A_2250 : vector<16xf32>
      %swap3A_2317 = arith.constant 14 : i32
      %swap3A_2318 = arith.index_cast %swap3A_2317 : i32 to index
      %swap3A_2319 = arith.constant 80 : index
      %swap3A_2320 = tpu.vector_load %arg11[%swap3A_2318, %swap3A_2319] {strides = array<i32>} : memref<16x128xf32, #tpu.memory_space<vmem>>, vector<1x16xf32>,
      %swap3A_2321 = vector.shape_cast %swap3A_2320 : vector<1x16xf32> to vector<16xf32>
      %swap3A_2322 = vector.shape_cast %mul3A_2316 : vector<16xf32> to vector<1x16xf32>
      tpu.vector_store %arg11[%swap3A_2318, %swap3A_2319], %swap3A_2322 {strides = array<i32>} : memref<16x128xf32, #tpu.memory_space<vmem>>, vector<1x16xf32>,
      %get3A_2323 = arith.constant 14 : i32
      %get3A_2324 = arith.index_cast %get3A_2323 : i32 to index
      %get3A_2325 = arith.constant 96 : index
      %get3A_2326 = tpu.vector_load %arg10[%get3A_2324, %get3A_2325] {strides = array<i32>} : memref<16x128xf32, #tpu.memory_space<vmem>>, vector<1x16xf32>,
      %get3A_2327 = vector.shape_cast %get3A_2326 : vector<1x16xf32> to vector<16xf32>
      %mul3A_2328 = arith.mulf %get3A_2327, %broadcast_in_dim3A_2250 : vector<16xf32>
      %swap3A_2329 = arith.constant 14 : i32
      %swap3A_2330 = arith.index_cast %swap3A_2329 : i32 to index
      %swap3A_2331 = arith.constant 96 : index
      %swap3A_2332 = tpu.vector_load %arg11[%swap3A_2330, %swap3A_2331] {strides = array<i32>} : memref<16x128xf32, #tpu.memory_space<vmem>>, vector<1x16xf32>,
      %swap3A_2333 = vector.shape_cast %swap3A_2332 : vector<1x16xf32> to vector<16xf32>
      %swap3A_2334 = vector.shape_cast %mul3A_2328 : vector<16xf32> to vector<1x16xf32>
      tpu.vector_store %arg11[%swap3A_2330, %swap3A_2331], %swap3A_2334 {strides = array<i32>} : memref<16x128xf32, #tpu.memory_space<vmem>>, vector<1x16xf32>,
      %get3A_2335 = arith.constant 14 : i32
      %get3A_2336 = arith.index_cast %get3A_2335 : i32 to index
      %get3A_2337 = arith.constant 112 : index
      %get3A_2338 = tpu.vector_load %arg10[%get3A_2336, %get3A_2337] {strides = array<i32>} : memref<16x128xf32, #tpu.memory_space<vmem>>, vector<1x16xf32>,
      %get3A_2339 = vector.shape_cast %get3A_2338 : vector<1x16xf32> to vector<16xf32>
      %mul3A_2340 = arith.mulf %get3A_2339, %broadcast_in_dim3A_2250 : vector<16xf32>
      %swap3A_2341 = arith.constant 14 : i32
      %swap3A_2342 = arith.index_cast %swap3A_2341 : i32 to index
      %swap3A_2343 = arith.constant 112 : index
      %swap3A_2344 = tpu.vector_load %arg11[%swap3A_2342, %swap3A_2343] {strides = array<i32>} : memref<16x128xf32, #tpu.memory_space<vmem>>, vector<1x16xf32>,
      %swap3A_2345 = vector.shape_cast %swap3A_2344 : vector<1x16xf32> to vector<16xf32>
      %swap3A_2346 = vector.shape_cast %mul3A_2340 : vector<16xf32> to vector<1x16xf32>
      tpu.vector_store %arg11[%swap3A_2342, %swap3A_2343], %swap3A_2346 {strides = array<i32>} : memref<16x128xf32, #tpu.memory_space<vmem>>, vector<1x16xf32>,
      %slice3A_2347 = vector.extract_strided_slice %get3A_859 {offsets = [15], sizes = [1], strides = [1]} : vector<16xf32> to vector<1xf32>
      %squeeze3A_2348 = vector.extract %slice3A_2347[0] : f32 from vector<1xf32>
      %broadcast_in_dim3A_2349 = vector.broadcast %squeeze3A_2348 : f32 to vector<16xf32>
      %get3A_2350 = arith.constant 15 : i32
      %get3A_2351 = arith.index_cast %get3A_2350 : i32 to index
      %get3A_2352 = arith.constant 0 : index
      %get3A_2353 = tpu.vector_load %arg10[%get3A_2351, %get3A_2352] {strides = array<i32>} : memref<16x128xf32, #tpu.memory_space<vmem>>, vector<1x16xf32>,
      %get3A_2354 = vector.shape_cast %get3A_2353 : vector<1x16xf32> to vector<16xf32>
      %mul3A_2355 = arith.mulf %get3A_2354, %broadcast_in_dim3A_2349 : vector<16xf32>
      %swap3A_2356 = arith.constant 15 : i32
      %swap3A_2357 = arith.index_cast %swap3A_2356 : i32 to index
      %swap3A_2358 = arith.constant 0 : index
      %swap3A_2359 = tpu.vector_load %arg11[%swap3A_2357, %swap3A_2358] {strides = array<i32>} : memref<16x128xf32, #tpu.memory_space<vmem>>, vector<1x16xf32>,
      %swap3A_2360 = vector.shape_cast %swap3A_2359 : vector<1x16xf32> to vector<16xf32>
      %swap3A_2361 = vector.shape_cast %mul3A_2355 : vector<16xf32> to vector<1x16xf32>
      tpu.vector_store %arg11[%swap3A_2357, %swap3A_2358], %swap3A_2361 {strides = array<i32>} : memref<16x128xf32, #tpu.memory_space<vmem>>, vector<1x16xf32>,
      %get3A_2362 = arith.constant 15 : i32
      %get3A_2363 = arith.index_cast %get3A_2362 : i32 to index
      %get3A_2364 = arith.constant 16 : index
      %get3A_2365 = tpu.vector_load %arg10[%get3A_2363, %get3A_2364] {strides = array<i32>} : memref<16x128xf32, #tpu.memory_space<vmem>>, vector<1x16xf32>,
      %get3A_2366 = vector.shape_cast %get3A_2365 : vector<1x16xf32> to vector<16xf32>
      %mul3A_2367 = arith.mulf %get3A_2366, %broadcast_in_dim3A_2349 : vector<16xf32>
      %swap3A_2368 = arith.constant 15 : i32
      %swap3A_2369 = arith.index_cast %swap3A_2368 : i32 to index
      %swap3A_2370 = arith.constant 16 : index
      %swap3A_2371 = tpu.vector_load %arg11[%swap3A_2369, %swap3A_2370] {strides = array<i32>} : memref<16x128xf32, #tpu.memory_space<vmem>>, vector<1x16xf32>,
      %swap3A_2372 = vector.shape_cast %swap3A_2371 : vector<1x16xf32> to vector<16xf32>
      %swap3A_2373 = vector.shape_cast %mul3A_2367 : vector<16xf32> to vector<1x16xf32>
      tpu.vector_store %arg11[%swap3A_2369, %swap3A_2370], %swap3A_2373 {strides = array<i32>} : memref<16x128xf32, #tpu.memory_space<vmem>>, vector<1x16xf32>,
      %get3A_2374 = arith.constant 15 : i32
      %get3A_2375 = arith.index_cast %get3A_2374 : i32 to index
      %get3A_2376 = arith.constant 32 : index
      %get3A_2377 = tpu.vector_load %arg10[%get3A_2375, %get3A_2376] {strides = array<i32>} : memref<16x128xf32, #tpu.memory_space<vmem>>, vector<1x16xf32>,
      %get3A_2378 = vector.shape_cast %get3A_2377 : vector<1x16xf32> to vector<16xf32>
      %mul3A_2379 = arith.mulf %get3A_2378, %broadcast_in_dim3A_2349 : vector<16xf32>
      %swap3A_2380 = arith.constant 15 : i32
      %swap3A_2381 = arith.index_cast %swap3A_2380 : i32 to index
      %swap3A_2382 = arith.constant 32 : index
      %swap3A_2383 = tpu.vector_load %arg11[%swap3A_2381, %swap3A_2382] {strides = array<i32>} : memref<16x128xf32, #tpu.memory_space<vmem>>, vector<1x16xf32>,
      %swap3A_2384 = vector.shape_cast %swap3A_2383 : vector<1x16xf32> to vector<16xf32>
      %swap3A_2385 = vector.shape_cast %mul3A_2379 : vector<16xf32> to vector<1x16xf32>
      tpu.vector_store %arg11[%swap3A_2381, %swap3A_2382], %swap3A_2385 {strides = array<i32>} : memref<16x128xf32, #tpu.memory_space<vmem>>, vector<1x16xf32>,
      %get3A_2386 = arith.constant 15 : i32
      %get3A_2387 = arith.index_cast %get3A_2386 : i32 to index
      %get3A_2388 = arith.constant 48 : index
      %get3A_2389 = tpu.vector_load %arg10[%get3A_2387, %get3A_2388] {strides = array<i32>} : memref<16x128xf32, #tpu.memory_space<vmem>>, vector<1x16xf32>,
      %get3A_2390 = vector.shape_cast %get3A_2389 : vector<1x16xf32> to vector<16xf32>
      %mul3A_2391 = arith.mulf %get3A_2390, %broadcast_in_dim3A_2349 : vector<16xf32>
      %swap3A_2392 = arith.constant 15 : i32
      %swap3A_2393 = arith.index_cast %swap3A_2392 : i32 to index
      %swap3A_2394 = arith.constant 48 : index
      %swap3A_2395 = tpu.vector_load %arg11[%swap3A_2393, %swap3A_2394] {strides = array<i32>} : memref<16x128xf32, #tpu.memory_space<vmem>>, vector<1x16xf32>,
      %swap3A_2396 = vector.shape_cast %swap3A_2395 : vector<1x16xf32> to vector<16xf32>
      %swap3A_2397 = vector.shape_cast %mul3A_2391 : vector<16xf32> to vector<1x16xf32>
      tpu.vector_store %arg11[%swap3A_2393, %swap3A_2394], %swap3A_2397 {strides = array<i32>} : memref<16x128xf32, #tpu.memory_space<vmem>>, vector<1x16xf32>,
      %get3A_2398 = arith.constant 15 : i32
      %get3A_2399 = arith.index_cast %get3A_2398 : i32 to index
      %get3A_2400 = arith.constant 64 : index
      %get3A_2401 = tpu.vector_load %arg10[%get3A_2399, %get3A_2400] {strides = array<i32>} : memref<16x128xf32, #tpu.memory_space<vmem>>, vector<1x16xf32>,
      %get3A_2402 = vector.shape_cast %get3A_2401 : vector<1x16xf32> to vector<16xf32>
      %mul3A_2403 = arith.mulf %get3A_2402, %broadcast_in_dim3A_2349 : vector<16xf32>
      %swap3A_2404 = arith.constant 15 : i32
      %swap3A_2405 = arith.index_cast %swap3A_2404 : i32 to index
      %swap3A_2406 = arith.constant 64 : index
      %swap3A_2407 = tpu.vector_load %arg11[%swap3A_2405, %swap3A_2406] {strides = array<i32>} : memref<16x128xf32, #tpu.memory_space<vmem>>, vector<1x16xf32>,
      %swap3A_2408 = vector.shape_cast %swap3A_2407 : vector<1x16xf32> to vector<16xf32>
      %swap3A_2409 = vector.shape_cast %mul3A_2403 : vector<16xf32> to vector<1x16xf32>
      tpu.vector_store %arg11[%swap3A_2405, %swap3A_2406], %swap3A_2409 {strides = array<i32>} : memref<16x128xf32, #tpu.memory_space<vmem>>, vector<1x16xf32>,
      %get3A_2410 = arith.constant 15 : i32
      %get3A_2411 = arith.index_cast %get3A_2410 : i32 to index
      %get3A_2412 = arith.constant 80 : index
      %get3A_2413 = tpu.vector_load %arg10[%get3A_2411, %get3A_2412] {strides = array<i32>} : memref<16x128xf32, #tpu.memory_space<vmem>>, vector<1x16xf32>,
      %get3A_2414 = vector.shape_cast %get3A_2413 : vector<1x16xf32> to vector<16xf32>
      %mul3A_2415 = arith.mulf %get3A_2414, %broadcast_in_dim3A_2349 : vector<16xf32>
      %swap3A_2416 = arith.constant 15 : i32
      %swap3A_2417 = arith.index_cast %swap3A_2416 : i32 to index
      %swap3A_2418 = arith.constant 80 : index
      %swap3A_2419 = tpu.vector_load %arg11[%swap3A_2417, %swap3A_2418] {strides = array<i32>} : memref<16x128xf32, #tpu.memory_space<vmem>>, vector<1x16xf32>,
      %swap3A_2420 = vector.shape_cast %swap3A_2419 : vector<1x16xf32> to vector<16xf32>
      %swap3A_2421 = vector.shape_cast %mul3A_2415 : vector<16xf32> to vector<1x16xf32>
      tpu.vector_store %arg11[%swap3A_2417, %swap3A_2418], %swap3A_2421 {strides = array<i32>} : memref<16x128xf32, #tpu.memory_space<vmem>>, vector<1x16xf32>,
      %get3A_2422 = arith.constant 15 : i32
      %get3A_2423 = arith.index_cast %get3A_2422 : i32 to index
      %get3A_2424 = arith.constant 96 : index
      %get3A_2425 = tpu.vector_load %arg10[%get3A_2423, %get3A_2424] {strides = array<i32>} : memref<16x128xf32, #tpu.memory_space<vmem>>, vector<1x16xf32>,
      %get3A_2426 = vector.shape_cast %get3A_2425 : vector<1x16xf32> to vector<16xf32>
      %mul3A_2427 = arith.mulf %get3A_2426, %broadcast_in_dim3A_2349 : vector<16xf32>
      %swap3A_2428 = arith.constant 15 : i32
      %swap3A_2429 = arith.index_cast %swap3A_2428 : i32 to index
      %swap3A_2430 = arith.constant 96 : index
      %swap3A_2431 = tpu.vector_load %arg11[%swap3A_2429, %swap3A_2430] {strides = array<i32>} : memref<16x128xf32, #tpu.memory_space<vmem>>, vector<1x16xf32>,
      %swap3A_2432 = vector.shape_cast %swap3A_2431 : vector<1x16xf32> to vector<16xf32>
      %swap3A_2433 = vector.shape_cast %mul3A_2427 : vector<16xf32> to vector<1x16xf32>
      tpu.vector_store %arg11[%swap3A_2429, %swap3A_2430], %swap3A_2433 {strides = array<i32>} : memref<16x128xf32, #tpu.memory_space<vmem>>, vector<1x16xf32>,
      %get3A_2434 = arith.constant 15 : i32
      %get3A_2435 = arith.index_cast %get3A_2434 : i32 to index
      %get3A_2436 = arith.constant 112 : index
      %get3A_2437 = tpu.vector_load %arg10[%get3A_2435, %get3A_2436] {strides = array<i32>} : memref<16x128xf32, #tpu.memory_space<vmem>>, vector<1x16xf32>,
      %get3A_2438 = vector.shape_cast %get3A_2437 : vector<1x16xf32> to vector<16xf32>
      %mul3A_2439 = arith.mulf %get3A_2438, %broadcast_in_dim3A_2349 : vector<16xf32>
      %swap3A_2440 = arith.constant 15 : i32
      %swap3A_2441 = arith.index_cast %swap3A_2440 : i32 to index
      %swap3A_2442 = arith.constant 112 : index
      %swap3A_2443 = tpu.vector_load %arg11[%swap3A_2441, %swap3A_2442] {strides = array<i32>} : memref<16x128xf32, #tpu.memory_space<vmem>>, vector<1x16xf32>,
      %swap3A_2444 = vector.shape_cast %swap3A_2443 : vector<1x16xf32> to vector<16xf32>
      %swap3A_2445 = vector.shape_cast %mul3A_2439 : vector<16xf32> to vector<1x16xf32>
      tpu.vector_store %arg11[%swap3A_2441, %swap3A_2442], %swap3A_2445 {strides = array<i32>} : memref<16x128xf32, #tpu.memory_space<vmem>>, vector<1x16xf32>,
      "tpu.region"() ({
        %run_scoped3A = tpu.sem_alloc : memref<!tpu.dma_semaphore, #tpu.memory_space<semaphore_mem>>
        %dma_start3A_2446 = arith.constant 0 : i32
        %dma_start3A_2447 = arith.constant 0 : i32
        %dma_start3A_2448 = tpu.memref_slice %arg12[%dma_start3A_2446, %dma_start3A_2447] : memref<4096x128xf32, #tpu.memory_space<vmem_shared>> -> memref<4096x128xf32, #tpu.memory_space<vmem_shared>>
        tpu.enqueue_indirect_dma source(%arg11 : memref<16x128xf32, #tpu.memory_space<vmem>>) target(%dma_start3A_2448 : memref<4096x128xf32, #tpu.memory_space<vmem_shared>>) offsets(%get3A_856 : vector<16xi32>) semaphore(%run_scoped3A : memref<!tpu.dma_semaphore, #tpu.memory_space<semaphore_mem>>) {add = true}
        %dma_wait3A_2449 = arith.constant 0 : i32
        %dma_wait3A_2450 = arith.constant 0 : i32
        %dma_wait3A_2451 = tpu.memref_slice %arg12[%dma_wait3A_2449, %dma_wait3A_2450] : memref<4096x128xf32, #tpu.memory_space<vmem_shared>> -> memref<4096x128xf32, #tpu.memory_space<vmem_shared>>
        tpu.wait_indirect_dma semaphore(%run_scoped3A : memref<!tpu.dma_semaphore, #tpu.memory_space<semaphore_mem>>) src(%arg11 : memref<16x128xf32, #tpu.memory_space<vmem>>) dst(%dma_wait3A_2451 : memref<4096x128xf32, #tpu.memory_space<vmem_shared>>)
        tpu.yield
      }) : () -> ()
    }
    %scan3A_838 = arith.constant 664 : i32
    %barrier3A_839 = arith.constant 0 : index
    tpu.barrier barrier_id(%barrier3A_839)
    %mul3A_840 = arith.constant 256 : i32
    %mul3A_841 = arith.muli %arg1, %mul3A_840 : i32
    %mul3A_842 = arith.constant 4096 : i32
    %mul3A_843 = arith.muli %arg0, %mul3A_842 : i32
    %mul3A_844 = arith.constant 256 : i32
    %mul3A_845 = arith.muli %arg1, %mul3A_844 : i32
    %add3A_846 = arith.addi %mul3A_843, %mul3A_845 : i32
    "tpu.region"() ({
      %run_scoped3A = tpu.sem_alloc : memref<!tpu.dma_semaphore, #tpu.memory_space<semaphore_mem>>
      %dma_start3A = arith.constant 0 : i32
      %dma_start3A_847 = tpu.memref_slice %arg6[%add3A_846, %dma_start3A] : memref<8192x128xf32, #tpu.memory_space<hbm>> -> memref<256x128xf32, #tpu.memory_space<hbm>>
      %dma_start3A_848 = arith.constant 0 : i32
      %dma_start3A_849 = tpu.memref_slice %arg12[%mul3A_841, %dma_start3A_848] : memref<4096x128xf32, #tpu.memory_space<vmem_shared>> -> memref<256x128xf32, #tpu.memory_space<vmem_shared>>
      tpu.enqueue_dma source(%dma_start3A_849 : memref<256x128xf32, #tpu.memory_space<vmem_shared>>) target(%dma_start3A_847 : memref<256x128xf32, #tpu.memory_space<hbm>>) target_semaphore(%run_scoped3A : memref<!tpu.dma_semaphore, #tpu.memory_space<semaphore_mem>>)
      %dma_wait3A = arith.constant 0 : i32
      %dma_wait3A_850 = tpu.memref_slice %arg6[%add3A_846, %dma_wait3A] : memref<8192x128xf32, #tpu.memory_space<hbm>> -> memref<256x128xf32, #tpu.memory_space<hbm>>
      %dma_wait3A_851 = arith.constant 0 : i32
      %dma_wait3A_852 = tpu.memref_slice %arg12[%mul3A_841, %dma_wait3A_851] : memref<4096x128xf32, #tpu.memory_space<vmem_shared>> -> memref<256x128xf32, #tpu.memory_space<vmem_shared>>
      tpu.wait_dma2 semaphore(%run_scoped3A : memref<!tpu.dma_semaphore, #tpu.memory_space<semaphore_mem>>) src(%dma_wait3A_852 : memref<256x128xf32, #tpu.memory_space<vmem_shared>>) dst(%dma_wait3A_850 : memref<256x128xf32, #tpu.memory_space<hbm>>)
      tpu.yield
    }) : () -> ()
    return
  }
}

</mosaic_0001>

<sc_bundles>
// kernel: kernel.3.cloned.1.call-start
scs
__scs_entry_jumppad:
0x0: {  	(pc) =	sbr.rel $0x88, $3  }
0x1: {  	(tag) =	ssettag $0x0;
	lr =	simm.s32 $0x1  }
0x2: {  	[smem:$0x3F9C] =	sst lr;
	_ =	strace $0xD0000000  }
0x3: {  	_ = 	snop  }
0x4: {  	_ = 	snop  }
0x5: {  	_ = 	snop  }
0x6: {  	_ = 	snop  }
0x7: {  	_ = 	snop  }
__scs_overlays_trampoline_lowered:
0x8: {  	[smem:$0x3FAB] =	sst s0  }
0x9: {  	[smem:$0x3FAC] =	sst s1  }
0xa: {  	[smem:$0x3FAD] =	sst s2  }
0xb: {  	[smem:$0x3FAE] =	sst s3  }
0xc: {  	[smem:$0x3FAF] =	sst s4  }
0xd: {  	[smem:$0x3FB0] =	sst s5  }
0xe: {  	[smem:$0x3FB1] =	sst s6  }
0xf: {  	[smem:$0x3FB2] =	sst s7  }
0x10: {  	[smem:$0x3FB3] =	sst s8  }
0x11: {  	[smem:$0x3FB4] =	sst s9;
	s0 =	simm.s32 @!p0 $0x0  }
0x12: {  	s1 =	sld [smem:$0x3F9A];
	s0 =	simm.s32 @p0 $0x1  }
0x13: {  	[smem:$0x3FB5] =	sst s0;
	s0 =	simm.s32 @!p1 $0x0  }
0x14: {  	s2 =	sld [smem:$0x3F99];
	s0 =	simm.s32 @p1 $0x1  }
0x15: {  	[smem:$0x3FB6] =	sst s0;
	s0 =	simm.s32 @!p2 $0x0  }
0x16: {  	s3 =	sld [smem:$0x3FDB];
	s0 =	simm.s32 @p2 $0x1  }
0x17: {  	s4 =	simm.s32 $0x1BF5;
	[smem:$0x3FB8] =	sst s0  }
0x18: {  	s0 =	sld [smem:$0x3F9B];
	_ =	swait.ge [sflag:s4], $0x0  }
0x19: {  	s7 =	sld [smem:$0x3F9C]  }
0x1a: {  	s8 =	sadd.s32 $0xFFFFE003, lr  }
0x1b: {  	s9 =	sadd.s32 $0xFFFFFEF7, lr;
	s5 =	simm.s32 $0xFFFFFFFF;
	p2 =	slt.u32 s8, $0xFFFFF086  }
0x1c: {  	p1 =	slt.u32 s9, $0xF7A;
	s5 =	simm.s32 @!p2 $0x0  }
0x1d: {  	s5 =	simm.s32 @p1 $0x1;
	p0 =	seq.s32 s7, s2  }
0x1e: {  	s7 =	smul.u32 @!p0 $0xF7A, s2;
	p2 =	seq.s32 @!p0 s5, $0x0  }
0x1f: {  	s9 =	smul.u32 $0xF7A, s1;
	s8 =	simm.s32 @!p0 $0x1BF5;
	p2 =	por !p2, p0  }
0x20: {  	[sflag:s8] =	ssyncset.s32 @!p0 $0xFFFFF086;
	s6 =	sadd.s32 @!p0 s3, s7;
	s7 =	simm.s32 @!p0 $0x108  }
0x21: {  	s3 =	sadd.s32 s3, s9;
	s6 =	sadd.s32 @!p0 $0x88, s6;
	s7 =	simm.s32 @p2 $0x1082  }
0x22: {  	[simem:s7], [sflag:s8] =	dma.local @!p0 [hbm:s6], $0xF7A  }
0x23: {  	s9 =	sor.u32 $0xD0000000, s2;
	s6 =	simm.s32 $0x108;
	_ =	swait.ge @!p0 [sflag:s8], $0x0  }
0x24: {  	s3 =	sadd.s32 $0x88, s3;
	s6 =	simm.s32 @!p1 $0x1082;
	[sflag:s4] =	ssyncset.s32 $0xFFFFF086  }
0x25: {  	[simem:s6], [sflag:s4] =	dma.local [hbm:s3], $0xF7A  }
0x26: {  	[smem:$0x3F9C] =	sst s1;
	(tag) =	ssettag s2;
	_ =	strace s9  }
0x27: {  	s1 =	sld [smem:$0x3FAC]  }
0x28: {  	s2 =	sld [smem:$0x3FAD]  }
0x29: {  	s4 =	sld [smem:$0x3FAF]  }
0x2a: {  	p0 =	seq.s32 s5, $0x0;
	s5 =	sld [smem:$0x3FB0]  }
0x2b: {  	s6 =	sld [smem:$0x3FB1]  }
0x2c: {  	s7 =	sld [smem:$0x3FB2]  }
0x2d: {  	s3 =	simm.s32 $0x108;
	s8 =	sld [smem:$0x3FB3]  }
0x2e: {  	s3 =	simm.s32 @!p0 $0x1082;
	s9 =	sld [smem:$0x3FB4]  }
0x2f: {  	lr =	sadd.s32 s0, s3;
	s0 =	sld [smem:$0x3FAB]  }
0x30: {  	s3 =	sld [smem:$0x3FAE]  }
0x31: {  	[smem:$0x3FB7] =	sst s10  }
0x32: {  	s10 =	sld [smem:$0x3FB5];
	_ =	sdelay $0x3  }
0x33: {  	p0 =	seq.s32 s10, $0x1;
	s10 =	sld [smem:$0x3FB7];
	_ =	sdelay $0x3  }
0x34: {  	[smem:$0x3FB7] =	sst s10  }
0x35: {  	s10 =	sld [smem:$0x3FB6];
	_ =	sdelay $0x3  }
0x36: {  	p1 =	seq.s32 s10, $0x1;
	s10 =	sld [smem:$0x3FB7];
	_ =	sdelay $0x3  }
0x37: {  	[smem:$0x3FB7] =	sst s10  }
0x38: {  	s10 =	sld [smem:$0x3FB8]  }
0x39: {  	_ = 	snop;
	(pc) =	sbr.ind lr, $3  }
0x3a: {  	_ = 	snop  }
0x3b: {  	_ = 	snop  }
0x3c: {  	p2 =	seq.s32 s10, $0x1;
	s10 =	sld [smem:$0x3FB7]  }
0x3d: {  	_ =	shalt  }
0x3e: {  	_ =	shalt  }
0x3f: {  	_ =	shalt  }
0x40: {  	_ =	shalt  }
0x41: {  	_ =	shalt  }
0x42: {  	_ =	shalt  }
0x43: {  	_ =	shalt  }
0x44: {  	_ =	shalt  }
0x45: {  	_ =	shalt  }
0x46: {  	_ =	shalt  }
0x47: {  	_ =	shalt  }
0x48: {  	_ =	shalt  }
0x49: {  	_ =	shalt  }
0x4a: {  	_ =	shalt  }
0x4b: {  	_ =	shalt  }
0x4c: {  	_ =	shalt  }
0x4d: {  	_ =	shalt  }
0x4e: {  	_ =	shalt  }
0x4f: {  	_ =	shalt  }
0x50: {  	_ =	shalt  }
0x51: {  	_ =	shalt  }
0x52: {  	_ =	shalt  }
0x53: {  	_ =	shalt  }
0x54: {  	_ =	shalt  }
0x55: {  	_ =	shalt  }
0x56: {  	_ =	shalt  }
0x57: {  	_ =	shalt  }
0x58: {  	_ =	shalt  }
0x59: {  	_ =	shalt  }
0x5a: {  	_ =	shalt  }
0x5b: {  	_ =	shalt  }
0x5c: {  	_ =	shalt  }
0x5d: {  	_ =	shalt  }
0x5e: {  	_ =	shalt  }
0x5f: {  	_ =	shalt  }
0x60: {  	_ =	shalt  }
0x61: {  	_ =	shalt  }
0x62: {  	_ =	shalt  }
0x63: {  	_ =	shalt  }
0x64: {  	_ =	shalt  }
0x65: {  	_ =	shalt  }
0x66: {  	_ =	shalt  }
0x67: {  	_ =	shalt  }
0x68: {  	_ =	shalt  }
0x69: {  	_ =	shalt  }
0x6a: {  	_ =	shalt  }
0x6b: {  	_ =	shalt  }
0x6c: {  	_ =	shalt  }
0x6d: {  	_ =	shalt  }
0x6e: {  	_ =	shalt  }
0x6f: {  	_ =	shalt  }
0x70: {  	_ =	shalt  }
0x71: {  	_ =	shalt  }
0x72: {  	_ =	shalt  }
0x73: {  	_ =	shalt  }
0x74: {  	_ =	shalt  }
0x75: {  	_ =	shalt  }
0x76: {  	_ =	shalt  }
0x77: {  	_ =	shalt  }
0x78: {  	_ =	shalt  }
0x79: {  	_ =	shalt  }
0x7a: {  	_ =	shalt  }
0x7b: {  	_ =	shalt  }
0x7c: {  	_ =	shalt  }
0x7d: {  	_ =	shalt  }
0x7e: {  	_ =	shalt  }
0x7f: {  	_ =	shalt  }
0x80: {  	_ =	shalt  }
0x81: {  	_ =	shalt  }
0x82: {  	_ =	shalt  }
0x83: {  	_ =	shalt  }
0x84: {  	_ =	shalt  }
0x85: {  	_ =	shalt  }
0x86: {  	_ =	shalt  }
0x87: {  	_ =	shalt  }
.Lfunc_end0:
.L_simem_size_0:
called_computation_lowered:
.L_overlay_start_0:
0x88: {  	s2 =	sld [smem:$0x3FD9]  }
0x89: {  	s3 =	sld [smem:$0x3FFE];
	_ =	sdelay $0x1  }
0x8a: {  	s1 =	srdreg.scid  }
0x8b: {  	s0 =	sand.u32 $0x1, s1  }
0x8c: {  	s17 =	sshll.u32 s0, $0xA;
	s2 =	sadd.s32 s3, s2  }
0x8d: {  	s2 =	sadd.s32 s2, s17  }
0x8e: {  	[smem:$0x3FC3] =	sst s2  }
0x8f: {  	_ = 	snop  }
0x90: {  	s2 =	sld [smem:$0x3FD0];
	(tm) =	ssettm $0x1  }
0x91: {  	s18 =	sld [smem:$0x3FFB];
	_ =	sdelay $0x3  }
0x92: {  	_ =	strace s18  }
0x93: {  	s3 =	sld [smem:$0x3FFC];
	_ =	sdelay $0x3  }
0x94: {  	_ =	strace s3  }
0x95: {  	s3 =	sld [smem:$0x3FFD];
	_ =	sdelay $0x3  }
0x96: {  	_ =	strace s3  }
0x97: {  	_ =	strace $0x8FFFFFFF  }
0x98: {  	s19 =	sld [smem:$0x3FDB];
	_ =	sdelay $0x1  }
0x99: {  	s4 =	simm.s32 $_scs_section_size  }
0x9a: {  	s5 =	simm.s32 $_size__tile_overlayer_lowered;
	s6 =	simm.s32 $_tile_overlayer_lowered  }
0x9b: {  	s22 =	simm.s32 $0x1BFF;
	s21 =	sshll.u32 s6, $0x1;
	s3 =	sadd.s32 s4, s19  }
0x9c: {  	s7 =	simm.s32 $0x0;
	s20 =	sshll.u32 s5, $0x1;
	s5 =	sadd.s32 s21, s3  }
0x9d: {  	[timem:s7], [sflag:s22] =	dma.local [hbm:s5], s20  }
0x9e: {  	_ =	swait.ge [sflag:s22], s20  }
0x9f: {  	s4 =	ssub.s32 $0x0, s20;
	[sflag:s22] =	ssyncset.done $0x0  }
0xa0: {  	[sflag:s22] =	ssyncadd.s32 s4;
	_ =	sdelay $0x1  }
0xa1: {  	s23 =	simm.s32 $0x1B8B  }
0xa2: {  	_ =	swait.ge [sflag:s23], $0x1  }
0xa3: {  	[sflag:s23] =	ssyncset.done $0x0  }
0xa4: {  	s25 =	simm.s32 $0x1B8E;
	s24 =	sld [smem:$0x3FFE];
	[sflag:s23] =	ssyncadd.s32 $0xFFFFFFFF  }
0xa5: {  	s26 =	simm.s32 $execute0_lowered;
	[smem:$0x3FD2] =	sst s25  }
0xa6: {  	s5 =	sshll.u32 s26, $0x1;
	_ =	strace $0x80000046;
	[dreg:$0x1] =	wrdreg $0xFFFFFFFF  }
0xa7: {  	s28 =	simm.s32 $_size_execute0_lowered;
	s3 =	sadd.s32 s3, s5;
	[dreg:$0x0] =	wrdreg $0x0  }
0xa8: {  	s5 =	sshll.u32 s28, $0x1;
	[dreg:$0x2] =	wrdreg s3  }
0xa9: {  	[dreg:$0x3] =	wrdreg s5  }
0xaa: {  	[dreg:$0x4] =	wrdreg $0xC0  }
0xab: {  	_ =	task [dreg:s7], $0x5FFFF  }
0xac: {  	[dreg:$0x1] =	wrdreg $0xFFFFFFFF  }
0xad: {  	[dreg:$0x0] =	wrdreg $0x60  }
0xae: {  	[dreg:$0x2] =	wrdreg s24  }
0xaf: {  	[dreg:$0x3] =	wrdreg s2  }
0xb0: {  	[dreg:$0x4] =	wrdreg $0x8C800  }
0xb1: {  	[dreg:$0x5] =	wrdreg $0x9  }
0xb2: {  	_ =	task.clear_ibuf [dreg:s7], $0x6FFFF;
	_ =	strace $0x90000046  }
0xb3: {  	s29 =	simm.s32 $0x9;
	_ =	strace $0x80000048  }
0xb4: {  	_ =	swait.ge [sflag:s29], $0x1  }
0xb5: {  	[sflag:s29] =	ssyncadd.s32 $0xFFFFFFFF  }
0xb6: {  	_ =	strace $0x90000048  }
0xb7: {  	_ =	sfence  }
0xb8: {  	s30 =	sld [smem:$0x0];
	_ =	sdelay $0x2  }
0xb9: {  	s31 =	sshll.u32 s1, $0xD;
	s1 =	sshrl.u32 s1, $0x2  }
0xba: {  	s3 =	sand.u32 $0x4000, s31;
	s1 =	sadd.s32 s1, s30  }
0xbb: {  	s0 =	sor.u32 s3, s0;
	s1 =	sshll.u32 s1, $0x11  }
0xbc: {  	s0 =	sor.u32 s1, s0  }
0xbd: {  	s0 =	sadd.s32 $0x8F2B, s0  }
0xbe: {  	[sflag:s0] =	ssyncadd.remote.s32 $0x1  }
0xbf: {  	_ =	sfence.sel $0xFFFF  }
0xc0: {  	[dreg:$0x0] =	wrdreg $0xFFFFFFFF;
	(pc) =	sbr.abs _section_cstart, $3  }
0xc1: {  	[dreg:$0x1] =	wrdreg $0xFFFFFFFF  }
0xc2: {  	_ =	task.clear_ibuf [dreg:s7], $0x2FFFF;
	_ =	strace $0x9FFFFFFF  }
0xc3: {  	(tm) =	ssettm $0x7FFFFFFF  }
tec
execute0_lowered:
.L_overlay_start_1:
0x0: {  	(tag) =	ssettag $0x1  }
0x1: {  	s0 =	rddreg [dreg:$0x0]  }
0x2: {  	s22 =	rddreg [dreg:$0x1]  }
0x3: {  	s2 =	rddreg [dreg:$0x2];
	s4 =	srdreg.scid  }
0x4: {  	s3 =	simm.s32 $0x0;
	s1 =	stileid.u32;
	s30 =	simm.s32 $0x8480  }
0x5: {  	s31 =	simm.s32 $0x7C80;
	s28 =	simm.s32 $0x0;
	s24 =	sand.u32 $0x1, s4  }
0x6: {  	[smem:$0x7FF] =	sst s3;
	s5 =	smul.u32 $0x530, s1;
	s4 =	sadd.s32 $0x5C00, s0  }
0x7: {  	s8 =	sshll.u32 s1, $0xF;
	s23 =	sshll.u32 s1, $0xC;
	s6 =	ssub.s32 $0x2, s24  }
0x8: {  	_ =	strace $0x80000047;
	s8 =	sadd.s32 s8, s2;
	s26 =	sshll.u32 s24, $0x10  }
0x9: {  	s29 =	smul.u32 $0x1001, s24;
	s7 =	sshrl.u32 s6, $0x1;
	s0 =	sadd.s32 s5, s0  }
0xa: {  	s9 =	sadd.s32 $0x800, s8;
	s10 =	sadd.s32 $0x1000, s8;
	s11 =	sadd.s32 $0x1800, s8  }
0xb: {  	s12 =	sadd.s32 $0x2000, s8;
	s13 =	sadd.s32 $0x2800, s8;
	s14 =	sadd.s32 $0x3000, s8  }
0xc: {  	s15 =	sadd.s32 $0x3800, s8;
	s16 =	sadd.s32 $0x4000, s8;
	s17 =	sadd.s32 $0x4800, s8  }
0xd: {  	s18 =	sadd.s32 $0x5000, s8;
	s19 =	sadd.s32 $0x5800, s8;
	s20 =	sadd.s32 $0x6000, s8  }
0xe: {  	s21 =	sadd.s32 $0x6800, s8;
	s25 =	ssub.s32 s6, s7;
	s5 =	sadd.s32 $0x25E00, s0  }
0xf: {  	s6 =	sadd.s32 $0x800, s0;
	s7 =	sadd.s32 $0x2B200, s0;
	s0 =	sadd.s32 s22, s23  }
0x10: {  	s23 =	sadd.s32 $0x7000, s8;
	s22 =	sadd.s32 s26, s0;
	s24 =	smax.u32 s25, $0x1  }
0x11: {  	v1 =	vimm.f32 $0.0e+00;
	vm0 =	vmmov $0xffff;
	v0 =	vmov s29;
	s25 =	sadd.s32 $0x7800, s8;
	s26 =	simm.s32 $0x2;
	s0 =	simm.s32 $0x1  }
.LBB2_1:
0x12: {  	[tilespmem:s3], [sflag:$0x2] =	stream.linear.gather [hbm4b:s5+s3], $0x2980, $0x38;
	[tilespmem:$0x10C80] =	vst v63  }
0x13: {  	_ =	swait.ge [sflag:s26], $0x2980  }
0x14: {  	[sflag:s26] =	ssyncset.done $0x0  }
0x15: {  	s1 =	simm.s32 $0x2980;
	[sflag:s26] =	ssyncadd.s32 $0xFFFFD680  }
0x16: {  	[tilespmem:s1], [sflag:$0x2] =	stream.linear.gather [hbm4b:s6+s3], $0x2980, $0x38;
	[tilespmem:$0x10C80] =	vst v63  }
0x17: {  	_ =	swait.ge [sflag:s26], $0x2980  }
0x18: {  	[sflag:s26] =	ssyncset.done $0x0  }
0x19: {  	s1 =	simm.s32 $0x5300;
	[sflag:s26] =	ssyncadd.s32 $0xFFFFD680  }
0x1a: {  	[tilespmem:s1], [sflag:$0x2] =	stream.linear.gather [hbm4b:s7+s3], $0x2980, $0x38;
	[tilespmem:$0x10C80] =	vst v63  }
0x1b: {  	_ =	swait.ge [sflag:s26], $0x2980  }
0x1c: {  	[sflag:s26] =	ssyncset.done $0x0  }
0x1d: {  	[sflag:s26] =	ssyncadd.s32 $0xFFFFD680  }
0x1e: {  	[tilespmem:$0x8480] =	vst v1  }
0x1f: {  	[tilespmem:$0x8490] =	vst v1  }
0x20: {  	[tilespmem:$0x84A0] =	vst v1  }
0x21: {  	[tilespmem:$0x84B0] =	vst v1  }
0x22: {  	[tilespmem:$0x84C0] =	vst v1  }
0x23: {  	[tilespmem:$0x84D0] =	vst v1  }
0x24: {  	[tilespmem:$0x84E0] =	vst v1  }
0x25: {  	[tilespmem:$0x84F0] =	vst v1  }
0x26: {  	[tilespmem:$0x8500] =	vst v1  }
0x27: {  	[tilespmem:$0x8510] =	vst v1  }
0x28: {  	[tilespmem:$0x8520] =	vst v1  }
0x29: {  	[tilespmem:$0x8530] =	vst v1  }
0x2a: {  	[tilespmem:$0x8540] =	vst v1  }
0x2b: {  	[tilespmem:$0x8550] =	vst v1  }
0x2c: {  	[tilespmem:$0x8560] =	vst v1  }
0x2d: {  	[tilespmem:$0x8570] =	vst v1  }
0x2e: {  	[tilespmem:$0x8580] =	vst v1  }
0x2f: {  	[tilespmem:$0x8590] =	vst v1  }
0x30: {  	[tilespmem:$0x85A0] =	vst v1  }
0x31: {  	[tilespmem:$0x85B0] =	vst v1  }
0x32: {  	[tilespmem:$0x85C0] =	vst v1  }
0x33: {  	[tilespmem:$0x85D0] =	vst v1  }
0x34: {  	[tilespmem:$0x85E0] =	vst v1  }
0x35: {  	[tilespmem:$0x85F0] =	vst v1  }
0x36: {  	[tilespmem:$0x8600] =	vst v1  }
0x37: {  	[tilespmem:$0x8610] =	vst v1  }
0x38: {  	[tilespmem:$0x8620] =	vst v1  }
0x39: {  	[tilespmem:$0x8630] =	vst v1  }
0x3a: {  	[tilespmem:$0x8640] =	vst v1  }
0x3b: {  	[tilespmem:$0x8650] =	vst v1  }
0x3c: {  	[tilespmem:$0x8660] =	vst v1  }
0x3d: {  	[tilespmem:$0x8670] =	vst v1  }
0x3e: {  	[tilespmem:$0x8680] =	vst v1  }
0x3f: {  	[tilespmem:$0x8690] =	vst v1  }
0x40: {  	[tilespmem:$0x86A0] =	vst v1  }
0x41: {  	[tilespmem:$0x86B0] =	vst v1  }
0x42: {  	[tilespmem:$0x86C0] =	vst v1  }
0x43: {  	[tilespmem:$0x86D0] =	vst v1  }
0x44: {  	[tilespmem:$0x86E0] =	vst v1  }
0x45: {  	[tilespmem:$0x86F0] =	vst v1  }
0x46: {  	[tilespmem:$0x8700] =	vst v1  }
0x47: {  	[tilespmem:$0x8710] =	vst v1  }
0x48: {  	[tilespmem:$0x8720] =	vst v1  }
0x49: {  	[tilespmem:$0x8730] =	vst v1  }
0x4a: {  	[tilespmem:$0x8740] =	vst v1  }
0x4b: {  	[tilespmem:$0x8750] =	vst v1  }
0x4c: {  	[tilespmem:$0x8760] =	vst v1  }
0x4d: {  	[tilespmem:$0x8770] =	vst v1  }
0x4e: {  	[tilespmem:$0x8780] =	vst v1  }
0x4f: {  	[tilespmem:$0x8790] =	vst v1  }
0x50: {  	[tilespmem:$0x87A0] =	vst v1  }
0x51: {  	[tilespmem:$0x87B0] =	vst v1  }
0x52: {  	[tilespmem:$0x87C0] =	vst v1  }
0x53: {  	[tilespmem:$0x87D0] =	vst v1  }
0x54: {  	[tilespmem:$0x87E0] =	vst v1  }
0x55: {  	[tilespmem:$0x87F0] =	vst v1  }
0x56: {  	[tilespmem:$0x8800] =	vst v1  }
0x57: {  	[tilespmem:$0x8810] =	vst v1  }
0x58: {  	[tilespmem:$0x8820] =	vst v1  }
0x59: {  	[tilespmem:$0x8830] =	vst v1  }
0x5a: {  	[tilespmem:$0x8840] =	vst v1  }
0x5b: {  	[tilespmem:$0x8850] =	vst v1  }
0x5c: {  	[tilespmem:$0x8860] =	vst v1  }
0x5d: {  	[tilespmem:$0x8870] =	vst v1  }
0x5e: {  	[tilespmem:$0x8880] =	vst v1  }
0x5f: {  	[tilespmem:$0x8890] =	vst v1  }
0x60: {  	[tilespmem:$0x88A0] =	vst v1  }
0x61: {  	[tilespmem:$0x88B0] =	vst v1  }
0x62: {  	[tilespmem:$0x88C0] =	vst v1  }
0x63: {  	[tilespmem:$0x88D0] =	vst v1  }
0x64: {  	[tilespmem:$0x88E0] =	vst v1  }
0x65: {  	[tilespmem:$0x88F0] =	vst v1  }
0x66: {  	[tilespmem:$0x8900] =	vst v1  }
0x67: {  	[tilespmem:$0x8910] =	vst v1  }
0x68: {  	[tilespmem:$0x8920] =	vst v1  }
0x69: {  	[tilespmem:$0x8930] =	vst v1  }
0x6a: {  	[tilespmem:$0x8940] =	vst v1  }
0x6b: {  	[tilespmem:$0x8950] =	vst v1  }
0x6c: {  	[tilespmem:$0x8960] =	vst v1  }
0x6d: {  	[tilespmem:$0x8970] =	vst v1  }
0x6e: {  	[tilespmem:$0x8980] =	vst v1  }
0x6f: {  	[tilespmem:$0x8990] =	vst v1  }
0x70: {  	[tilespmem:$0x89A0] =	vst v1  }
0x71: {  	[tilespmem:$0x89B0] =	vst v1  }
0x72: {  	[tilespmem:$0x89C0] =	vst v1  }
0x73: {  	[tilespmem:$0x89D0] =	vst v1  }
0x74: {  	[tilespmem:$0x89E0] =	vst v1  }
0x75: {  	[tilespmem:$0x89F0] =	vst v1  }
0x76: {  	[tilespmem:$0x8A00] =	vst v1  }
0x77: {  	[tilespmem:$0x8A10] =	vst v1  }
0x78: {  	[tilespmem:$0x8A20] =	vst v1  }
0x79: {  	[tilespmem:$0x8A30] =	vst v1  }
0x7a: {  	[tilespmem:$0x8A40] =	vst v1  }
0x7b: {  	[tilespmem:$0x8A50] =	vst v1  }
0x7c: {  	[tilespmem:$0x8A60] =	vst v1  }
0x7d: {  	[tilespmem:$0x8A70] =	vst v1  }
0x7e: {  	[tilespmem:$0x8A80] =	vst v1  }
0x7f: {  	[tilespmem:$0x8A90] =	vst v1  }
0x80: {  	[tilespmem:$0x8AA0] =	vst v1  }
0x81: {  	[tilespmem:$0x8AB0] =	vst v1  }
0x82: {  	[tilespmem:$0x8AC0] =	vst v1  }
0x83: {  	[tilespmem:$0x8AD0] =	vst v1  }
0x84: {  	[tilespmem:$0x8AE0] =	vst v1  }
0x85: {  	[tilespmem:$0x8AF0] =	vst v1  }
0x86: {  	[tilespmem:$0x8B00] =	vst v1  }
0x87: {  	[tilespmem:$0x8B10] =	vst v1  }
0x88: {  	[tilespmem:$0x8B20] =	vst v1  }
0x89: {  	[tilespmem:$0x8B30] =	vst v1  }
0x8a: {  	[tilespmem:$0x8B40] =	vst v1  }
0x8b: {  	[tilespmem:$0x8B50] =	vst v1  }
0x8c: {  	[tilespmem:$0x8B60] =	vst v1  }
0x8d: {  	[tilespmem:$0x8B70] =	vst v1  }
0x8e: {  	[tilespmem:$0x8B80] =	vst v1  }
0x8f: {  	[tilespmem:$0x8B90] =	vst v1  }
0x90: {  	[tilespmem:$0x8BA0] =	vst v1  }
0x91: {  	[tilespmem:$0x8BB0] =	vst v1  }
0x92: {  	[tilespmem:$0x8BC0] =	vst v1  }
0x93: {  	[tilespmem:$0x8BD0] =	vst v1  }
0x94: {  	[tilespmem:$0x8BE0] =	vst v1  }
0x95: {  	[tilespmem:$0x8BF0] =	vst v1  }
0x96: {  	[tilespmem:$0x8C00] =	vst v1  }
0x97: {  	[tilespmem:$0x8C10] =	vst v1  }
0x98: {  	[tilespmem:$0x8C20] =	vst v1  }
0x99: {  	[tilespmem:$0x8C30] =	vst v1  }
0x9a: {  	[tilespmem:$0x8C40] =	vst v1  }
0x9b: {  	[tilespmem:$0x8C50] =	vst v1  }
0x9c: {  	[tilespmem:$0x8C60] =	vst v1  }
0x9d: {  	[tilespmem:$0x8C70] =	vst v1  }
0x9e: {  	[spmem:s8] =	stream.linear.scatter [tilespmem:s30], [sflag:$0x2], $0x800, $0x38;
	[tilespmem:$0x10C80] =	vst v63  }
0x9f: {  	_ =	swait.ge [sflag:s26], $0x800  }
0xa0: {  	[sflag:s26] =	ssyncset.done $0x0  }
0xa1: {  	[sflag:s26] =	ssyncadd.s32 $0xFFFFF800  }
0xa2: {  	[spmem:s9] =	stream.linear.scatter [tilespmem:s30], [sflag:$0x2], $0x800, $0x38;
	[tilespmem:$0x10C80] =	vst v63  }
0xa3: {  	_ =	swait.ge [sflag:s26], $0x800  }
0xa4: {  	[sflag:s26] =	ssyncset.done $0x0  }
0xa5: {  	[sflag:s26] =	ssyncadd.s32 $0xFFFFF800  }
0xa6: {  	[spmem:s10] =	stream.linear.scatter [tilespmem:s30], [sflag:$0x2], $0x800, $0x38;
	[tilespmem:$0x10C80] =	vst v63  }
0xa7: {  	_ =	swait.ge [sflag:s26], $0x800  }
0xa8: {  	[sflag:s26] =	ssyncset.done $0x0  }
0xa9: {  	[sflag:s26] =	ssyncadd.s32 $0xFFFFF800  }
0xaa: {  	[spmem:s11] =	stream.linear.scatter [tilespmem:s30], [sflag:$0x2], $0x800, $0x38;
	[tilespmem:$0x10C80] =	vst v63  }
0xab: {  	_ =	swait.ge [sflag:s26], $0x800  }
0xac: {  	[sflag:s26] =	ssyncset.done $0x0  }
0xad: {  	[sflag:s26] =	ssyncadd.s32 $0xFFFFF800  }
0xae: {  	[spmem:s12] =	stream.linear.scatter [tilespmem:s30], [sflag:$0x2], $0x800, $0x38;
	[tilespmem:$0x10C80] =	vst v63  }
0xaf: {  	_ =	swait.ge [sflag:s26], $0x800  }
0xb0: {  	[sflag:s26] =	ssyncset.done $0x0  }
0xb1: {  	[sflag:s26] =	ssyncadd.s32 $0xFFFFF800  }
0xb2: {  	[spmem:s13] =	stream.linear.scatter [tilespmem:s30], [sflag:$0x2], $0x800, $0x38;
	[tilespmem:$0x10C80] =	vst v63  }
0xb3: {  	_ =	swait.ge [sflag:s26], $0x800  }
0xb4: {  	[sflag:s26] =	ssyncset.done $0x0  }
0xb5: {  	[sflag:s26] =	ssyncadd.s32 $0xFFFFF800  }
0xb6: {  	[spmem:s14] =	stream.linear.scatter [tilespmem:s30], [sflag:$0x2], $0x800, $0x38;
	[tilespmem:$0x10C80] =	vst v63  }
0xb7: {  	_ =	swait.ge [sflag:s26], $0x800  }
0xb8: {  	[sflag:s26] =	ssyncset.done $0x0  }
0xb9: {  	[sflag:s26] =	ssyncadd.s32 $0xFFFFF800  }
0xba: {  	[spmem:s15] =	stream.linear.scatter [tilespmem:s30], [sflag:$0x2], $0x800, $0x38;
	[tilespmem:$0x10C80] =	vst v63  }
0xbb: {  	_ =	swait.ge [sflag:s26], $0x800  }
0xbc: {  	[sflag:s26] =	ssyncset.done $0x0  }
0xbd: {  	[sflag:s26] =	ssyncadd.s32 $0xFFFFF800  }
0xbe: {  	[spmem:s16] =	stream.linear.scatter [tilespmem:s30], [sflag:$0x2], $0x800, $0x38;
	[tilespmem:$0x10C80] =	vst v63  }
0xbf: {  	_ =	swait.ge [sflag:s26], $0x800  }
0xc0: {  	[sflag:s26] =	ssyncset.done $0x0  }
0xc1: {  	[sflag:s26] =	ssyncadd.s32 $0xFFFFF800  }
0xc2: {  	[spmem:s17] =	stream.linear.scatter [tilespmem:s30], [sflag:$0x2], $0x800, $0x38;
	[tilespmem:$0x10C80] =	vst v63  }
0xc3: {  	_ =	swait.ge [sflag:s26], $0x800  }
0xc4: {  	[sflag:s26] =	ssyncset.done $0x0  }
0xc5: {  	[sflag:s26] =	ssyncadd.s32 $0xFFFFF800  }
0xc6: {  	[spmem:s18] =	stream.linear.scatter [tilespmem:s30], [sflag:$0x2], $0x800, $0x38;
	[tilespmem:$0x10C80] =	vst v63  }
0xc7: {  	_ =	swait.ge [sflag:s26], $0x800  }
0xc8: {  	[sflag:s26] =	ssyncset.done $0x0  }
0xc9: {  	[sflag:s26] =	ssyncadd.s32 $0xFFFFF800  }
0xca: {  	[spmem:s19] =	stream.linear.scatter [tilespmem:s30], [sflag:$0x2], $0x800, $0x38;
	[tilespmem:$0x10C80] =	vst v63  }
0xcb: {  	_ =	swait.ge [sflag:s26], $0x800  }
0xcc: {  	[sflag:s26] =	ssyncset.done $0x0  }
0xcd: {  	[sflag:s26] =	ssyncadd.s32 $0xFFFFF800  }
0xce: {  	[spmem:s20] =	stream.linear.scatter [tilespmem:s30], [sflag:$0x2], $0x800, $0x38;
	[tilespmem:$0x10C80] =	vst v63  }
0xcf: {  	_ =	swait.ge [sflag:s26], $0x800  }
0xd0: {  	[sflag:s26] =	ssyncset.done $0x0  }
0xd1: {  	[sflag:s26] =	ssyncadd.s32 $0xFFFFF800  }
0xd2: {  	[spmem:s21] =	stream.linear.scatter [tilespmem:s30], [sflag:$0x2], $0x800, $0x38;
	[tilespmem:$0x10C80] =	vst v63  }
0xd3: {  	_ =	swait.ge [sflag:s26], $0x800  }
0xd4: {  	[sflag:s26] =	ssyncset.done $0x0  }
0xd5: {  	[sflag:s26] =	ssyncadd.s32 $0xFFFFF800  }
0xd6: {  	[spmem:s23] =	stream.linear.scatter [tilespmem:s30], [sflag:$0x2], $0x800, $0x38;
	[tilespmem:$0x10C80] =	vst v63  }
0xd7: {  	_ =	swait.ge [sflag:s26], $0x800  }
0xd8: {  	[sflag:s26] =	ssyncset.done $0x0  }
0xd9: {  	[sflag:s26] =	ssyncadd.s32 $0xFFFFF800  }
0xda: {  	[spmem:s25] =	stream.linear.scatter [tilespmem:s30], [sflag:$0x2], $0x800, $0x38;
	[tilespmem:$0x10C80] =	vst v63  }
0xdb: {  	_ =	swait.ge [sflag:s26], $0x800  }
0xdc: {  	[sflag:s26] =	ssyncset.done $0x0  }
0xdd: {  	[sflag:s26] =	ssyncadd.s32 $0xFFFFF800  }
0xde: {  	s29 =	simm.s32 $0x0;
	[bflag:$0x0] =	sbarrier.arrive $0xFFFF  }
.LBB2_2:
0xdf: {  	s1 =	sshra.s32 s29, $0x2  }
0xe0: {  	v2 =	vld [tilespmem:s1+$0x2980];
	_ =	sdelay $0x4  }
0xe1: {  	v4 =	vadd.s32 v0, v2;
	_ =	sdelay $0x3  }
0xe2: {  	v3 =	vld [tilespmem:s1+$0x5300]  }
0xe3: {  	v2 =	vld [tilespmem:s1+$0x0];
	[tilespmem:s31], [sflag:$0x1] =	stream.indirect_vreg.gather [hbm4b:s4+s3], $0x80, v4, vm0, $0xb8  }
0xe4: {  	_ =	swait.ge [sflag:s0], $0x800  }
0xe5: {  	[sflag:s0] =	ssyncset.done $0x0  }
0xe6: {  	[sflag:s0] =	ssyncadd.s32 $0xFFFFF800  }
0xe7: {  	v53 =	vld [tilespmem:$0x7C80]  }
0xe8: {  	v5 =	vld [tilespmem:$0x7C90]  }
0xe9: {  	v6 =	vld [tilespmem:$0x7CA0]  }
0xea: {  	v7 =	vbroadcast v3, $0x0;
	v8 =	vld [tilespmem:$0x7CB0]  }
0xeb: {  	v9 =	vld [tilespmem:$0x7CC0]  }
0xec: {  	v10 =	vld [tilespmem:$0x7CD0];
	v4 =	vmul.f32 v53, v7  }
0xed: {  	v11 =	vld [tilespmem:$0x7CE0];
	v5 =	vmul.f32 v5, v7  }
0xee: {  	v55 =	vld [tilespmem:$0x7CF0];
	v54 =	vmul.f32 v6, v7;
	[tilespmem:$0x8480] =	vst v4  }
0xef: {  	v57 =	vld [tilespmem:$0x7D00];
	v56 =	vmul.f32 v8, v7;
	[tilespmem:$0x8490] =	vst v5  }
0xf0: {  	v59 =	vld [tilespmem:$0x7D10];
	v58 =	vmul.f32 v9, v7;
	[tilespmem:$0x84A0] =	vst v54  }
0xf1: {  	v61 =	vld [tilespmem:$0x7D20];
	v60 =	vmul.f32 v10, v7;
	[tilespmem:$0x84B0] =	vst v56  }
0xf2: {  	v63 =	vbroadcast v3, $0x1;
	v12 =	vld [tilespmem:$0x7D30];
	v62 =	vmul.f32 v11, v7;
	[tilespmem:$0x84C0] =	vst v58  }
0xf3: {  	v14 =	vld [tilespmem:$0x7D40];
	v13 =	vmul.f32 v55, v7;
	[tilespmem:$0x84D0] =	vst v60  }
0xf4: {  	v16 =	vld [tilespmem:$0x7D50];
	v15 =	vmul.f32 v57, v63;
	[tilespmem:$0x84E0] =	vst v62  }
0xf5: {  	v18 =	vld [tilespmem:$0x7D60];
	v17 =	vmul.f32 v59, v63;
	[tilespmem:$0x84F0] =	vst v13  }
0xf6: {  	v20 =	vld [tilespmem:$0x7D70];
	v19 =	vmul.f32 v61, v63;
	[tilespmem:$0x8500] =	vst v15  }
0xf7: {  	v22 =	vld [tilespmem:$0x7D80];
	v21 =	vmul.f32 v12, v63;
	[tilespmem:$0x8510] =	vst v17  }
0xf8: {  	v24 =	vld [tilespmem:$0x7D90];
	v23 =	vmul.f32 v14, v63;
	[tilespmem:$0x8520] =	vst v19  }
0xf9: {  	v26 =	vld [tilespmem:$0x7DA0];
	v25 =	vmul.f32 v16, v63;
	[tilespmem:$0x8530] =	vst v21  }
0xfa: {  	v28 =	vbroadcast v3, $0x2;
	v29 =	vld [tilespmem:$0x7DB0];
	v27 =	vmul.f32 v18, v63;
	[tilespmem:$0x8540] =	vst v23  }
0xfb: {  	v31 =	vld [tilespmem:$0x7DC0];
	v30 =	vmul.f32 v20, v63;
	[tilespmem:$0x8550] =	vst v25  }
0xfc: {  	v33 =	vld [tilespmem:$0x7DD0];
	v32 =	vmul.f32 v22, v28;
	[tilespmem:$0x8560] =	vst v27  }
0xfd: {  	v35 =	vld [tilespmem:$0x7DE0];
	v34 =	vmul.f32 v24, v28;
	[tilespmem:$0x8570] =	vst v30  }
0xfe: {  	v37 =	vld [tilespmem:$0x7DF0];
	v36 =	vmul.f32 v26, v28;
	[tilespmem:$0x8580] =	vst v32  }
0xff: {  	v39 =	vld [tilespmem:$0x7E00];
	v38 =	vmul.f32 v29, v28;
	[tilespmem:$0x8590] =	vst v34  }
0x100: {  	v41 =	vld [tilespmem:$0x7E10];
	v40 =	vmul.f32 v31, v28;
	[tilespmem:$0x85A0] =	vst v36  }
0x101: {  	v43 =	vld [tilespmem:$0x7E20];
	v42 =	vmul.f32 v33, v28;
	[tilespmem:$0x85B0] =	vst v38  }
0x102: {  	v45 =	vbroadcast v3, $0x3;
	v46 =	vld [tilespmem:$0x7E30];
	v44 =	vmul.f32 v35, v28;
	[tilespmem:$0x85C0] =	vst v40  }
0x103: {  	v48 =	vld [tilespmem:$0x7E40];
	v47 =	vmul.f32 v37, v28;
	[tilespmem:$0x85D0] =	vst v42  }
0x104: {  	v50 =	vld [tilespmem:$0x7E50];
	v49 =	vmul.f32 v39, v45;
	[tilespmem:$0x85E0] =	vst v44  }
0x105: {  	v52 =	vld [tilespmem:$0x7E60];
	v51 =	vmul.f32 v41, v45;
	[tilespmem:$0x85F0] =	vst v47  }
0x106: {  	v53 =	vmul.f32 v43, v45;
	v63 =	vld [tilespmem:$0x7EB0];
	[tilespmem:$0x8600] =	vst v49  }
0x107: {  	v55 =	vmul.f32 v46, v45;
	v14 =	vld [tilespmem:$0x7EC0];
	[tilespmem:$0x8610] =	vst v51  }
0x108: {  	v57 =	vmul.f32 v48, v45;
	v16 =	vld [tilespmem:$0x7ED0];
	[tilespmem:$0x8620] =	vst v53  }
0x109: {  	v59 =	vmul.f32 v50, v45;
	v18 =	vld [tilespmem:$0x7EE0];
	[tilespmem:$0x8630] =	vst v55;
	v62 =	vbroadcast v3, $0x4  }
0x10a: {  	v61 =	vmul.f32 v52, v45;
	v20 =	vld [tilespmem:$0x7EF0];
	[tilespmem:$0x8640] =	vst v57  }
0x10b: {  	v22 =	vld [tilespmem:$0x7F00];
	[tilespmem:$0x8650] =	vst v59;
	v21 =	vmul.f32 v63, v62  }
0x10c: {  	v24 =	vld [tilespmem:$0x7F10];
	[tilespmem:$0x8660] =	vst v61;
	v23 =	vmul.f32 v14, v62  }
0x10d: {  	v26 =	vld [tilespmem:$0x7F20];
	v25 =	vmul.f32 v16, v62;
	[tilespmem:$0x86B0] =	vst v21  }
0x10e: {  	v28 =	vbroadcast v3, $0x5;
	v29 =	vld [tilespmem:$0x7F30];
	v27 =	vmul.f32 v18, v62;
	[tilespmem:$0x86C0] =	vst v23  }
0x10f: {  	v31 =	vld [tilespmem:$0x7F40];
	v30 =	vmul.f32 v20, v62;
	[tilespmem:$0x86D0] =	vst v25  }
0x110: {  	v33 =	vld [tilespmem:$0x7F50];
	v32 =	vmul.f32 v22, v28;
	[tilespmem:$0x86E0] =	vst v27  }
0x111: {  	v35 =	vld [tilespmem:$0x7F60];
	v34 =	vmul.f32 v24, v28;
	[tilespmem:$0x86F0] =	vst v30  }
0x112: {  	v37 =	vld [tilespmem:$0x7F70];
	v36 =	vmul.f32 v26, v28;
	[tilespmem:$0x8700] =	vst v32  }
0x113: {  	v54 =	vld [tilespmem:$0x7E70];
	v38 =	vmul.f32 v29, v28;
	[tilespmem:$0x8710] =	vst v34  }
0x114: {  	v56 =	vld [tilespmem:$0x7E80];
	v40 =	vmul.f32 v31, v28;
	[tilespmem:$0x8720] =	vst v36  }
0x115: {  	v58 =	vld [tilespmem:$0x7E90];
	v42 =	vmul.f32 v33, v28;
	[tilespmem:$0x8730] =	vst v38  }
0x116: {  	v60 =	vld [tilespmem:$0x7EA0];
	v44 =	vmul.f32 v35, v28;
	[tilespmem:$0x8740] =	vst v40  }
0x117: {  	v39 =	vld [tilespmem:$0x7F80];
	v47 =	vmul.f32 v37, v28;
	[tilespmem:$0x8750] =	vst v42  }
0x118: {  	v41 =	vld [tilespmem:$0x7F90];
	v13 =	vmul.f32 v54, v45;
	[tilespmem:$0x8760] =	vst v44  }
0x119: {  	v43 =	vld [tilespmem:$0x7FA0];
	v15 =	vmul.f32 v56, v62;
	[tilespmem:$0x8770] =	vst v47  }
0x11a: {  	v46 =	vld [tilespmem:$0x7FB0];
	v17 =	vmul.f32 v58, v62;
	v45 =	vbroadcast v3, $0x6;
	[tilespmem:$0x8670] =	vst v13  }
0x11b: {  	v48 =	vld [tilespmem:$0x7FC0];
	v19 =	vmul.f32 v60, v62;
	[tilespmem:$0x8680] =	vst v15  }
0x11c: {  	v50 =	vld [tilespmem:$0x7FD0];
	[tilespmem:$0x8690] =	vst v17;
	v49 =	vmul.f32 v39, v45  }
0x11d: {  	v52 =	vld [tilespmem:$0x7FE0];
	[tilespmem:$0x86A0] =	vst v19;
	v51 =	vmul.f32 v41, v45  }
0x11e: {  	v63 =	vld [tilespmem:$0x8030];
	v53 =	vmul.f32 v43, v45;
	[tilespmem:$0x8780] =	vst v49  }
0x11f: {  	v14 =	vld [tilespmem:$0x8040];
	v55 =	vmul.f32 v46, v45;
	[tilespmem:$0x8790] =	vst v51  }
0x120: {  	v16 =	vld [tilespmem:$0x8050];
	v57 =	vmul.f32 v48, v45;
	[tilespmem:$0x87A0] =	vst v53  }
0x121: {  	v18 =	vld [tilespmem:$0x8060];
	v62 =	vbroadcast v3, $0x7;
	v59 =	vmul.f32 v50, v45;
	[tilespmem:$0x87B0] =	vst v55  }
0x122: {  	v20 =	vld [tilespmem:$0x8070];
	v61 =	vmul.f32 v52, v45;
	[tilespmem:$0x87C0] =	vst v57  }
0x123: {  	v22 =	vld [tilespmem:$0x8080];
	v21 =	vmul.f32 v63, v62;
	[tilespmem:$0x87D0] =	vst v59  }
0x124: {  	v24 =	vld [tilespmem:$0x8090];
	v23 =	vmul.f32 v14, v62;
	[tilespmem:$0x87E0] =	vst v61  }
0x125: {  	v26 =	vld [tilespmem:$0x80A0];
	v25 =	vmul.f32 v16, v62;
	[tilespmem:$0x8830] =	vst v21  }
0x126: {  	v28 =	vbroadcast v3, $0x8;
	v29 =	vld [tilespmem:$0x80B0];
	v27 =	vmul.f32 v18, v62;
	[tilespmem:$0x8840] =	vst v23  }
0x127: {  	v31 =	vld [tilespmem:$0x80C0];
	v30 =	vmul.f32 v20, v62;
	[tilespmem:$0x8850] =	vst v25  }
0x128: {  	v33 =	vld [tilespmem:$0x80D0];
	v32 =	vmul.f32 v22, v28;
	[tilespmem:$0x8860] =	vst v27  }
0x129: {  	v35 =	vld [tilespmem:$0x80E0];
	v34 =	vmul.f32 v24, v28;
	[tilespmem:$0x8870] =	vst v30  }
0x12a: {  	v37 =	vld [tilespmem:$0x80F0];
	v36 =	vmul.f32 v26, v28;
	[tilespmem:$0x8880] =	vst v32  }
0x12b: {  	v54 =	vld [tilespmem:$0x7FF0];
	v38 =	vmul.f32 v29, v28;
	[tilespmem:$0x8890] =	vst v34  }
0x12c: {  	v56 =	vld [tilespmem:$0x8000];
	v40 =	vmul.f32 v31, v28;
	[tilespmem:$0x88A0] =	vst v36  }
0x12d: {  	v58 =	vld [tilespmem:$0x8010];
	v42 =	vmul.f32 v33, v28;
	[tilespmem:$0x88B0] =	vst v38  }
0x12e: {  	v60 =	vld [tilespmem:$0x8020];
	v44 =	vmul.f32 v35, v28;
	[tilespmem:$0x88C0] =	vst v40  }
0x12f: {  	v39 =	vld [tilespmem:$0x8100];
	v47 =	vmul.f32 v37, v28;
	[tilespmem:$0x88D0] =	vst v42  }
0x130: {  	v41 =	vld [tilespmem:$0x8110];
	v13 =	vmul.f32 v54, v45;
	[tilespmem:$0x88E0] =	vst v44  }
0x131: {  	v43 =	vld [tilespmem:$0x8120];
	v15 =	vmul.f32 v56, v62;
	[tilespmem:$0x88F0] =	vst v47  }
0x132: {  	v46 =	vld [tilespmem:$0x8130];
	v17 =	vmul.f32 v58, v62;
	v45 =	vbroadcast v3, $0x9;
	[tilespmem:$0x87F0] =	vst v13  }
0x133: {  	v48 =	vld [tilespmem:$0x8140];
	v19 =	vmul.f32 v60, v62;
	[tilespmem:$0x8800] =	vst v15  }
0x134: {  	v50 =	vld [tilespmem:$0x8150];
	[tilespmem:$0x8810] =	vst v17;
	v49 =	vmul.f32 v39, v45  }
0x135: {  	v52 =	vld [tilespmem:$0x8160];
	[tilespmem:$0x8820] =	vst v19;
	v51 =	vmul.f32 v41, v45  }
0x136: {  	v63 =	vld [tilespmem:$0x81B0];
	v53 =	vmul.f32 v43, v45;
	[tilespmem:$0x8900] =	vst v49  }
0x137: {  	v29 =	vld [tilespmem:$0x8220];
	v55 =	vmul.f32 v46, v45;
	[tilespmem:$0x8910] =	vst v51  }
0x138: {  	v54 =	vld [tilespmem:$0x8170];
	v57 =	vmul.f32 v48, v45;
	[tilespmem:$0x8920] =	vst v53  }
0x139: {  	v56 =	vld [tilespmem:$0x8180];
	v62 =	vbroadcast v3, $0xA;
	v59 =	vmul.f32 v50, v45;
	[tilespmem:$0x8930] =	vst v55  }
0x13a: {  	v31 =	vbroadcast v3, $0xB;
	v58 =	vld [tilespmem:$0x8190];
	v61 =	vmul.f32 v52, v45;
	[tilespmem:$0x8940] =	vst v57  }
0x13b: {  	v60 =	vld [tilespmem:$0x81A0];
	v24 =	vmul.f32 v63, v62;
	[tilespmem:$0x8950] =	vst v59  }
0x13c: {  	v21 =	vld [tilespmem:$0x81E0];
	v39 =	vmul.f32 v29, v31;
	[tilespmem:$0x8960] =	vst v61  }
0x13d: {  	v23 =	vld [tilespmem:$0x81F0];
	v16 =	vmul.f32 v54, v45;
	[tilespmem:$0x89B0] =	vst v24  }
0x13e: {  	v25 =	vld [tilespmem:$0x8200];
	v18 =	vmul.f32 v56, v62;
	[tilespmem:$0x8A20] =	vst v39  }
0x13f: {  	v27 =	vld [tilespmem:$0x8210];
	v20 =	vmul.f32 v58, v62;
	[tilespmem:$0x8970] =	vst v16  }
0x140: {  	v32 =	vld [tilespmem:$0x8230];
	v22 =	vmul.f32 v60, v62;
	[tilespmem:$0x8980] =	vst v18  }
0x141: {  	v34 =	vld [tilespmem:$0x8240];
	v30 =	vmul.f32 v21, v62;
	[tilespmem:$0x8990] =	vst v20  }
0x142: {  	v36 =	vld [tilespmem:$0x8250];
	v33 =	vmul.f32 v23, v62;
	[tilespmem:$0x89A0] =	vst v22  }
0x143: {  	v38 =	vld [tilespmem:$0x8260];
	v35 =	vmul.f32 v25, v31;
	[tilespmem:$0x89E0] =	vst v30  }
0x144: {  	v40 =	vld [tilespmem:$0x8270];
	v37 =	vmul.f32 v27, v31;
	[tilespmem:$0x89F0] =	vst v33  }
0x145: {  	v42 =	vld [tilespmem:$0x8280];
	v41 =	vmul.f32 v32, v31;
	[tilespmem:$0x8A00] =	vst v35  }
0x146: {  	v44 =	vld [tilespmem:$0x8290];
	v43 =	vmul.f32 v34, v31;
	[tilespmem:$0x8A10] =	vst v37  }
0x147: {  	v17 =	vld [tilespmem:$0x81C0];
	v45 =	vmul.f32 v36, v31;
	[tilespmem:$0x8A30] =	vst v41  }
0x148: {  	v19 =	vld [tilespmem:$0x81D0];
	v48 =	vbroadcast v3, $0xC;
	v47 =	vmul.f32 v38, v31;
	[tilespmem:$0x8A40] =	vst v43  }
0x149: {  	v46 =	vld [tilespmem:$0x82A0];
	v50 =	vmul.f32 v40, v31;
	[tilespmem:$0x8A50] =	vst v45  }
0x14a: {  	v49 =	vld [tilespmem:$0x82B0];
	v52 =	vmul.f32 v42, v48;
	[tilespmem:$0x8A60] =	vst v47  }
0x14b: {  	v51 =	vld [tilespmem:$0x82C0];
	v54 =	vmul.f32 v44, v48;
	[tilespmem:$0x8A70] =	vst v50  }
0x14c: {  	v53 =	vld [tilespmem:$0x82D0];
	v26 =	vmul.f32 v17, v62;
	[tilespmem:$0x8A80] =	vst v52  }
0x14d: {  	v55 =	vld [tilespmem:$0x82E0];
	v28 =	vmul.f32 v19, v62;
	[tilespmem:$0x8A90] =	vst v54  }
0x14e: {  	v57 =	vld [tilespmem:$0x82F0];
	v56 =	vmul.f32 v46, v48;
	[tilespmem:$0x89C0] =	vst v26  }
0x14f: {  	v59 =	vld [tilespmem:$0x8300];
	[tilespmem:$0x89D0] =	vst v28;
	v58 =	vmul.f32 v49, v48  }
0x150: {  	v61 =	vld [tilespmem:$0x8310];
	[tilespmem:$0x8AA0] =	vst v56;
	v60 =	vmul.f32 v51, v48  }
0x151: {  	v63 =	vld [tilespmem:$0x8320];
	v62 =	vmul.f32 v53, v48;
	[tilespmem:$0x8AB0] =	vst v58  }
0x152: {  	v24 =	vld [tilespmem:$0x8360];
	v17 =	vbroadcast v3, $0xD;
	v16 =	vmul.f32 v55, v48;
	[tilespmem:$0x8AC0] =	vst v60  }
0x153: {  	v32 =	vld [tilespmem:$0x83A0];
	v19 =	vmul.f32 v57, v48;
	[tilespmem:$0x8AD0] =	vst v62  }
0x154: {  	v39 =	vld [tilespmem:$0x83D0];
	v21 =	vmul.f32 v59, v17;
	[tilespmem:$0x8AE0] =	vst v16  }
0x155: {  	v18 =	vld [tilespmem:$0x8330];
	v23 =	vmul.f32 v61, v17;
	[tilespmem:$0x8AF0] =	vst v19  }
0x156: {  	v34 =	vbroadcast v3, $0xE;
	v20 =	vld [tilespmem:$0x8340];
	v25 =	vmul.f32 v63, v17;
	[tilespmem:$0x8B00] =	vst v21  }
0x157: {  	v22 =	vld [tilespmem:$0x8350];
	v33 =	vmul.f32 v24, v17;
	[tilespmem:$0x8B10] =	vst v23  }
0x158: {  	v30 =	vld [tilespmem:$0x8390];
	v42 =	vmul.f32 v32, v34;
	[tilespmem:$0x8B20] =	vst v25  }
0x159: {  	v35 =	vld [tilespmem:$0x83B0];
	v48 =	vmul.f32 v39, v34;
	[tilespmem:$0x8B60] =	vst v33  }
0x15a: {  	v37 =	vld [tilespmem:$0x83C0];
	v27 =	vmul.f32 v18, v17;
	[tilespmem:$0x8BA0] =	vst v42  }
0x15b: {  	v41 =	vld [tilespmem:$0x83E0];
	v29 =	vmul.f32 v20, v17;
	[tilespmem:$0x8BD0] =	vst v48  }
0x15c: {  	v43 =	vld [tilespmem:$0x83F0];
	v31 =	vmul.f32 v22, v17;
	[tilespmem:$0x8B30] =	vst v27  }
0x15d: {  	v45 =	vld [tilespmem:$0x8400];
	v40 =	vmul.f32 v30, v34;
	[tilespmem:$0x8B40] =	vst v29  }
0x15e: {  	v47 =	vld [tilespmem:$0x8410];
	v44 =	vmul.f32 v35, v34;
	[tilespmem:$0x8B50] =	vst v31  }
0x15f: {  	v26 =	vld [tilespmem:$0x8370];
	v46 =	vmul.f32 v37, v34;
	[tilespmem:$0x8B90] =	vst v40  }
0x160: {  	v3 =	vbroadcast v3, $0xF;
	v28 =	vld [tilespmem:$0x8380];
	v50 =	vmul.f32 v41, v34;
	[tilespmem:$0x8BB0] =	vst v44  }
0x161: {  	v49 =	vld [tilespmem:$0x8420];
	v52 =	vmul.f32 v43, v34;
	[tilespmem:$0x8BC0] =	vst v46  }
0x162: {  	v51 =	vld [tilespmem:$0x8430];
	v54 =	vmul.f32 v45, v3;
	[tilespmem:$0x8BE0] =	vst v50  }
0x163: {  	v53 =	vld [tilespmem:$0x8440];
	v56 =	vmul.f32 v47, v3;
	[tilespmem:$0x8BF0] =	vst v52  }
0x164: {  	v55 =	vld [tilespmem:$0x8450];
	v36 =	vmul.f32 v26, v17;
	[tilespmem:$0x8C00] =	vst v54  }
0x165: {  	v57 =	vld [tilespmem:$0x8460];
	v38 =	vmul.f32 v28, v34;
	[tilespmem:$0x8C10] =	vst v56  }
0x166: {  	v59 =	vld [tilespmem:$0x8470];
	v58 =	vmul.f32 v49, v3;
	[tilespmem:$0x8B70] =	vst v36  }
0x167: {  	v60 =	vmul.f32 v51, v3;
	[tilespmem:$0x8B80] =	vst v38  }
0x168: {  	v61 =	vmul.f32 v53, v3;
	[tilespmem:$0x8C20] =	vst v58  }
0x169: {  	v62 =	vmul.f32 v55, v3;
	[tilespmem:$0x8C30] =	vst v60  }
0x16a: {  	v63 =	vmul.f32 v57, v3;
	[tilespmem:$0x8C40] =	vst v61  }
0x16b: {  	v3 =	vmul.f32 v59, v3;
	[tilespmem:$0x8C50] =	vst v62  }
0x16c: {  	p0 =	sne.s32 s29, $0xA5C0;
	[tilespmem:$0x8C60] =	vst v63  }
.Ltmp0:
0x16d: {  	[tilespmem:$0x8C70] =	vst v3;
	(pc) =	sbr.rel @p0 .LBB2_2-.Ltmp0, $4  }
0x16e: {  	[spmem:s2] =	stream.indirect_vreg.scatter.add.f32 [tilespmem:s30], [sflag:$0x2], $0x80, v2, vm0, $0xb8;
	[tilespmem:$0x10C80] =	vst v63  }
0x16f: {  	_ =	swait.ge [sflag:s26], $0x800  }
0x170: {  	[sflag:s26] =	ssyncset.done $0x0  }
0x171: {  	s29 =	sadd.s32 $0x40, s29;
	[sflag:s26] =	ssyncadd.s32 $0xFFFFF800  }
0x172: {  	s1 =	stileid.u32;
	s28 =	sadd.s32 $0x1, s28  }
0x173: {  	[bflag:$0x0] =	sbarrier.arrive $0xFFFF;
	s1 =	sshll.u32 s1, $0x6;
	p0 =	sne.s32 s28, s24  }
.Ltmp1:
0x174: {  	s29 =	sshrl.u32 s8, $0x3;
	s1 =	sor.u32 $0x1C02, s1;
	(pc) =	sbr.rel @p0 .LBB2_1-.Ltmp1, $4  }
0x175: {  	[hbm:s22], [sflag:s1] =	dma.local [spmem:s29], $0x1000  }
0x176: {  	_ =	swait.ge [sflag:s26], $0x1000  }
0x177: {  	[sflag:s26] =	ssyncset.done $0x0  }
0x178: {  	[sflag:s26] =	ssyncadd.s32 $0xFFFFF000  }
0x179: {  	_ =	sfence.sel $0x180000  }
0x17a: {  	[bflag:$0x0] =	sbarrier.arrive $0xFFFF  }
0x17b: {  	_ =	strace $0x90000047  }
0x17c: {  	s0 =	stileid.u32;
	[bflag:$0x2] =	sbarrier.arrive $0xFFFF  }
0x17d: {  	p0 =	sne.s32 s0, $0x0;
	s0 =	rddreg [dreg:$0x3]  }
0x17e: {  	s0 =	sadd.s32 @!p0 $0x100000, s0  }
0x17f: {  	[sflag:s0] =	ssyncadd.tile.s32 @!p0 $0x1;
	_ =	shalt  }
.Lfunc_end2:
_tile_overlayer_lowered:
.L_overlay_start_2:
0x180: {  	(tag) =	ssettag $0x2  }
0x181: {  	s0 =	rddreg [dreg:$0x0];
	s2 =	stileid.u32  }
0x182: {  	s1 =	rddreg [dreg:$0x1];
	p0 =	sne.s32 s2, $0x0  }
0x183: {  	s3 =	rddreg [dreg:$0x2];
	[bflag:$0x3] =	sbarrier.arrive $0xFFFF;
	s2 =	simm.s32 @!p0 $0x1C02  }
0x184: {  	[timem:s3], [sflag:s2] =	dma.local @!p0 [hbm:s0], s1  }
0x185: {  	s0 =	simm.s32 @!p0 $0x2  }
0x186: {  	_ =	swait.ge @!p0 [sflag:s0], s1  }
0x187: {  	s1 =	ssub.s32 @!p0 $0x0, s1;
	[sflag:s0] =	ssyncset.done @!p0 $0x0  }
0x188: {  	[sflag:s0] =	ssyncadd.s32 @!p0 s1  }
0x189: {  	[bflag:$0x3] =	sbarrier.arrive $0xFFFF  }
0x18a: {  	_ =	shalt  }

</sc_bundles>
